<compile_context>
chip_gen: v7x
topology: tpu7x:2x2x1
jax: 0.10.2.dev20260603
libtpu: 0.0.44.dev20260713+nightly
codegen_flags: <defaults>
</compile_context>

<pallas_src>
import jax
import jax.numpy as jnp
from jax import lax
from jax.experimental import pallas as pl
from jax.experimental.pallas import tpu as pltpu
from jax.experimental.pallas import tpu_sc as plsc

_LOSS_WEIGHT = 0.01
_SPLIT = 16
_NC, _NS, _LANES = 2, 16, 16
_CH = 256
_UNROLL = 4
_NEG = -3.0e38

_DNUMS = lax.GatherDimensionNumbers(offset_dims=(), collapsed_slice_dims=(0,),
                                    start_index_map=(0,))



def _tc_body(x_ref, out_ref, cnt_ref, sw_ref):
    c = pl.program_id(1)
    nc = pl.num_programs(1)

    @pl.when(c == 0)
    def _():
        cnt_ref[...] = jnp.zeros_like(cnt_ref)
        sw_ref[...] = jnp.zeros_like(sw_ref)

    x = x_ref[0]
    m = jnp.max(x, axis=-1, keepdims=True)
    ex = jnp.exp(x - m)
    s = jnp.sum(ex, axis=-1, keepdims=True)
    p = ex * (1.0 / s)
    sw_ref[...] += jnp.sum(p, axis=0, keepdims=True)
    x2 = jnp.where(x == m, -jnp.inf, x)
    m2 = jnp.max(x2, axis=-1, keepdims=True)
    ind = (x >= m2).astype(jnp.float32)
    cnt_ref[...] += jnp.sum(ind, axis=0, keepdims=True)

    @pl.when(c == nc - 1)
    def _():
        out_ref[...] += jnp.sum(cnt_ref[...] * sw_ref[...]).reshape(1, 1)

    @pl.when(jnp.logical_and(pl.program_id(0) == 0, c == 0))
    def _():
        out_ref[...] = jnp.zeros_like(out_ref)


def _tc_partial(x, nl):
    L, T, E = x.shape
    TBLK = 8192
    raw = pl.pallas_call(
        _tc_body,
        grid=(nl, T // TBLK),
        in_specs=[pl.BlockSpec((1, TBLK, E), lambda l, c: (l, c, 0))],
        out_specs=pl.BlockSpec((1, 1), lambda l, c: (0, 0)),
        out_shape=jax.ShapeDtypeStruct((1, 1), jnp.float32),
        scratch_shapes=[pltpu.VMEM((1, E), jnp.float32),
                        pltpu.VMEM((1, E), jnp.float32)],
    )(x)
    return raw[0, 0]



def _shuf(v, idx):
    return lax.gather(v, idx[:, None], _DNUMS, slice_sizes=(1,),
                      mode=lax.GatherScatterMode.PROMISE_IN_BOUNDS)


def _bfly(v, op, perms):
    for p in perms:
        v = op(v, _shuf(v, p))
    return v


def _token_update(buf_ref, t, cy, perms):
    c0, c1, c2, c3, s0, s1, s2, s3 = cy
    v0 = buf_ref[t, 0:16]
    v1 = buf_ref[t, 16:32]
    v2 = buf_ref[t, 32:48]
    v3 = buf_ref[t, 48:64]
    m4 = jnp.maximum(jnp.maximum(v0, v1), jnp.maximum(v2, v3))
    mmax = _bfly(m4, jnp.maximum, perms)
    w0 = jnp.where(v0 == mmax, _NEG, v0)
    w1 = jnp.where(v1 == mmax, _NEG, v1)
    w2 = jnp.where(v2 == mmax, _NEG, v2)
    w3 = jnp.where(v3 == mmax, _NEG, v3)
    u4 = jnp.maximum(jnp.maximum(w0, w1), jnp.maximum(w2, w3))
    m2 = _bfly(u4, jnp.maximum, perms)
    e0, e1, e2, e3 = jnp.exp(v0), jnp.exp(v1), jnp.exp(v2), jnp.exp(v3)
    ssum = _bfly((e0 + e1) + (e2 + e3), jnp.add, perms)
    r = 1.0 / ssum
    one, zero = jnp.float32(1.0), jnp.float32(0.0)
    c0 = c0 + jnp.where(v0 >= m2, one, zero)
    c1 = c1 + jnp.where(v1 >= m2, one, zero)
    c2 = c2 + jnp.where(v2 >= m2, one, zero)
    c3 = c3 + jnp.where(v3 >= m2, one, zero)
    s0 = s0 + e0 * r
    s1 = s1 + e1 * r
    s2 = s2 + e2 * r
    s3 = s3 + e3 * r
    return (c0, c1, c2, c3, s0, s1, s2, s3)


def _chunk_compute(buf_ref, cy, perms):
    def body(i, cy):
        for u in range(_UNROLL):
            cy = _token_update(buf_ref, i * _UNROLL + u, cy, perms)
        return cy
    return lax.fori_loop(0, _CH // _UNROLL, body, cy)


def _sc_body(x_hbm, out_hbm, buf_ref, acc_ref, sem0, sem1):
    T = x_hbm.shape[1]
    nl = x_hbm.shape[0] - _SPLIT
    per_sub = T * nl // (_NC * _NS)
    nchunk = per_sub // _CH
    wid = lax.axis_index("s") * _NC + lax.axis_index("c")
    subs_per_layer = _NC * _NS // nl
    layer = _SPLIT + wid // subs_per_layer
    tok0 = (wid % subs_per_layer) * per_sub
    iota = lax.iota(jnp.int32, _LANES)
    perms = tuple(iota ^ s for s in (8, 4, 2, 1))

    pltpu.async_copy(x_hbm.at[layer, pl.ds(tok0, _CH), :], buf_ref.at[0], sem0)

    zeros = jnp.zeros((_LANES,), jnp.float32)
    cy0 = (zeros,) * 8

    def outer(j, cy):
        ca = j * 2
        pltpu.async_copy(x_hbm.at[layer, pl.ds(tok0 + (ca + 1) * _CH, _CH), :],
                         buf_ref.at[1], sem1)
        pltpu.make_async_copy(x_hbm.at[layer, pl.ds(tok0, _CH), :],
                              buf_ref.at[0], sem0).wait()
        cy = _chunk_compute(buf_ref.at[0], cy, perms)
        nxt = jnp.minimum(ca + 2, nchunk - 1)
        pltpu.async_copy(x_hbm.at[layer, pl.ds(tok0 + nxt * _CH, _CH), :],
                         buf_ref.at[0], sem0)
        pltpu.make_async_copy(x_hbm.at[layer, pl.ds(tok0, _CH), :],
                              buf_ref.at[1], sem1).wait()
        cy = _chunk_compute(buf_ref.at[1], cy, perms)
        return cy

    cy = lax.fori_loop(0, nchunk // 2, outer, cy0)
    pltpu.make_async_copy(x_hbm.at[layer, pl.ds(tok0, _CH), :],
                          buf_ref.at[0], sem0).wait()

    for i in range(4):
        acc_ref[i] = cy[i]
        acc_ref[4 + i] = cy[4 + i]
    pltpu.sync_copy(acc_ref, out_hbm.at[wid])


def _sc_partial(x):
    L, T, E = x.shape
    nl = L - _SPLIT
    nsub = _NC * _NS
    mesh = plsc.VectorSubcoreMesh(core_axis_name="c", subcore_axis_name="s",
                                  num_cores=_NC, num_subcores=_NS)
    raw = pl.kernel(
        _sc_body,
        out_type=jax.ShapeDtypeStruct((nsub, 8, _LANES), jnp.float32),
        mesh=mesh,
        scratch_types=[
            pltpu.VMEM((2, _CH, E), jnp.float32),
            pltpu.VMEM((8, _LANES), jnp.float32),
            pltpu.SemaphoreType.DMA,
            pltpu.SemaphoreType.DMA,
        ],
    )(x)
    subs_per_layer = nsub // nl
    per = raw.reshape(nl, subs_per_layer, 8, _LANES).sum(axis=1)
    cnt = per[:, 0:4, :].reshape(nl, E)
    sw = per[:, 4:8, :].reshape(nl, E)
    return jnp.sum(cnt * sw)


def kernel(router_logits, n_routed_experts, num_experts_per_tok):
    L, T, E = router_logits.shape
    part_tc = _tc_partial(router_logits, _SPLIT)
    part_sc = _sc_partial(router_logits)
    scale = n_routed_experts / (T * num_experts_per_tok)
    loss = (part_tc + part_sc) * scale * (_LOSS_WEIGHT / T)
    return loss.astype(jnp.float32)

# --- scband reference (transcript-rebuilt; emitter-appended) ---
"""Pipeline reference for scband-balancing-loss-87883620811481 (READ-ONLY COPY).

The authoritative reference and input builder live on the scoring server;
editing this copy changes nothing except your own understanding.
"""

import jax, jax.numpy as jnp
import numpy as np

LOSS_WEIGHT = 0.01
NUM_EXPERTS_PER_TOK_STATIC = 2

def setup_inputs(seed: int = 0) -> dict:
    key = jax.random.key(seed)
    router_logits = jax.random.normal(key, (32, 16384, 64), dtype=jnp.float32)
    return {"router_logits": router_logits, "n_routed_experts": 64, "num_experts_per_tok": 2}

def reference(router_logits, n_routed_experts, num_experts_per_tok):
    num_layers = router_logits.shape[0]
    n_routed_experts_static = router_logits.shape[-1]
    rl = router_logits.astype(jnp.float32)
    # loss_type == 'softmax'
    routing_weights = jax.nn.softmax(rl, axis=-1)
    _, selected_experts = jax.lax.top_k(routing_weights, NUM_EXPERTS_PER_TOK_STATIC)
    selected_experts_flat = selected_experts.reshape(num_layers, -1)
    offset = jnp.arange(num_layers)[:, None] * n_routed_experts
    selected_experts_offset = (selected_experts_flat + offset).reshape(-1)
    tokens_per_expert_flat = jnp.bincount(selected_experts_offset, length=num_layers * n_routed_experts_static)
    tokens_per_expert = tokens_per_expert_flat.reshape(num_layers, n_routed_experts_static)
    tokens_per_expert_global = tokens_per_expert.astype(routing_weights.dtype)
    # non-distributed branch (global_average=False / dist not initialized)
    scale_global = n_routed_experts / (rl.shape[1] * num_experts_per_tok)
    routing_weights_mean_global = routing_weights.mean(axis=1)
    loss = (scale_global * (tokens_per_expert_global * routing_weights_mean_global).sum(-1)).sum()
    return loss * LOSS_WEIGHT

if __name__ == "__main__":
    import jax
    _d = setup_inputs()
    print(jax.jit(kernel)(*tuple(_d.values())))

</pallas_src>

<mosaic_0001>
#map = affine_map<(d0, d1) -> (0, 0, 0)>
module attributes {stable_mosaic.version = 14 : i64} {
  func.func @_sc_body(%arg0: i32, %arg1: i32, %arg2: memref<32x16384x64xf32, #tpu.memory_space<hbm>>, %arg3: memref<32x8x16xf32, #tpu.memory_space<hbm>>, %arg4: memref<2x256x64xf32, #tpu.memory_space<vmem>>, %arg5: memref<8x16xf32, #tpu.memory_space<vmem>>, %arg6: memref<!tpu.dma_semaphore, #tpu.memory_space<semaphore_mem>>, %arg7: memref<!tpu.dma_semaphore, #tpu.memory_space<semaphore_mem>>) attributes {dimension_semantics = [#tpu.dimension_semantics<core_parallel>, #tpu.dimension_semantics<subcore_parallel>], iteration_bounds = array<i64: 2, 16>, scalar_prefetch = 0 : i64, scratch_operands = 4 : i64, tpu.core_type = #tpu.core_type<sc_vector_subcore>, window_params = [{transform_indices = #map}, {transform_indices = #map}]} {
    %mul3A = arith.constant 2 : i32
    %mul3A_0 = arith.muli %arg1, %mul3A : i32
    %add3A = arith.addi %mul3A_0, %arg0 : i32
    %jit3A = arith.constant 2 : i32
    %div3A = arith.divsi %add3A, %jit3A : i32
    %sign3A = arith.constant 0 : i32
    %sign3A_1 = arith.cmpi sgt, %add3A, %sign3A : i32
    %sign3A_2 = arith.extui %sign3A_1 : i1 to i32
    %sign3A_3 = arith.constant 0 : i32
    %sign3A_4 = arith.cmpi slt, %add3A, %sign3A_3 : i32
    %sign3A_5 = arith.extui %sign3A_4 : i1 to i32
    %sign3A_6 = arith.subi %sign3A_2, %sign3A_5 : i32
    %sign3A_7 = arith.constant 0 : i32
    %sign3A_8 = arith.cmpi sgt, %jit3A, %sign3A_7 : i32
    %sign3A_9 = arith.extui %sign3A_8 : i1 to i32
    %sign3A_10 = arith.constant 0 : i32
    %sign3A_11 = arith.cmpi slt, %jit3A, %sign3A_10 : i32
    %sign3A_12 = arith.extui %sign3A_11 : i1 to i32
    %sign3A_13 = arith.subi %sign3A_9, %sign3A_12 : i32
    %ne3A = arith.cmpi ne, %sign3A_6, %sign3A_13 : i32
    %rem3A = arith.remsi %add3A, %jit3A : i32
    %ne3A_14 = arith.constant 0 : i32
    %ne3A_15 = arith.cmpi ne, %rem3A, %ne3A_14 : i32
    %and3A = arith.andi %ne3A, %ne3A_15 : i1
    %sub3A = arith.constant 1 : i32
    %sub3A_16 = arith.subi %div3A, %sub3A : i32
    %select_n3A = arith.select %and3A, %sub3A_16, %div3A : i32
    %add3A_17 = arith.constant 16 : i32
    %add3A_18 = arith.addi %add3A_17, %select_n3A : i32
    %jit3A_19 = arith.constant 2 : i32
    %eq3A = arith.constant 0 : i32
    %eq3A_20 = arith.cmpi eq, %jit3A_19, %eq3A : i32
    %jit3A_21 = arith.constant 1 : i32
    %select_n3A_22 = arith.select %eq3A_20, %jit3A_21, %jit3A_19 : i32
    %rem3A_23 = arith.remsi %add3A, %select_n3A_22 : i32
    %ne3A_24 = arith.constant 0 : i32
    %ne3A_25 = arith.cmpi ne, %rem3A_23, %ne3A_24 : i32
    %lt3A = arith.constant 0 : i32
    %lt3A_26 = arith.cmpi slt, %rem3A_23, %lt3A : i32
    %lt3A_27 = arith.constant 0 : i32
    %lt3A_28 = arith.cmpi slt, %select_n3A_22, %lt3A_27 : i32
    %ne3A_29 = arith.xori %lt3A_26, %lt3A_28 : i1
    %and3A_30 = arith.andi %ne3A_29, %ne3A_25 : i1
    %add3A_31 = arith.addi %rem3A_23, %select_n3A_22 : i32
    %select_n3A_32 = arith.select %and3A_30, %add3A_31, %rem3A_23 : i32
    %mul3A_33 = arith.constant 8192 : i32
    %mul3A_34 = arith.muli %select_n3A_32, %mul3A_33 : i32
    %iota3A = tpu.iota {dimensions = array<i32: 0>} : vector<16xi32>
    %xor3A = arith.constant 8 : i32
    %xor3A_35 = vector.broadcast %xor3A : i32 to vector<16xi32>
    %xor3A_36 = arith.xori %iota3A, %xor3A_35 : vector<16xi32>
    %xor3A_37 = arith.constant 4 : i32
    %xor3A_38 = vector.broadcast %xor3A_37 : i32 to vector<16xi32>
    %xor3A_39 = arith.xori %iota3A, %xor3A_38 : vector<16xi32>
    %xor3A_40 = arith.constant 2 : i32
    %xor3A_41 = vector.broadcast %xor3A_40 : i32 to vector<16xi32>
    %xor3A_42 = arith.xori %iota3A, %xor3A_41 : vector<16xi32>
    %xor3A_43 = arith.constant 1 : i32
    %xor3A_44 = vector.broadcast %xor3A_43 : i32 to vector<16xi32>
    %xor3A_45 = arith.xori %iota3A, %xor3A_44 : vector<16xi32>
    %dma_start3A = arith.constant 0 : i32
    %dma_start3A_46 = arith.constant 0 : i32
    %dma_start3A_47 = arith.constant 0 : i32
    %dma_start3A_48 = tpu.memref_slice %arg4[%dma_start3A, %dma_start3A_46, %dma_start3A_47] : memref<2x256x64xf32, #tpu.memory_space<vmem>> -> memref<1x256x64xf32, #tpu.memory_space<vmem>>
    %dma_start3A_49 = tpu.memref_squeeze %dma_start3A_48 : memref<1x256x64xf32, #tpu.memory_space<vmem>> -> memref<256x64xf32, #tpu.memory_space<vmem>>
    %dma_start3A_50 = arith.constant 0 : i32
    %dma_start3A_51 = tpu.memref_slice %arg2[%add3A_18, %mul3A_34, %dma_start3A_50] : memref<32x16384x64xf32, #tpu.memory_space<hbm>> -> memref<1x256x64xf32, #tpu.memory_space<hbm>>
    %dma_start3A_52 = tpu.memref_squeeze %dma_start3A_51 : memref<1x256x64xf32, #tpu.memory_space<hbm>> -> memref<256x64xf32, #tpu.memory_space<hbm>>
    %dma_start3A_53 = arith.constant 0 : i32
    %dma_start3A_54 = arith.constant 0 : i32
    %dma_start3A_55 = tpu.memref_slice %arg4[%dma_start3A, %dma_start3A_53, %dma_start3A_54] : memref<2x256x64xf32, #tpu.memory_space<vmem>> -> memref<1x256x64xf32, #tpu.memory_space<vmem>>
    %dma_start3A_56 = tpu.memref_squeeze %dma_start3A_55 : memref<1x256x64xf32, #tpu.memory_space<vmem>> -> memref<256x64xf32, #tpu.memory_space<vmem>>
    %dma_start3A_57 = arith.constant 0 : i32
    %dma_start3A_58 = tpu.memref_slice %arg2[%add3A_18, %mul3A_34, %dma_start3A_57] : memref<32x16384x64xf32, #tpu.memory_space<hbm>> -> memref<1x256x64xf32, #tpu.memory_space<hbm>>
    %dma_start3A_59 = tpu.memref_squeeze %dma_start3A_58 : memref<1x256x64xf32, #tpu.memory_space<hbm>> -> memref<256x64xf32, #tpu.memory_space<hbm>>
    tpu.enqueue_dma source(%dma_start3A_59 : memref<256x64xf32, #tpu.memory_space<hbm>>) target(%dma_start3A_56 : memref<256x64xf32, #tpu.memory_space<vmem>>) target_semaphore(%arg6 : memref<!tpu.dma_semaphore, #tpu.memory_space<semaphore_mem>>)
    %broadcast_in_dim3A = arith.constant 0.000000e+00 : f32
    %broadcast_in_dim3A_60 = vector.broadcast %broadcast_in_dim3A : f32 to vector<16xf32>
    %scan3A = arith.constant 0 : i32
    %scan3A_61 = arith.constant 16 : i32
    %scan3A_62 = arith.addi %scan3A, %scan3A_61 : i32
    %scan3A_63 = arith.constant 1 : i32
    %scan3A_64:8 = scf.for %scan3A_127 = %scan3A to %scan3A_62 step %scan3A_63 iter_args(%scan3A_128 = %broadcast_in_dim3A_60, %scan3A_129 = %broadcast_in_dim3A_60, %scan3A_130 = %broadcast_in_dim3A_60, %scan3A_131 = %broadcast_in_dim3A_60, %scan3A_132 = %broadcast_in_dim3A_60, %scan3A_133 = %broadcast_in_dim3A_60, %scan3A_134 = %broadcast_in_dim3A_60, %scan3A_135 = %broadcast_in_dim3A_60) -> (vector<16xf32>, vector<16xf32>, vector<16xf32>, vector<16xf32>, vector<16xf32>, vector<16xf32>, vector<16xf32>, vector<16xf32>)  : i32 {
      %mul3A_136 = arith.constant 2 : i32
      %mul3A_137 = arith.muli %scan3A_127, %mul3A_136 : i32
      %add3A_138 = arith.constant 1 : i32
      %add3A_139 = arith.addi %mul3A_137, %add3A_138 : i32
      %mul3A_140 = arith.constant 256 : i32
      %mul3A_141 = arith.muli %add3A_139, %mul3A_140 : i32
      %add3A_142 = arith.addi %mul3A_34, %mul3A_141 : i32
      %dma_start3A_143 = arith.constant 1 : i32
      %dma_start3A_144 = arith.constant 0 : i32
      %dma_start3A_145 = arith.constant 0 : i32
      %dma_start3A_146 = tpu.memref_slice %arg4[%dma_start3A_143, %dma_start3A_144, %dma_start3A_145] : memref<2x256x64xf32, #tpu.memory_space<vmem>> -> memref<1x256x64xf32, #tpu.memory_space<vmem>>
      %dma_start3A_147 = tpu.memref_squeeze %dma_start3A_146 : memref<1x256x64xf32, #tpu.memory_space<vmem>> -> memref<256x64xf32, #tpu.memory_space<vmem>>
      %dma_start3A_148 = arith.constant 0 : i32
      %dma_start3A_149 = tpu.memref_slice %arg2[%add3A_18, %add3A_142, %dma_start3A_148] : memref<32x16384x64xf32, #tpu.memory_space<hbm>> -> memref<1x256x64xf32, #tpu.memory_space<hbm>>
      %dma_start3A_150 = tpu.memref_squeeze %dma_start3A_149 : memref<1x256x64xf32, #tpu.memory_space<hbm>> -> memref<256x64xf32, #tpu.memory_space<hbm>>
      %dma_start3A_151 = arith.constant 0 : i32
      %dma_start3A_152 = arith.constant 0 : i32
      %dma_start3A_153 = tpu.memref_slice %arg4[%dma_start3A_143, %dma_start3A_151, %dma_start3A_152] : memref<2x256x64xf32, #tpu.memory_space<vmem>> -> memref<1x256x64xf32, #tpu.memory_space<vmem>>
      %dma_start3A_154 = tpu.memref_squeeze %dma_start3A_153 : memref<1x256x64xf32, #tpu.memory_space<vmem>> -> memref<256x64xf32, #tpu.memory_space<vmem>>
      %dma_start3A_155 = arith.constant 0 : i32
      %dma_start3A_156 = tpu.memref_slice %arg2[%add3A_18, %add3A_142, %dma_start3A_155] : memref<32x16384x64xf32, #tpu.memory_space<hbm>> -> memref<1x256x64xf32, #tpu.memory_space<hbm>>
      %dma_start3A_157 = tpu.memref_squeeze %dma_start3A_156 : memref<1x256x64xf32, #tpu.memory_space<hbm>> -> memref<256x64xf32, #tpu.memory_space<hbm>>
      tpu.enqueue_dma source(%dma_start3A_157 : memref<256x64xf32, #tpu.memory_space<hbm>>) target(%dma_start3A_154 : memref<256x64xf32, #tpu.memory_space<vmem>>) target_semaphore(%arg7 : memref<!tpu.dma_semaphore, #tpu.memory_space<semaphore_mem>>)
      %dma_wait3A_158 = arith.constant 0 : i32
      %dma_wait3A_159 = arith.constant 0 : i32
      %dma_wait3A_160 = arith.constant 0 : i32
      %dma_wait3A_161 = tpu.memref_slice %arg4[%dma_wait3A_158, %dma_wait3A_159, %dma_wait3A_160] : memref<2x256x64xf32, #tpu.memory_space<vmem>> -> memref<1x256x64xf32, #tpu.memory_space<vmem>>
      %dma_wait3A_162 = tpu.memref_squeeze %dma_wait3A_161 : memref<1x256x64xf32, #tpu.memory_space<vmem>> -> memref<256x64xf32, #tpu.memory_space<vmem>>
      %dma_wait3A_163 = arith.constant 0 : i32
      %dma_wait3A_164 = tpu.memref_slice %arg2[%add3A_18, %mul3A_34, %dma_wait3A_163] : memref<32x16384x64xf32, #tpu.memory_space<hbm>> -> memref<1x256x64xf32, #tpu.memory_space<hbm>>
      %dma_wait3A_165 = tpu.memref_squeeze %dma_wait3A_164 : memref<1x256x64xf32, #tpu.memory_space<hbm>> -> memref<256x64xf32, #tpu.memory_space<hbm>>
      %dma_wait3A_166 = arith.constant 0 : i32
      %dma_wait3A_167 = arith.constant 0 : i32
      %dma_wait3A_168 = tpu.memref_slice %arg4[%dma_wait3A_158, %dma_wait3A_166, %dma_wait3A_167] : memref<2x256x64xf32, #tpu.memory_space<vmem>> -> memref<1x256x64xf32, #tpu.memory_space<vmem>>
      %dma_wait3A_169 = tpu.memref_squeeze %dma_wait3A_168 : memref<1x256x64xf32, #tpu.memory_space<vmem>> -> memref<256x64xf32, #tpu.memory_space<vmem>>
      %dma_wait3A_170 = arith.constant 0 : i32
      %dma_wait3A_171 = tpu.memref_slice %arg2[%add3A_18, %mul3A_34, %dma_wait3A_170] : memref<32x16384x64xf32, #tpu.memory_space<hbm>> -> memref<1x256x64xf32, #tpu.memory_space<hbm>>
      %dma_wait3A_172 = tpu.memref_squeeze %dma_wait3A_171 : memref<1x256x64xf32, #tpu.memory_space<hbm>> -> memref<256x64xf32, #tpu.memory_space<hbm>>
      tpu.wait_dma2 semaphore(%arg6 : memref<!tpu.dma_semaphore, #tpu.memory_space<semaphore_mem>>) src(%dma_wait3A_172 : memref<256x64xf32, #tpu.memory_space<hbm>>) dst(%dma_wait3A_169 : memref<256x64xf32, #tpu.memory_space<vmem>>)
      %scan3A_173 = arith.constant 0 : i32
      %scan3A_174 = arith.constant 0 : i32
      %scan3A_175 = arith.constant 64 : i32
      %scan3A_176 = arith.addi %scan3A_174, %scan3A_175 : i32
      %scan3A_177 = arith.constant 1 : i32
      %scan3A_178:8 = scf.for %scan3A_223 = %scan3A_174 to %scan3A_176 step %scan3A_177 iter_args(%scan3A_224 = %scan3A_128, %scan3A_225 = %scan3A_129, %scan3A_226 = %scan3A_130, %scan3A_227 = %scan3A_131, %scan3A_228 = %scan3A_132, %scan3A_229 = %scan3A_133, %scan3A_230 = %scan3A_134, %scan3A_231 = %scan3A_135) -> (vector<16xf32>, vector<16xf32>, vector<16xf32>, vector<16xf32>, vector<16xf32>, vector<16xf32>, vector<16xf32>, vector<16xf32>)  : i32 {
        %mul3A_232 = arith.constant 4 : i32
        %mul3A_233 = arith.muli %scan3A_223, %mul3A_232 : i32
        %add3A_234 = arith.constant 0 : i32
        %add3A_235 = arith.addi %mul3A_233, %add3A_234 : i32
        %get3A = arith.constant 0 : i32
        %get3A_236 = arith.constant 0 : i32
        %get3A_237 = tpu.memref_slice %arg4[%scan3A_173, %get3A, %get3A_236] : memref<2x256x64xf32, #tpu.memory_space<vmem>> -> memref<1x256x64xf32, #tpu.memory_space<vmem>>
        %get3A_238 = tpu.memref_squeeze %get3A_237 : memref<1x256x64xf32, #tpu.memory_space<vmem>> -> memref<256x64xf32, #tpu.memory_space<vmem>>
        %get3A_239 = arith.index_cast %add3A_235 : i32 to index
        %get3A_240 = arith.constant 0 : index
        %get3A_241 = tpu.vector_load %get3A_238[%get3A_239, %get3A_240] {strides = array<i32>} : memref<256x64xf32, #tpu.memory_space<vmem>>, vector<1x16xf32>,
        %get3A_242 = vector.shape_cast %get3A_241 : vector<1x16xf32> to vector<16xf32>
        %get3A_243 = arith.constant 0 : i32
        %get3A_244 = arith.constant 0 : i32
        %get3A_245 = tpu.memref_slice %arg4[%scan3A_173, %get3A_243, %get3A_244] : memref<2x256x64xf32, #tpu.memory_space<vmem>> -> memref<1x256x64xf32, #tpu.memory_space<vmem>>
        %get3A_246 = tpu.memref_squeeze %get3A_245 : memref<1x256x64xf32, #tpu.memory_space<vmem>> -> memref<256x64xf32, #tpu.memory_space<vmem>>
        %get3A_247 = arith.index_cast %add3A_235 : i32 to index
        %get3A_248 = arith.constant 16 : index
        %get3A_249 = tpu.vector_load %get3A_246[%get3A_247, %get3A_248] {strides = array<i32>} : memref<256x64xf32, #tpu.memory_space<vmem>>, vector<1x16xf32>,
        %get3A_250 = vector.shape_cast %get3A_249 : vector<1x16xf32> to vector<16xf32>
        %get3A_251 = arith.constant 0 : i32
        %get3A_252 = arith.constant 0 : i32
        %get3A_253 = tpu.memref_slice %arg4[%scan3A_173, %get3A_251, %get3A_252] : memref<2x256x64xf32, #tpu.memory_space<vmem>> -> memref<1x256x64xf32, #tpu.memory_space<vmem>>
        %get3A_254 = tpu.memref_squeeze %get3A_253 : memref<1x256x64xf32, #tpu.memory_space<vmem>> -> memref<256x64xf32, #tpu.memory_space<vmem>>
        %get3A_255 = arith.index_cast %add3A_235 : i32 to index
        %get3A_256 = arith.constant 32 : index
        %get3A_257 = tpu.vector_load %get3A_254[%get3A_255, %get3A_256] {strides = array<i32>} : memref<256x64xf32, #tpu.memory_space<vmem>>, vector<1x16xf32>,
        %get3A_258 = vector.shape_cast %get3A_257 : vector<1x16xf32> to vector<16xf32>
        %get3A_259 = arith.constant 0 : i32
        %get3A_260 = arith.constant 0 : i32
        %get3A_261 = tpu.memref_slice %arg4[%scan3A_173, %get3A_259, %get3A_260] : memref<2x256x64xf32, #tpu.memory_space<vmem>> -> memref<1x256x64xf32, #tpu.memory_space<vmem>>
        %get3A_262 = tpu.memref_squeeze %get3A_261 : memref<1x256x64xf32, #tpu.memory_space<vmem>> -> memref<256x64xf32, #tpu.memory_space<vmem>>
        %get3A_263 = arith.index_cast %add3A_235 : i32 to index
        %get3A_264 = arith.constant 48 : index
        %get3A_265 = tpu.vector_load %get3A_262[%get3A_263, %get3A_264] {strides = array<i32>} : memref<256x64xf32, #tpu.memory_space<vmem>>, vector<1x16xf32>,
        %get3A_266 = vector.shape_cast %get3A_265 : vector<1x16xf32> to vector<16xf32>
        %max3A = arith.maximumf %get3A_242, %get3A_250 : vector<16xf32>
        %max3A_267 = arith.maximumf %get3A_258, %get3A_266 : vector<16xf32>
        %max3A_268 = arith.maximumf %max3A, %max3A_267 : vector<16xf32>
        %broadcast_in_dim3A_269 = vector.shape_cast %xor3A_36 : vector<16xi32> to vector<16x1xi32>
        %gather3A = vector.shape_cast %broadcast_in_dim3A_269 : vector<16x1xi32> to vector<16xi32>
        %gather3A_270 = tpu.dynamic_gather %max3A_268[%gather3A] in [0] : vector<16xf32>, vector<16xi32> -> vector<16xf32>
        %max3A_271 = arith.maximumf %max3A_268, %gather3A_270 : vector<16xf32>
        %broadcast_in_dim3A_272 = vector.shape_cast %xor3A_39 : vector<16xi32> to vector<16x1xi32>
        %gather3A_273 = vector.shape_cast %broadcast_in_dim3A_272 : vector<16x1xi32> to vector<16xi32>
        %gather3A_274 = tpu.dynamic_gather %max3A_271[%gather3A_273] in [0] : vector<16xf32>, vector<16xi32> -> vector<16xf32>
        %max3A_275 = arith.maximumf %max3A_271, %gather3A_274 : vector<16xf32>
        %broadcast_in_dim3A_276 = vector.shape_cast %xor3A_42 : vector<16xi32> to vector<16x1xi32>
        %gather3A_277 = vector.shape_cast %broadcast_in_dim3A_276 : vector<16x1xi32> to vector<16xi32>
        %gather3A_278 = tpu.dynamic_gather %max3A_275[%gather3A_277] in [0] : vector<16xf32>, vector<16xi32> -> vector<16xf32>
        %max3A_279 = arith.maximumf %max3A_275, %gather3A_278 : vector<16xf32>
        %broadcast_in_dim3A_280 = vector.shape_cast %xor3A_45 : vector<16xi32> to vector<16x1xi32>
        %gather3A_281 = vector.shape_cast %broadcast_in_dim3A_280 : vector<16x1xi32> to vector<16xi32>
        %gather3A_282 = tpu.dynamic_gather %max3A_279[%gather3A_281] in [0] : vector<16xf32>, vector<16xi32> -> vector<16xf32>
        %max3A_283 = arith.maximumf %max3A_279, %gather3A_282 : vector<16xf32>
        %eq3A_284 = arith.cmpf oeq, %get3A_242, %max3A_283 : vector<16xf32>
        %jit3A_285 = arith.constant -3.000000e+38 : f32
        %broadcast_in_dim3A_286 = vector.broadcast %jit3A_285 : f32 to vector<16xf32>
        %select_n3A_287 = arith.select %eq3A_284, %broadcast_in_dim3A_286, %get3A_242 : vector<16xi1>, vector<16xf32>
        %eq3A_288 = arith.cmpf oeq, %get3A_250, %max3A_283 : vector<16xf32>
        %jit3A_289 = arith.constant -3.000000e+38 : f32
        %broadcast_in_dim3A_290 = vector.broadcast %jit3A_289 : f32 to vector<16xf32>
        %select_n3A_291 = arith.select %eq3A_288, %broadcast_in_dim3A_290, %get3A_250 : vector<16xi1>, vector<16xf32>
        %eq3A_292 = arith.cmpf oeq, %get3A_258, %max3A_283 : vector<16xf32>
        %jit3A_293 = arith.constant -3.000000e+38 : f32
        %broadcast_in_dim3A_294 = vector.broadcast %jit3A_293 : f32 to vector<16xf32>
        %select_n3A_295 = arith.select %eq3A_292, %broadcast_in_dim3A_294, %get3A_258 : vector<16xi1>, vector<16xf32>
        %eq3A_296 = arith.cmpf oeq, %get3A_266, %max3A_283 : vector<16xf32>
        %jit3A_297 = arith.constant -3.000000e+38 : f32
        %broadcast_in_dim3A_298 = vector.broadcast %jit3A_297 : f32 to vector<16xf32>
        %select_n3A_299 = arith.select %eq3A_296, %broadcast_in_dim3A_298, %get3A_266 : vector<16xi1>, vector<16xf32>
        %max3A_300 = arith.maximumf %select_n3A_287, %select_n3A_291 : vector<16xf32>
        %max3A_301 = arith.maximumf %select_n3A_295, %select_n3A_299 : vector<16xf32>
        %max3A_302 = arith.maximumf %max3A_300, %max3A_301 : vector<16xf32>
        %broadcast_in_dim3A_303 = vector.shape_cast %xor3A_36 : vector<16xi32> to vector<16x1xi32>
        %gather3A_304 = vector.shape_cast %broadcast_in_dim3A_303 : vector<16x1xi32> to vector<16xi32>
        %gather3A_305 = tpu.dynamic_gather %max3A_302[%gather3A_304] in [0] : vector<16xf32>, vector<16xi32> -> vector<16xf32>
        %max3A_306 = arith.maximumf %max3A_302, %gather3A_305 : vector<16xf32>
        %broadcast_in_dim3A_307 = vector.shape_cast %xor3A_39 : vector<16xi32> to vector<16x1xi32>
        %gather3A_308 = vector.shape_cast %broadcast_in_dim3A_307 : vector<16x1xi32> to vector<16xi32>
        %gather3A_309 = tpu.dynamic_gather %max3A_306[%gather3A_308] in [0] : vector<16xf32>, vector<16xi32> -> vector<16xf32>
        %max3A_310 = arith.maximumf %max3A_306, %gather3A_309 : vector<16xf32>
        %broadcast_in_dim3A_311 = vector.shape_cast %xor3A_42 : vector<16xi32> to vector<16x1xi32>
        %gather3A_312 = vector.shape_cast %broadcast_in_dim3A_311 : vector<16x1xi32> to vector<16xi32>
        %gather3A_313 = tpu.dynamic_gather %max3A_310[%gather3A_312] in [0] : vector<16xf32>, vector<16xi32> -> vector<16xf32>
        %max3A_314 = arith.maximumf %max3A_310, %gather3A_313 : vector<16xf32>
        %broadcast_in_dim3A_315 = vector.shape_cast %xor3A_45 : vector<16xi32> to vector<16x1xi32>
        %gather3A_316 = vector.shape_cast %broadcast_in_dim3A_315 : vector<16x1xi32> to vector<16xi32>
        %gather3A_317 = tpu.dynamic_gather %max3A_314[%gather3A_316] in [0] : vector<16xf32>, vector<16xi32> -> vector<16xf32>
        %max3A_318 = arith.maximumf %max3A_314, %gather3A_317 : vector<16xf32>
        %exp3A = math.exp %get3A_242 : vector<16xf32>
        %exp3A_319 = math.exp %get3A_250 : vector<16xf32>
        %exp3A_320 = math.exp %get3A_258 : vector<16xf32>
        %exp3A_321 = math.exp %get3A_266 : vector<16xf32>
        %add3A_322 = arith.addf %exp3A, %exp3A_319 : vector<16xf32>
        %add3A_323 = arith.addf %exp3A_320, %exp3A_321 : vector<16xf32>
        %add3A_324 = arith.addf %add3A_322, %add3A_323 : vector<16xf32>
        %broadcast_in_dim3A_325 = vector.shape_cast %xor3A_36 : vector<16xi32> to vector<16x1xi32>
        %gather3A_326 = vector.shape_cast %broadcast_in_dim3A_325 : vector<16x1xi32> to vector<16xi32>
        %gather3A_327 = tpu.dynamic_gather %add3A_324[%gather3A_326] in [0] : vector<16xf32>, vector<16xi32> -> vector<16xf32>
        %add3A_328 = arith.addf %add3A_324, %gather3A_327 : vector<16xf32>
        %broadcast_in_dim3A_329 = vector.shape_cast %xor3A_39 : vector<16xi32> to vector<16x1xi32>
        %gather3A_330 = vector.shape_cast %broadcast_in_dim3A_329 : vector<16x1xi32> to vector<16xi32>
        %gather3A_331 = tpu.dynamic_gather %add3A_328[%gather3A_330] in [0] : vector<16xf32>, vector<16xi32> -> vector<16xf32>
        %add3A_332 = arith.addf %add3A_328, %gather3A_331 : vector<16xf32>
        %broadcast_in_dim3A_333 = vector.shape_cast %xor3A_42 : vector<16xi32> to vector<16x1xi32>
        %gather3A_334 = vector.shape_cast %broadcast_in_dim3A_333 : vector<16x1xi32> to vector<16xi32>
        %gather3A_335 = tpu.dynamic_gather %add3A_332[%gather3A_334] in [0] : vector<16xf32>, vector<16xi32> -> vector<16xf32>
        %add3A_336 = arith.addf %add3A_332, %gather3A_335 : vector<16xf32>
        %broadcast_in_dim3A_337 = vector.shape_cast %xor3A_45 : vector<16xi32> to vector<16x1xi32>
        %gather3A_338 = vector.shape_cast %broadcast_in_dim3A_337 : vector<16x1xi32> to vector<16xi32>
        %gather3A_339 = tpu.dynamic_gather %add3A_336[%gather3A_338] in [0] : vector<16xf32>, vector<16xi32> -> vector<16xf32>
        %add3A_340 = arith.addf %add3A_336, %gather3A_339 : vector<16xf32>
        %div3A_341 = arith.constant 1.000000e+00 : f32
        %div3A_342 = vector.broadcast %div3A_341 : f32 to vector<16xf32>
        %div3A_343 = arith.divf %div3A_342, %add3A_340 : vector<16xf32>
        %ge3A = arith.cmpf oge, %get3A_242, %max3A_318 : vector<16xf32>
        %jit3A_344 = arith.constant 1.000000e+00 : f32
        %jit3A_345 = arith.constant 0.000000e+00 : f32
        %broadcast_in_dim3A_346 = vector.broadcast %jit3A_344 : f32 to vector<16xf32>
        %broadcast_in_dim3A_347 = vector.broadcast %jit3A_345 : f32 to vector<16xf32>
        %select_n3A_348 = arith.select %ge3A, %broadcast_in_dim3A_346, %broadcast_in_dim3A_347 : vector<16xi1>, vector<16xf32>
        %add3A_349 = arith.addf %scan3A_224, %select_n3A_348 : vector<16xf32>
        %ge3A_350 = arith.cmpf oge, %get3A_250, %max3A_318 : vector<16xf32>
        %jit3A_351 = arith.constant 1.000000e+00 : f32
        %jit3A_352 = arith.constant 0.000000e+00 : f32
        %broadcast_in_dim3A_353 = vector.broadcast %jit3A_351 : f32 to vector<16xf32>
        %broadcast_in_dim3A_354 = vector.broadcast %jit3A_352 : f32 to vector<16xf32>
        %select_n3A_355 = arith.select %ge3A_350, %broadcast_in_dim3A_353, %broadcast_in_dim3A_354 : vector<16xi1>, vector<16xf32>
        %add3A_356 = arith.addf %scan3A_225, %select_n3A_355 : vector<16xf32>
        %ge3A_357 = arith.cmpf oge, %get3A_258, %max3A_318 : vector<16xf32>
        %jit3A_358 = arith.constant 1.000000e+00 : f32
        %jit3A_359 = arith.constant 0.000000e+00 : f32
        %broadcast_in_dim3A_360 = vector.broadcast %jit3A_358 : f32 to vector<16xf32>
        %broadcast_in_dim3A_361 = vector.broadcast %jit3A_359 : f32 to vector<16xf32>
        %select_n3A_362 = arith.select %ge3A_357, %broadcast_in_dim3A_360, %broadcast_in_dim3A_361 : vector<16xi1>, vector<16xf32>
        %add3A_363 = arith.addf %scan3A_226, %select_n3A_362 : vector<16xf32>
        %ge3A_364 = arith.cmpf oge, %get3A_266, %max3A_318 : vector<16xf32>
        %jit3A_365 = arith.constant 1.000000e+00 : f32
        %jit3A_366 = arith.constant 0.000000e+00 : f32
        %broadcast_in_dim3A_367 = vector.broadcast %jit3A_365 : f32 to vector<16xf32>
        %broadcast_in_dim3A_368 = vector.broadcast %jit3A_366 : f32 to vector<16xf32>
        %select_n3A_369 = arith.select %ge3A_364, %broadcast_in_dim3A_367, %broadcast_in_dim3A_368 : vector<16xi1>, vector<16xf32>
        %add3A_370 = arith.addf %scan3A_227, %select_n3A_369 : vector<16xf32>
        %mul3A_371 = arith.mulf %exp3A, %div3A_343 : vector<16xf32>
        %add3A_372 = arith.addf %scan3A_228, %mul3A_371 : vector<16xf32>
        %mul3A_373 = arith.mulf %exp3A_319, %div3A_343 : vector<16xf32>
        %add3A_374 = arith.addf %scan3A_229, %mul3A_373 : vector<16xf32>
        %mul3A_375 = arith.mulf %exp3A_320, %div3A_343 : vector<16xf32>
        %add3A_376 = arith.addf %scan3A_230, %mul3A_375 : vector<16xf32>
        %mul3A_377 = arith.mulf %exp3A_321, %div3A_343 : vector<16xf32>
        %add3A_378 = arith.addf %scan3A_231, %mul3A_377 : vector<16xf32>
        %mul3A_379 = arith.constant 4 : i32
        %mul3A_380 = arith.muli %scan3A_223, %mul3A_379 : i32
        %add3A_381 = arith.constant 1 : i32
        %add3A_382 = arith.addi %mul3A_380, %add3A_381 : i32
        %get3A_383 = arith.constant 0 : i32
        %get3A_384 = arith.constant 0 : i32
        %get3A_385 = tpu.memref_slice %arg4[%scan3A_173, %get3A_383, %get3A_384] : memref<2x256x64xf32, #tpu.memory_space<vmem>> -> memref<1x256x64xf32, #tpu.memory_space<vmem>>
        %get3A_386 = tpu.memref_squeeze %get3A_385 : memref<1x256x64xf32, #tpu.memory_space<vmem>> -> memref<256x64xf32, #tpu.memory_space<vmem>>
        %get3A_387 = arith.index_cast %add3A_382 : i32 to index
        %get3A_388 = arith.constant 0 : index
        %get3A_389 = tpu.vector_load %get3A_386[%get3A_387, %get3A_388] {strides = array<i32>} : memref<256x64xf32, #tpu.memory_space<vmem>>, vector<1x16xf32>,
        %get3A_390 = vector.shape_cast %get3A_389 : vector<1x16xf32> to vector<16xf32>
        %get3A_391 = arith.constant 0 : i32
        %get3A_392 = arith.constant 0 : i32
        %get3A_393 = tpu.memref_slice %arg4[%scan3A_173, %get3A_391, %get3A_392] : memref<2x256x64xf32, #tpu.memory_space<vmem>> -> memref<1x256x64xf32, #tpu.memory_space<vmem>>
        %get3A_394 = tpu.memref_squeeze %get3A_393 : memref<1x256x64xf32, #tpu.memory_space<vmem>> -> memref<256x64xf32, #tpu.memory_space<vmem>>
        %get3A_395 = arith.index_cast %add3A_382 : i32 to index
        %get3A_396 = arith.constant 16 : index
        %get3A_397 = tpu.vector_load %get3A_394[%get3A_395, %get3A_396] {strides = array<i32>} : memref<256x64xf32, #tpu.memory_space<vmem>>, vector<1x16xf32>,
        %get3A_398 = vector.shape_cast %get3A_397 : vector<1x16xf32> to vector<16xf32>
        %get3A_399 = arith.constant 0 : i32
        %get3A_400 = arith.constant 0 : i32
        %get3A_401 = tpu.memref_slice %arg4[%scan3A_173, %get3A_399, %get3A_400] : memref<2x256x64xf32, #tpu.memory_space<vmem>> -> memref<1x256x64xf32, #tpu.memory_space<vmem>>
        %get3A_402 = tpu.memref_squeeze %get3A_401 : memref<1x256x64xf32, #tpu.memory_space<vmem>> -> memref<256x64xf32, #tpu.memory_space<vmem>>
        %get3A_403 = arith.index_cast %add3A_382 : i32 to index
        %get3A_404 = arith.constant 32 : index
        %get3A_405 = tpu.vector_load %get3A_402[%get3A_403, %get3A_404] {strides = array<i32>} : memref<256x64xf32, #tpu.memory_space<vmem>>, vector<1x16xf32>,
        %get3A_406 = vector.shape_cast %get3A_405 : vector<1x16xf32> to vector<16xf32>
        %get3A_407 = arith.constant 0 : i32
        %get3A_408 = arith.constant 0 : i32
        %get3A_409 = tpu.memref_slice %arg4[%scan3A_173, %get3A_407, %get3A_408] : memref<2x256x64xf32, #tpu.memory_space<vmem>> -> memref<1x256x64xf32, #tpu.memory_space<vmem>>
        %get3A_410 = tpu.memref_squeeze %get3A_409 : memref<1x256x64xf32, #tpu.memory_space<vmem>> -> memref<256x64xf32, #tpu.memory_space<vmem>>
        %get3A_411 = arith.index_cast %add3A_382 : i32 to index
        %get3A_412 = arith.constant 48 : index
        %get3A_413 = tpu.vector_load %get3A_410[%get3A_411, %get3A_412] {strides = array<i32>} : memref<256x64xf32, #tpu.memory_space<vmem>>, vector<1x16xf32>,
        %get3A_414 = vector.shape_cast %get3A_413 : vector<1x16xf32> to vector<16xf32>
        %max3A_415 = arith.maximumf %get3A_390, %get3A_398 : vector<16xf32>
        %max3A_416 = arith.maximumf %get3A_406, %get3A_414 : vector<16xf32>
        %max3A_417 = arith.maximumf %max3A_415, %max3A_416 : vector<16xf32>
        %broadcast_in_dim3A_418 = vector.shape_cast %xor3A_36 : vector<16xi32> to vector<16x1xi32>
        %gather3A_419 = vector.shape_cast %broadcast_in_dim3A_418 : vector<16x1xi32> to vector<16xi32>
        %gather3A_420 = tpu.dynamic_gather %max3A_417[%gather3A_419] in [0] : vector<16xf32>, vector<16xi32> -> vector<16xf32>
        %max3A_421 = arith.maximumf %max3A_417, %gather3A_420 : vector<16xf32>
        %broadcast_in_dim3A_422 = vector.shape_cast %xor3A_39 : vector<16xi32> to vector<16x1xi32>
        %gather3A_423 = vector.shape_cast %broadcast_in_dim3A_422 : vector<16x1xi32> to vector<16xi32>
        %gather3A_424 = tpu.dynamic_gather %max3A_421[%gather3A_423] in [0] : vector<16xf32>, vector<16xi32> -> vector<16xf32>
        %max3A_425 = arith.maximumf %max3A_421, %gather3A_424 : vector<16xf32>
        %broadcast_in_dim3A_426 = vector.shape_cast %xor3A_42 : vector<16xi32> to vector<16x1xi32>
        %gather3A_427 = vector.shape_cast %broadcast_in_dim3A_426 : vector<16x1xi32> to vector<16xi32>
        %gather3A_428 = tpu.dynamic_gather %max3A_425[%gather3A_427] in [0] : vector<16xf32>, vector<16xi32> -> vector<16xf32>
        %max3A_429 = arith.maximumf %max3A_425, %gather3A_428 : vector<16xf32>
        %broadcast_in_dim3A_430 = vector.shape_cast %xor3A_45 : vector<16xi32> to vector<16x1xi32>
        %gather3A_431 = vector.shape_cast %broadcast_in_dim3A_430 : vector<16x1xi32> to vector<16xi32>
        %gather3A_432 = tpu.dynamic_gather %max3A_429[%gather3A_431] in [0] : vector<16xf32>, vector<16xi32> -> vector<16xf32>
        %max3A_433 = arith.maximumf %max3A_429, %gather3A_432 : vector<16xf32>
        %eq3A_434 = arith.cmpf oeq, %get3A_390, %max3A_433 : vector<16xf32>
        %jit3A_435 = arith.constant -3.000000e+38 : f32
        %broadcast_in_dim3A_436 = vector.broadcast %jit3A_435 : f32 to vector<16xf32>
        %select_n3A_437 = arith.select %eq3A_434, %broadcast_in_dim3A_436, %get3A_390 : vector<16xi1>, vector<16xf32>
        %eq3A_438 = arith.cmpf oeq, %get3A_398, %max3A_433 : vector<16xf32>
        %jit3A_439 = arith.constant -3.000000e+38 : f32
        %broadcast_in_dim3A_440 = vector.broadcast %jit3A_439 : f32 to vector<16xf32>
        %select_n3A_441 = arith.select %eq3A_438, %broadcast_in_dim3A_440, %get3A_398 : vector<16xi1>, vector<16xf32>
        %eq3A_442 = arith.cmpf oeq, %get3A_406, %max3A_433 : vector<16xf32>
        %jit3A_443 = arith.constant -3.000000e+38 : f32
        %broadcast_in_dim3A_444 = vector.broadcast %jit3A_443 : f32 to vector<16xf32>
        %select_n3A_445 = arith.select %eq3A_442, %broadcast_in_dim3A_444, %get3A_406 : vector<16xi1>, vector<16xf32>
        %eq3A_446 = arith.cmpf oeq, %get3A_414, %max3A_433 : vector<16xf32>
        %jit3A_447 = arith.constant -3.000000e+38 : f32
        %broadcast_in_dim3A_448 = vector.broadcast %jit3A_447 : f32 to vector<16xf32>
        %select_n3A_449 = arith.select %eq3A_446, %broadcast_in_dim3A_448, %get3A_414 : vector<16xi1>, vector<16xf32>
        %max3A_450 = arith.maximumf %select_n3A_437, %select_n3A_441 : vector<16xf32>
        %max3A_451 = arith.maximumf %select_n3A_445, %select_n3A_449 : vector<16xf32>
        %max3A_452 = arith.maximumf %max3A_450, %max3A_451 : vector<16xf32>
        %broadcast_in_dim3A_453 = vector.shape_cast %xor3A_36 : vector<16xi32> to vector<16x1xi32>
        %gather3A_454 = vector.shape_cast %broadcast_in_dim3A_453 : vector<16x1xi32> to vector<16xi32>
        %gather3A_455 = tpu.dynamic_gather %max3A_452[%gather3A_454] in [0] : vector<16xf32>, vector<16xi32> -> vector<16xf32>
        %max3A_456 = arith.maximumf %max3A_452, %gather3A_455 : vector<16xf32>
        %broadcast_in_dim3A_457 = vector.shape_cast %xor3A_39 : vector<16xi32> to vector<16x1xi32>
        %gather3A_458 = vector.shape_cast %broadcast_in_dim3A_457 : vector<16x1xi32> to vector<16xi32>
        %gather3A_459 = tpu.dynamic_gather %max3A_456[%gather3A_458] in [0] : vector<16xf32>, vector<16xi32> -> vector<16xf32>
        %max3A_460 = arith.maximumf %max3A_456, %gather3A_459 : vector<16xf32>
        %broadcast_in_dim3A_461 = vector.shape_cast %xor3A_42 : vector<16xi32> to vector<16x1xi32>
        %gather3A_462 = vector.shape_cast %broadcast_in_dim3A_461 : vector<16x1xi32> to vector<16xi32>
        %gather3A_463 = tpu.dynamic_gather %max3A_460[%gather3A_462] in [0] : vector<16xf32>, vector<16xi32> -> vector<16xf32>
        %max3A_464 = arith.maximumf %max3A_460, %gather3A_463 : vector<16xf32>
        %broadcast_in_dim3A_465 = vector.shape_cast %xor3A_45 : vector<16xi32> to vector<16x1xi32>
        %gather3A_466 = vector.shape_cast %broadcast_in_dim3A_465 : vector<16x1xi32> to vector<16xi32>
        %gather3A_467 = tpu.dynamic_gather %max3A_464[%gather3A_466] in [0] : vector<16xf32>, vector<16xi32> -> vector<16xf32>
        %max3A_468 = arith.maximumf %max3A_464, %gather3A_467 : vector<16xf32>
        %exp3A_469 = math.exp %get3A_390 : vector<16xf32>
        %exp3A_470 = math.exp %get3A_398 : vector<16xf32>
        %exp3A_471 = math.exp %get3A_406 : vector<16xf32>
        %exp3A_472 = math.exp %get3A_414 : vector<16xf32>
        %add3A_473 = arith.addf %exp3A_469, %exp3A_470 : vector<16xf32>
        %add3A_474 = arith.addf %exp3A_471, %exp3A_472 : vector<16xf32>
        %add3A_475 = arith.addf %add3A_473, %add3A_474 : vector<16xf32>
        %broadcast_in_dim3A_476 = vector.shape_cast %xor3A_36 : vector<16xi32> to vector<16x1xi32>
        %gather3A_477 = vector.shape_cast %broadcast_in_dim3A_476 : vector<16x1xi32> to vector<16xi32>
        %gather3A_478 = tpu.dynamic_gather %add3A_475[%gather3A_477] in [0] : vector<16xf32>, vector<16xi32> -> vector<16xf32>
        %add3A_479 = arith.addf %add3A_475, %gather3A_478 : vector<16xf32>
        %broadcast_in_dim3A_480 = vector.shape_cast %xor3A_39 : vector<16xi32> to vector<16x1xi32>
        %gather3A_481 = vector.shape_cast %broadcast_in_dim3A_480 : vector<16x1xi32> to vector<16xi32>
        %gather3A_482 = tpu.dynamic_gather %add3A_479[%gather3A_481] in [0] : vector<16xf32>, vector<16xi32> -> vector<16xf32>
        %add3A_483 = arith.addf %add3A_479, %gather3A_482 : vector<16xf32>
        %broadcast_in_dim3A_484 = vector.shape_cast %xor3A_42 : vector<16xi32> to vector<16x1xi32>
        %gather3A_485 = vector.shape_cast %broadcast_in_dim3A_484 : vector<16x1xi32> to vector<16xi32>
        %gather3A_486 = tpu.dynamic_gather %add3A_483[%gather3A_485] in [0] : vector<16xf32>, vector<16xi32> -> vector<16xf32>
        %add3A_487 = arith.addf %add3A_483, %gather3A_486 : vector<16xf32>
        %broadcast_in_dim3A_488 = vector.shape_cast %xor3A_45 : vector<16xi32> to vector<16x1xi32>
        %gather3A_489 = vector.shape_cast %broadcast_in_dim3A_488 : vector<16x1xi32> to vector<16xi32>
        %gather3A_490 = tpu.dynamic_gather %add3A_487[%gather3A_489] in [0] : vector<16xf32>, vector<16xi32> -> vector<16xf32>
        %add3A_491 = arith.addf %add3A_487, %gather3A_490 : vector<16xf32>
        %div3A_492 = arith.constant 1.000000e+00 : f32
        %div3A_493 = vector.broadcast %div3A_492 : f32 to vector<16xf32>
        %div3A_494 = arith.divf %div3A_493, %add3A_491 : vector<16xf32>
        %ge3A_495 = arith.cmpf oge, %get3A_390, %max3A_468 : vector<16xf32>
        %jit3A_496 = arith.constant 1.000000e+00 : f32
        %jit3A_497 = arith.constant 0.000000e+00 : f32
        %broadcast_in_dim3A_498 = vector.broadcast %jit3A_496 : f32 to vector<16xf32>
        %broadcast_in_dim3A_499 = vector.broadcast %jit3A_497 : f32 to vector<16xf32>
        %select_n3A_500 = arith.select %ge3A_495, %broadcast_in_dim3A_498, %broadcast_in_dim3A_499 : vector<16xi1>, vector<16xf32>
        %add3A_501 = arith.addf %add3A_349, %select_n3A_500 : vector<16xf32>
        %ge3A_502 = arith.cmpf oge, %get3A_398, %max3A_468 : vector<16xf32>
        %jit3A_503 = arith.constant 1.000000e+00 : f32
        %jit3A_504 = arith.constant 0.000000e+00 : f32
        %broadcast_in_dim3A_505 = vector.broadcast %jit3A_503 : f32 to vector<16xf32>
        %broadcast_in_dim3A_506 = vector.broadcast %jit3A_504 : f32 to vector<16xf32>
        %select_n3A_507 = arith.select %ge3A_502, %broadcast_in_dim3A_505, %broadcast_in_dim3A_506 : vector<16xi1>, vector<16xf32>
        %add3A_508 = arith.addf %add3A_356, %select_n3A_507 : vector<16xf32>
        %ge3A_509 = arith.cmpf oge, %get3A_406, %max3A_468 : vector<16xf32>
        %jit3A_510 = arith.constant 1.000000e+00 : f32
        %jit3A_511 = arith.constant 0.000000e+00 : f32
        %broadcast_in_dim3A_512 = vector.broadcast %jit3A_510 : f32 to vector<16xf32>
        %broadcast_in_dim3A_513 = vector.broadcast %jit3A_511 : f32 to vector<16xf32>
        %select_n3A_514 = arith.select %ge3A_509, %broadcast_in_dim3A_512, %broadcast_in_dim3A_513 : vector<16xi1>, vector<16xf32>
        %add3A_515 = arith.addf %add3A_363, %select_n3A_514 : vector<16xf32>
        %ge3A_516 = arith.cmpf oge, %get3A_414, %max3A_468 : vector<16xf32>
        %jit3A_517 = arith.constant 1.000000e+00 : f32
        %jit3A_518 = arith.constant 0.000000e+00 : f32
        %broadcast_in_dim3A_519 = vector.broadcast %jit3A_517 : f32 to vector<16xf32>
        %broadcast_in_dim3A_520 = vector.broadcast %jit3A_518 : f32 to vector<16xf32>
        %select_n3A_521 = arith.select %ge3A_516, %broadcast_in_dim3A_519, %broadcast_in_dim3A_520 : vector<16xi1>, vector<16xf32>
        %add3A_522 = arith.addf %add3A_370, %select_n3A_521 : vector<16xf32>
        %mul3A_523 = arith.mulf %exp3A_469, %div3A_494 : vector<16xf32>
        %add3A_524 = arith.addf %add3A_372, %mul3A_523 : vector<16xf32>
        %mul3A_525 = arith.mulf %exp3A_470, %div3A_494 : vector<16xf32>
        %add3A_526 = arith.addf %add3A_374, %mul3A_525 : vector<16xf32>
        %mul3A_527 = arith.mulf %exp3A_471, %div3A_494 : vector<16xf32>
        %add3A_528 = arith.addf %add3A_376, %mul3A_527 : vector<16xf32>
        %mul3A_529 = arith.mulf %exp3A_472, %div3A_494 : vector<16xf32>
        %add3A_530 = arith.addf %add3A_378, %mul3A_529 : vector<16xf32>
        %mul3A_531 = arith.constant 4 : i32
        %mul3A_532 = arith.muli %scan3A_223, %mul3A_531 : i32
        %add3A_533 = arith.constant 2 : i32
        %add3A_534 = arith.addi %mul3A_532, %add3A_533 : i32
        %get3A_535 = arith.constant 0 : i32
        %get3A_536 = arith.constant 0 : i32
        %get3A_537 = tpu.memref_slice %arg4[%scan3A_173, %get3A_535, %get3A_536] : memref<2x256x64xf32, #tpu.memory_space<vmem>> -> memref<1x256x64xf32, #tpu.memory_space<vmem>>
        %get3A_538 = tpu.memref_squeeze %get3A_537 : memref<1x256x64xf32, #tpu.memory_space<vmem>> -> memref<256x64xf32, #tpu.memory_space<vmem>>
        %get3A_539 = arith.index_cast %add3A_534 : i32 to index
        %get3A_540 = arith.constant 0 : index
        %get3A_541 = tpu.vector_load %get3A_538[%get3A_539, %get3A_540] {strides = array<i32>} : memref<256x64xf32, #tpu.memory_space<vmem>>, vector<1x16xf32>,
        %get3A_542 = vector.shape_cast %get3A_541 : vector<1x16xf32> to vector<16xf32>
        %get3A_543 = arith.constant 0 : i32
        %get3A_544 = arith.constant 0 : i32
        %get3A_545 = tpu.memref_slice %arg4[%scan3A_173, %get3A_543, %get3A_544] : memref<2x256x64xf32, #tpu.memory_space<vmem>> -> memref<1x256x64xf32, #tpu.memory_space<vmem>>
        %get3A_546 = tpu.memref_squeeze %get3A_545 : memref<1x256x64xf32, #tpu.memory_space<vmem>> -> memref<256x64xf32, #tpu.memory_space<vmem>>
        %get3A_547 = arith.index_cast %add3A_534 : i32 to index
        %get3A_548 = arith.constant 16 : index
        %get3A_549 = tpu.vector_load %get3A_546[%get3A_547, %get3A_548] {strides = array<i32>} : memref<256x64xf32, #tpu.memory_space<vmem>>, vector<1x16xf32>,
        %get3A_550 = vector.shape_cast %get3A_549 : vector<1x16xf32> to vector<16xf32>
        %get3A_551 = arith.constant 0 : i32
        %get3A_552 = arith.constant 0 : i32
        %get3A_553 = tpu.memref_slice %arg4[%scan3A_173, %get3A_551, %get3A_552] : memref<2x256x64xf32, #tpu.memory_space<vmem>> -> memref<1x256x64xf32, #tpu.memory_space<vmem>>
        %get3A_554 = tpu.memref_squeeze %get3A_553 : memref<1x256x64xf32, #tpu.memory_space<vmem>> -> memref<256x64xf32, #tpu.memory_space<vmem>>
        %get3A_555 = arith.index_cast %add3A_534 : i32 to index
        %get3A_556 = arith.constant 32 : index
        %get3A_557 = tpu.vector_load %get3A_554[%get3A_555, %get3A_556] {strides = array<i32>} : memref<256x64xf32, #tpu.memory_space<vmem>>, vector<1x16xf32>,
        %get3A_558 = vector.shape_cast %get3A_557 : vector<1x16xf32> to vector<16xf32>
        %get3A_559 = arith.constant 0 : i32
        %get3A_560 = arith.constant 0 : i32
        %get3A_561 = tpu.memref_slice %arg4[%scan3A_173, %get3A_559, %get3A_560] : memref<2x256x64xf32, #tpu.memory_space<vmem>> -> memref<1x256x64xf32, #tpu.memory_space<vmem>>
        %get3A_562 = tpu.memref_squeeze %get3A_561 : memref<1x256x64xf32, #tpu.memory_space<vmem>> -> memref<256x64xf32, #tpu.memory_space<vmem>>
        %get3A_563 = arith.index_cast %add3A_534 : i32 to index
        %get3A_564 = arith.constant 48 : index
        %get3A_565 = tpu.vector_load %get3A_562[%get3A_563, %get3A_564] {strides = array<i32>} : memref<256x64xf32, #tpu.memory_space<vmem>>, vector<1x16xf32>,
        %get3A_566 = vector.shape_cast %get3A_565 : vector<1x16xf32> to vector<16xf32>
        %max3A_567 = arith.maximumf %get3A_542, %get3A_550 : vector<16xf32>
        %max3A_568 = arith.maximumf %get3A_558, %get3A_566 : vector<16xf32>
        %max3A_569 = arith.maximumf %max3A_567, %max3A_568 : vector<16xf32>
        %broadcast_in_dim3A_570 = vector.shape_cast %xor3A_36 : vector<16xi32> to vector<16x1xi32>
        %gather3A_571 = vector.shape_cast %broadcast_in_dim3A_570 : vector<16x1xi32> to vector<16xi32>
        %gather3A_572 = tpu.dynamic_gather %max3A_569[%gather3A_571] in [0] : vector<16xf32>, vector<16xi32> -> vector<16xf32>
        %max3A_573 = arith.maximumf %max3A_569, %gather3A_572 : vector<16xf32>
        %broadcast_in_dim3A_574 = vector.shape_cast %xor3A_39 : vector<16xi32> to vector<16x1xi32>
        %gather3A_575 = vector.shape_cast %broadcast_in_dim3A_574 : vector<16x1xi32> to vector<16xi32>
        %gather3A_576 = tpu.dynamic_gather %max3A_573[%gather3A_575] in [0] : vector<16xf32>, vector<16xi32> -> vector<16xf32>
        %max3A_577 = arith.maximumf %max3A_573, %gather3A_576 : vector<16xf32>
        %broadcast_in_dim3A_578 = vector.shape_cast %xor3A_42 : vector<16xi32> to vector<16x1xi32>
        %gather3A_579 = vector.shape_cast %broadcast_in_dim3A_578 : vector<16x1xi32> to vector<16xi32>
        %gather3A_580 = tpu.dynamic_gather %max3A_577[%gather3A_579] in [0] : vector<16xf32>, vector<16xi32> -> vector<16xf32>
        %max3A_581 = arith.maximumf %max3A_577, %gather3A_580 : vector<16xf32>
        %broadcast_in_dim3A_582 = vector.shape_cast %xor3A_45 : vector<16xi32> to vector<16x1xi32>
        %gather3A_583 = vector.shape_cast %broadcast_in_dim3A_582 : vector<16x1xi32> to vector<16xi32>
        %gather3A_584 = tpu.dynamic_gather %max3A_581[%gather3A_583] in [0] : vector<16xf32>, vector<16xi32> -> vector<16xf32>
        %max3A_585 = arith.maximumf %max3A_581, %gather3A_584 : vector<16xf32>
        %eq3A_586 = arith.cmpf oeq, %get3A_542, %max3A_585 : vector<16xf32>
        %jit3A_587 = arith.constant -3.000000e+38 : f32
        %broadcast_in_dim3A_588 = vector.broadcast %jit3A_587 : f32 to vector<16xf32>
        %select_n3A_589 = arith.select %eq3A_586, %broadcast_in_dim3A_588, %get3A_542 : vector<16xi1>, vector<16xf32>
        %eq3A_590 = arith.cmpf oeq, %get3A_550, %max3A_585 : vector<16xf32>
        %jit3A_591 = arith.constant -3.000000e+38 : f32
        %broadcast_in_dim3A_592 = vector.broadcast %jit3A_591 : f32 to vector<16xf32>
        %select_n3A_593 = arith.select %eq3A_590, %broadcast_in_dim3A_592, %get3A_550 : vector<16xi1>, vector<16xf32>
        %eq3A_594 = arith.cmpf oeq, %get3A_558, %max3A_585 : vector<16xf32>
        %jit3A_595 = arith.constant -3.000000e+38 : f32
        %broadcast_in_dim3A_596 = vector.broadcast %jit3A_595 : f32 to vector<16xf32>
        %select_n3A_597 = arith.select %eq3A_594, %broadcast_in_dim3A_596, %get3A_558 : vector<16xi1>, vector<16xf32>
        %eq3A_598 = arith.cmpf oeq, %get3A_566, %max3A_585 : vector<16xf32>
        %jit3A_599 = arith.constant -3.000000e+38 : f32
        %broadcast_in_dim3A_600 = vector.broadcast %jit3A_599 : f32 to vector<16xf32>
        %select_n3A_601 = arith.select %eq3A_598, %broadcast_in_dim3A_600, %get3A_566 : vector<16xi1>, vector<16xf32>
        %max3A_602 = arith.maximumf %select_n3A_589, %select_n3A_593 : vector<16xf32>
        %max3A_603 = arith.maximumf %select_n3A_597, %select_n3A_601 : vector<16xf32>
        %max3A_604 = arith.maximumf %max3A_602, %max3A_603 : vector<16xf32>
        %broadcast_in_dim3A_605 = vector.shape_cast %xor3A_36 : vector<16xi32> to vector<16x1xi32>
        %gather3A_606 = vector.shape_cast %broadcast_in_dim3A_605 : vector<16x1xi32> to vector<16xi32>
        %gather3A_607 = tpu.dynamic_gather %max3A_604[%gather3A_606] in [0] : vector<16xf32>, vector<16xi32> -> vector<16xf32>
        %max3A_608 = arith.maximumf %max3A_604, %gather3A_607 : vector<16xf32>
        %broadcast_in_dim3A_609 = vector.shape_cast %xor3A_39 : vector<16xi32> to vector<16x1xi32>
        %gather3A_610 = vector.shape_cast %broadcast_in_dim3A_609 : vector<16x1xi32> to vector<16xi32>
        %gather3A_611 = tpu.dynamic_gather %max3A_608[%gather3A_610] in [0] : vector<16xf32>, vector<16xi32> -> vector<16xf32>
        %max3A_612 = arith.maximumf %max3A_608, %gather3A_611 : vector<16xf32>
        %broadcast_in_dim3A_613 = vector.shape_cast %xor3A_42 : vector<16xi32> to vector<16x1xi32>
        %gather3A_614 = vector.shape_cast %broadcast_in_dim3A_613 : vector<16x1xi32> to vector<16xi32>
        %gather3A_615 = tpu.dynamic_gather %max3A_612[%gather3A_614] in [0] : vector<16xf32>, vector<16xi32> -> vector<16xf32>
        %max3A_616 = arith.maximumf %max3A_612, %gather3A_615 : vector<16xf32>
        %broadcast_in_dim3A_617 = vector.shape_cast %xor3A_45 : vector<16xi32> to vector<16x1xi32>
        %gather3A_618 = vector.shape_cast %broadcast_in_dim3A_617 : vector<16x1xi32> to vector<16xi32>
        %gather3A_619 = tpu.dynamic_gather %max3A_616[%gather3A_618] in [0] : vector<16xf32>, vector<16xi32> -> vector<16xf32>
        %max3A_620 = arith.maximumf %max3A_616, %gather3A_619 : vector<16xf32>
        %exp3A_621 = math.exp %get3A_542 : vector<16xf32>
        %exp3A_622 = math.exp %get3A_550 : vector<16xf32>
        %exp3A_623 = math.exp %get3A_558 : vector<16xf32>
        %exp3A_624 = math.exp %get3A_566 : vector<16xf32>
        %add3A_625 = arith.addf %exp3A_621, %exp3A_622 : vector<16xf32>
        %add3A_626 = arith.addf %exp3A_623, %exp3A_624 : vector<16xf32>
        %add3A_627 = arith.addf %add3A_625, %add3A_626 : vector<16xf32>
        %broadcast_in_dim3A_628 = vector.shape_cast %xor3A_36 : vector<16xi32> to vector<16x1xi32>
        %gather3A_629 = vector.shape_cast %broadcast_in_dim3A_628 : vector<16x1xi32> to vector<16xi32>
        %gather3A_630 = tpu.dynamic_gather %add3A_627[%gather3A_629] in [0] : vector<16xf32>, vector<16xi32> -> vector<16xf32>
        %add3A_631 = arith.addf %add3A_627, %gather3A_630 : vector<16xf32>
        %broadcast_in_dim3A_632 = vector.shape_cast %xor3A_39 : vector<16xi32> to vector<16x1xi32>
        %gather3A_633 = vector.shape_cast %broadcast_in_dim3A_632 : vector<16x1xi32> to vector<16xi32>
        %gather3A_634 = tpu.dynamic_gather %add3A_631[%gather3A_633] in [0] : vector<16xf32>, vector<16xi32> -> vector<16xf32>
        %add3A_635 = arith.addf %add3A_631, %gather3A_634 : vector<16xf32>
        %broadcast_in_dim3A_636 = vector.shape_cast %xor3A_42 : vector<16xi32> to vector<16x1xi32>
        %gather3A_637 = vector.shape_cast %broadcast_in_dim3A_636 : vector<16x1xi32> to vector<16xi32>
        %gather3A_638 = tpu.dynamic_gather %add3A_635[%gather3A_637] in [0] : vector<16xf32>, vector<16xi32> -> vector<16xf32>
        %add3A_639 = arith.addf %add3A_635, %gather3A_638 : vector<16xf32>
        %broadcast_in_dim3A_640 = vector.shape_cast %xor3A_45 : vector<16xi32> to vector<16x1xi32>
        %gather3A_641 = vector.shape_cast %broadcast_in_dim3A_640 : vector<16x1xi32> to vector<16xi32>
        %gather3A_642 = tpu.dynamic_gather %add3A_639[%gather3A_641] in [0] : vector<16xf32>, vector<16xi32> -> vector<16xf32>
        %add3A_643 = arith.addf %add3A_639, %gather3A_642 : vector<16xf32>
        %div3A_644 = arith.constant 1.000000e+00 : f32
        %div3A_645 = vector.broadcast %div3A_644 : f32 to vector<16xf32>
        %div3A_646 = arith.divf %div3A_645, %add3A_643 : vector<16xf32>
        %ge3A_647 = arith.cmpf oge, %get3A_542, %max3A_620 : vector<16xf32>
        %jit3A_648 = arith.constant 1.000000e+00 : f32
        %jit3A_649 = arith.constant 0.000000e+00 : f32
        %broadcast_in_dim3A_650 = vector.broadcast %jit3A_648 : f32 to vector<16xf32>
        %broadcast_in_dim3A_651 = vector.broadcast %jit3A_649 : f32 to vector<16xf32>
        %select_n3A_652 = arith.select %ge3A_647, %broadcast_in_dim3A_650, %broadcast_in_dim3A_651 : vector<16xi1>, vector<16xf32>
        %add3A_653 = arith.addf %add3A_501, %select_n3A_652 : vector<16xf32>
        %ge3A_654 = arith.cmpf oge, %get3A_550, %max3A_620 : vector<16xf32>
        %jit3A_655 = arith.constant 1.000000e+00 : f32
        %jit3A_656 = arith.constant 0.000000e+00 : f32
        %broadcast_in_dim3A_657 = vector.broadcast %jit3A_655 : f32 to vector<16xf32>
        %broadcast_in_dim3A_658 = vector.broadcast %jit3A_656 : f32 to vector<16xf32>
        %select_n3A_659 = arith.select %ge3A_654, %broadcast_in_dim3A_657, %broadcast_in_dim3A_658 : vector<16xi1>, vector<16xf32>
        %add3A_660 = arith.addf %add3A_508, %select_n3A_659 : vector<16xf32>
        %ge3A_661 = arith.cmpf oge, %get3A_558, %max3A_620 : vector<16xf32>
        %jit3A_662 = arith.constant 1.000000e+00 : f32
        %jit3A_663 = arith.constant 0.000000e+00 : f32
        %broadcast_in_dim3A_664 = vector.broadcast %jit3A_662 : f32 to vector<16xf32>
        %broadcast_in_dim3A_665 = vector.broadcast %jit3A_663 : f32 to vector<16xf32>
        %select_n3A_666 = arith.select %ge3A_661, %broadcast_in_dim3A_664, %broadcast_in_dim3A_665 : vector<16xi1>, vector<16xf32>
        %add3A_667 = arith.addf %add3A_515, %select_n3A_666 : vector<16xf32>
        %ge3A_668 = arith.cmpf oge, %get3A_566, %max3A_620 : vector<16xf32>
        %jit3A_669 = arith.constant 1.000000e+00 : f32
        %jit3A_670 = arith.constant 0.000000e+00 : f32
        %broadcast_in_dim3A_671 = vector.broadcast %jit3A_669 : f32 to vector<16xf32>
        %broadcast_in_dim3A_672 = vector.broadcast %jit3A_670 : f32 to vector<16xf32>
        %select_n3A_673 = arith.select %ge3A_668, %broadcast_in_dim3A_671, %broadcast_in_dim3A_672 : vector<16xi1>, vector<16xf32>
        %add3A_674 = arith.addf %add3A_522, %select_n3A_673 : vector<16xf32>
        %mul3A_675 = arith.mulf %exp3A_621, %div3A_646 : vector<16xf32>
        %add3A_676 = arith.addf %add3A_524, %mul3A_675 : vector<16xf32>
        %mul3A_677 = arith.mulf %exp3A_622, %div3A_646 : vector<16xf32>
        %add3A_678 = arith.addf %add3A_526, %mul3A_677 : vector<16xf32>
        %mul3A_679 = arith.mulf %exp3A_623, %div3A_646 : vector<16xf32>
        %add3A_680 = arith.addf %add3A_528, %mul3A_679 : vector<16xf32>
        %mul3A_681 = arith.mulf %exp3A_624, %div3A_646 : vector<16xf32>
        %add3A_682 = arith.addf %add3A_530, %mul3A_681 : vector<16xf32>
        %mul3A_683 = arith.constant 4 : i32
        %mul3A_684 = arith.muli %scan3A_223, %mul3A_683 : i32
        %add3A_685 = arith.constant 3 : i32
        %add3A_686 = arith.addi %mul3A_684, %add3A_685 : i32
        %get3A_687 = arith.constant 0 : i32
        %get3A_688 = arith.constant 0 : i32
        %get3A_689 = tpu.memref_slice %arg4[%scan3A_173, %get3A_687, %get3A_688] : memref<2x256x64xf32, #tpu.memory_space<vmem>> -> memref<1x256x64xf32, #tpu.memory_space<vmem>>
        %get3A_690 = tpu.memref_squeeze %get3A_689 : memref<1x256x64xf32, #tpu.memory_space<vmem>> -> memref<256x64xf32, #tpu.memory_space<vmem>>
        %get3A_691 = arith.index_cast %add3A_686 : i32 to index
        %get3A_692 = arith.constant 0 : index
        %get3A_693 = tpu.vector_load %get3A_690[%get3A_691, %get3A_692] {strides = array<i32>} : memref<256x64xf32, #tpu.memory_space<vmem>>, vector<1x16xf32>,
        %get3A_694 = vector.shape_cast %get3A_693 : vector<1x16xf32> to vector<16xf32>
        %get3A_695 = arith.constant 0 : i32
        %get3A_696 = arith.constant 0 : i32
        %get3A_697 = tpu.memref_slice %arg4[%scan3A_173, %get3A_695, %get3A_696] : memref<2x256x64xf32, #tpu.memory_space<vmem>> -> memref<1x256x64xf32, #tpu.memory_space<vmem>>
        %get3A_698 = tpu.memref_squeeze %get3A_697 : memref<1x256x64xf32, #tpu.memory_space<vmem>> -> memref<256x64xf32, #tpu.memory_space<vmem>>
        %get3A_699 = arith.index_cast %add3A_686 : i32 to index
        %get3A_700 = arith.constant 16 : index
        %get3A_701 = tpu.vector_load %get3A_698[%get3A_699, %get3A_700] {strides = array<i32>} : memref<256x64xf32, #tpu.memory_space<vmem>>, vector<1x16xf32>,
        %get3A_702 = vector.shape_cast %get3A_701 : vector<1x16xf32> to vector<16xf32>
        %get3A_703 = arith.constant 0 : i32
        %get3A_704 = arith.constant 0 : i32
        %get3A_705 = tpu.memref_slice %arg4[%scan3A_173, %get3A_703, %get3A_704] : memref<2x256x64xf32, #tpu.memory_space<vmem>> -> memref<1x256x64xf32, #tpu.memory_space<vmem>>
        %get3A_706 = tpu.memref_squeeze %get3A_705 : memref<1x256x64xf32, #tpu.memory_space<vmem>> -> memref<256x64xf32, #tpu.memory_space<vmem>>
        %get3A_707 = arith.index_cast %add3A_686 : i32 to index
        %get3A_708 = arith.constant 32 : index
        %get3A_709 = tpu.vector_load %get3A_706[%get3A_707, %get3A_708] {strides = array<i32>} : memref<256x64xf32, #tpu.memory_space<vmem>>, vector<1x16xf32>,
        %get3A_710 = vector.shape_cast %get3A_709 : vector<1x16xf32> to vector<16xf32>
        %get3A_711 = arith.constant 0 : i32
        %get3A_712 = arith.constant 0 : i32
        %get3A_713 = tpu.memref_slice %arg4[%scan3A_173, %get3A_711, %get3A_712] : memref<2x256x64xf32, #tpu.memory_space<vmem>> -> memref<1x256x64xf32, #tpu.memory_space<vmem>>
        %get3A_714 = tpu.memref_squeeze %get3A_713 : memref<1x256x64xf32, #tpu.memory_space<vmem>> -> memref<256x64xf32, #tpu.memory_space<vmem>>
        %get3A_715 = arith.index_cast %add3A_686 : i32 to index
        %get3A_716 = arith.constant 48 : index
        %get3A_717 = tpu.vector_load %get3A_714[%get3A_715, %get3A_716] {strides = array<i32>} : memref<256x64xf32, #tpu.memory_space<vmem>>, vector<1x16xf32>,
        %get3A_718 = vector.shape_cast %get3A_717 : vector<1x16xf32> to vector<16xf32>
        %max3A_719 = arith.maximumf %get3A_694, %get3A_702 : vector<16xf32>
        %max3A_720 = arith.maximumf %get3A_710, %get3A_718 : vector<16xf32>
        %max3A_721 = arith.maximumf %max3A_719, %max3A_720 : vector<16xf32>
        %broadcast_in_dim3A_722 = vector.shape_cast %xor3A_36 : vector<16xi32> to vector<16x1xi32>
        %gather3A_723 = vector.shape_cast %broadcast_in_dim3A_722 : vector<16x1xi32> to vector<16xi32>
        %gather3A_724 = tpu.dynamic_gather %max3A_721[%gather3A_723] in [0] : vector<16xf32>, vector<16xi32> -> vector<16xf32>
        %max3A_725 = arith.maximumf %max3A_721, %gather3A_724 : vector<16xf32>
        %broadcast_in_dim3A_726 = vector.shape_cast %xor3A_39 : vector<16xi32> to vector<16x1xi32>
        %gather3A_727 = vector.shape_cast %broadcast_in_dim3A_726 : vector<16x1xi32> to vector<16xi32>
        %gather3A_728 = tpu.dynamic_gather %max3A_725[%gather3A_727] in [0] : vector<16xf32>, vector<16xi32> -> vector<16xf32>
        %max3A_729 = arith.maximumf %max3A_725, %gather3A_728 : vector<16xf32>
        %broadcast_in_dim3A_730 = vector.shape_cast %xor3A_42 : vector<16xi32> to vector<16x1xi32>
        %gather3A_731 = vector.shape_cast %broadcast_in_dim3A_730 : vector<16x1xi32> to vector<16xi32>
        %gather3A_732 = tpu.dynamic_gather %max3A_729[%gather3A_731] in [0] : vector<16xf32>, vector<16xi32> -> vector<16xf32>
        %max3A_733 = arith.maximumf %max3A_729, %gather3A_732 : vector<16xf32>
        %broadcast_in_dim3A_734 = vector.shape_cast %xor3A_45 : vector<16xi32> to vector<16x1xi32>
        %gather3A_735 = vector.shape_cast %broadcast_in_dim3A_734 : vector<16x1xi32> to vector<16xi32>
        %gather3A_736 = tpu.dynamic_gather %max3A_733[%gather3A_735] in [0] : vector<16xf32>, vector<16xi32> -> vector<16xf32>
        %max3A_737 = arith.maximumf %max3A_733, %gather3A_736 : vector<16xf32>
        %eq3A_738 = arith.cmpf oeq, %get3A_694, %max3A_737 : vector<16xf32>
        %jit3A_739 = arith.constant -3.000000e+38 : f32
        %broadcast_in_dim3A_740 = vector.broadcast %jit3A_739 : f32 to vector<16xf32>
        %select_n3A_741 = arith.select %eq3A_738, %broadcast_in_dim3A_740, %get3A_694 : vector<16xi1>, vector<16xf32>
        %eq3A_742 = arith.cmpf oeq, %get3A_702, %max3A_737 : vector<16xf32>
        %jit3A_743 = arith.constant -3.000000e+38 : f32
        %broadcast_in_dim3A_744 = vector.broadcast %jit3A_743 : f32 to vector<16xf32>
        %select_n3A_745 = arith.select %eq3A_742, %broadcast_in_dim3A_744, %get3A_702 : vector<16xi1>, vector<16xf32>
        %eq3A_746 = arith.cmpf oeq, %get3A_710, %max3A_737 : vector<16xf32>
        %jit3A_747 = arith.constant -3.000000e+38 : f32
        %broadcast_in_dim3A_748 = vector.broadcast %jit3A_747 : f32 to vector<16xf32>
        %select_n3A_749 = arith.select %eq3A_746, %broadcast_in_dim3A_748, %get3A_710 : vector<16xi1>, vector<16xf32>
        %eq3A_750 = arith.cmpf oeq, %get3A_718, %max3A_737 : vector<16xf32>
        %jit3A_751 = arith.constant -3.000000e+38 : f32
        %broadcast_in_dim3A_752 = vector.broadcast %jit3A_751 : f32 to vector<16xf32>
        %select_n3A_753 = arith.select %eq3A_750, %broadcast_in_dim3A_752, %get3A_718 : vector<16xi1>, vector<16xf32>
        %max3A_754 = arith.maximumf %select_n3A_741, %select_n3A_745 : vector<16xf32>
        %max3A_755 = arith.maximumf %select_n3A_749, %select_n3A_753 : vector<16xf32>
        %max3A_756 = arith.maximumf %max3A_754, %max3A_755 : vector<16xf32>
        %broadcast_in_dim3A_757 = vector.shape_cast %xor3A_36 : vector<16xi32> to vector<16x1xi32>
        %gather3A_758 = vector.shape_cast %broadcast_in_dim3A_757 : vector<16x1xi32> to vector<16xi32>
        %gather3A_759 = tpu.dynamic_gather %max3A_756[%gather3A_758] in [0] : vector<16xf32>, vector<16xi32> -> vector<16xf32>
        %max3A_760 = arith.maximumf %max3A_756, %gather3A_759 : vector<16xf32>
        %broadcast_in_dim3A_761 = vector.shape_cast %xor3A_39 : vector<16xi32> to vector<16x1xi32>
        %gather3A_762 = vector.shape_cast %broadcast_in_dim3A_761 : vector<16x1xi32> to vector<16xi32>
        %gather3A_763 = tpu.dynamic_gather %max3A_760[%gather3A_762] in [0] : vector<16xf32>, vector<16xi32> -> vector<16xf32>
        %max3A_764 = arith.maximumf %max3A_760, %gather3A_763 : vector<16xf32>
        %broadcast_in_dim3A_765 = vector.shape_cast %xor3A_42 : vector<16xi32> to vector<16x1xi32>
        %gather3A_766 = vector.shape_cast %broadcast_in_dim3A_765 : vector<16x1xi32> to vector<16xi32>
        %gather3A_767 = tpu.dynamic_gather %max3A_764[%gather3A_766] in [0] : vector<16xf32>, vector<16xi32> -> vector<16xf32>
        %max3A_768 = arith.maximumf %max3A_764, %gather3A_767 : vector<16xf32>
        %broadcast_in_dim3A_769 = vector.shape_cast %xor3A_45 : vector<16xi32> to vector<16x1xi32>
        %gather3A_770 = vector.shape_cast %broadcast_in_dim3A_769 : vector<16x1xi32> to vector<16xi32>
        %gather3A_771 = tpu.dynamic_gather %max3A_768[%gather3A_770] in [0] : vector<16xf32>, vector<16xi32> -> vector<16xf32>
        %max3A_772 = arith.maximumf %max3A_768, %gather3A_771 : vector<16xf32>
        %exp3A_773 = math.exp %get3A_694 : vector<16xf32>
        %exp3A_774 = math.exp %get3A_702 : vector<16xf32>
        %exp3A_775 = math.exp %get3A_710 : vector<16xf32>
        %exp3A_776 = math.exp %get3A_718 : vector<16xf32>
        %add3A_777 = arith.addf %exp3A_773, %exp3A_774 : vector<16xf32>
        %add3A_778 = arith.addf %exp3A_775, %exp3A_776 : vector<16xf32>
        %add3A_779 = arith.addf %add3A_777, %add3A_778 : vector<16xf32>
        %broadcast_in_dim3A_780 = vector.shape_cast %xor3A_36 : vector<16xi32> to vector<16x1xi32>
        %gather3A_781 = vector.shape_cast %broadcast_in_dim3A_780 : vector<16x1xi32> to vector<16xi32>
        %gather3A_782 = tpu.dynamic_gather %add3A_779[%gather3A_781] in [0] : vector<16xf32>, vector<16xi32> -> vector<16xf32>
        %add3A_783 = arith.addf %add3A_779, %gather3A_782 : vector<16xf32>
        %broadcast_in_dim3A_784 = vector.shape_cast %xor3A_39 : vector<16xi32> to vector<16x1xi32>
        %gather3A_785 = vector.shape_cast %broadcast_in_dim3A_784 : vector<16x1xi32> to vector<16xi32>
        %gather3A_786 = tpu.dynamic_gather %add3A_783[%gather3A_785] in [0] : vector<16xf32>, vector<16xi32> -> vector<16xf32>
        %add3A_787 = arith.addf %add3A_783, %gather3A_786 : vector<16xf32>
        %broadcast_in_dim3A_788 = vector.shape_cast %xor3A_42 : vector<16xi32> to vector<16x1xi32>
        %gather3A_789 = vector.shape_cast %broadcast_in_dim3A_788 : vector<16x1xi32> to vector<16xi32>
        %gather3A_790 = tpu.dynamic_gather %add3A_787[%gather3A_789] in [0] : vector<16xf32>, vector<16xi32> -> vector<16xf32>
        %add3A_791 = arith.addf %add3A_787, %gather3A_790 : vector<16xf32>
        %broadcast_in_dim3A_792 = vector.shape_cast %xor3A_45 : vector<16xi32> to vector<16x1xi32>
        %gather3A_793 = vector.shape_cast %broadcast_in_dim3A_792 : vector<16x1xi32> to vector<16xi32>
        %gather3A_794 = tpu.dynamic_gather %add3A_791[%gather3A_793] in [0] : vector<16xf32>, vector<16xi32> -> vector<16xf32>
        %add3A_795 = arith.addf %add3A_791, %gather3A_794 : vector<16xf32>
        %div3A_796 = arith.constant 1.000000e+00 : f32
        %div3A_797 = vector.broadcast %div3A_796 : f32 to vector<16xf32>
        %div3A_798 = arith.divf %div3A_797, %add3A_795 : vector<16xf32>
        %ge3A_799 = arith.cmpf oge, %get3A_694, %max3A_772 : vector<16xf32>
        %jit3A_800 = arith.constant 1.000000e+00 : f32
        %jit3A_801 = arith.constant 0.000000e+00 : f32
        %broadcast_in_dim3A_802 = vector.broadcast %jit3A_800 : f32 to vector<16xf32>
        %broadcast_in_dim3A_803 = vector.broadcast %jit3A_801 : f32 to vector<16xf32>
        %select_n3A_804 = arith.select %ge3A_799, %broadcast_in_dim3A_802, %broadcast_in_dim3A_803 : vector<16xi1>, vector<16xf32>
        %add3A_805 = arith.addf %add3A_653, %select_n3A_804 : vector<16xf32>
        %ge3A_806 = arith.cmpf oge, %get3A_702, %max3A_772 : vector<16xf32>
        %jit3A_807 = arith.constant 1.000000e+00 : f32
        %jit3A_808 = arith.constant 0.000000e+00 : f32
        %broadcast_in_dim3A_809 = vector.broadcast %jit3A_807 : f32 to vector<16xf32>
        %broadcast_in_dim3A_810 = vector.broadcast %jit3A_808 : f32 to vector<16xf32>
        %select_n3A_811 = arith.select %ge3A_806, %broadcast_in_dim3A_809, %broadcast_in_dim3A_810 : vector<16xi1>, vector<16xf32>
        %add3A_812 = arith.addf %add3A_660, %select_n3A_811 : vector<16xf32>
        %ge3A_813 = arith.cmpf oge, %get3A_710, %max3A_772 : vector<16xf32>
        %jit3A_814 = arith.constant 1.000000e+00 : f32
        %jit3A_815 = arith.constant 0.000000e+00 : f32
        %broadcast_in_dim3A_816 = vector.broadcast %jit3A_814 : f32 to vector<16xf32>
        %broadcast_in_dim3A_817 = vector.broadcast %jit3A_815 : f32 to vector<16xf32>
        %select_n3A_818 = arith.select %ge3A_813, %broadcast_in_dim3A_816, %broadcast_in_dim3A_817 : vector<16xi1>, vector<16xf32>
        %add3A_819 = arith.addf %add3A_667, %select_n3A_818 : vector<16xf32>
        %ge3A_820 = arith.cmpf oge, %get3A_718, %max3A_772 : vector<16xf32>
        %jit3A_821 = arith.constant 1.000000e+00 : f32
        %jit3A_822 = arith.constant 0.000000e+00 : f32
        %broadcast_in_dim3A_823 = vector.broadcast %jit3A_821 : f32 to vector<16xf32>
        %broadcast_in_dim3A_824 = vector.broadcast %jit3A_822 : f32 to vector<16xf32>
        %select_n3A_825 = arith.select %ge3A_820, %broadcast_in_dim3A_823, %broadcast_in_dim3A_824 : vector<16xi1>, vector<16xf32>
        %add3A_826 = arith.addf %add3A_674, %select_n3A_825 : vector<16xf32>
        %mul3A_827 = arith.mulf %exp3A_773, %div3A_798 : vector<16xf32>
        %add3A_828 = arith.addf %add3A_676, %mul3A_827 : vector<16xf32>
        %mul3A_829 = arith.mulf %exp3A_774, %div3A_798 : vector<16xf32>
        %add3A_830 = arith.addf %add3A_678, %mul3A_829 : vector<16xf32>
        %mul3A_831 = arith.mulf %exp3A_775, %div3A_798 : vector<16xf32>
        %add3A_832 = arith.addf %add3A_680, %mul3A_831 : vector<16xf32>
        %mul3A_833 = arith.mulf %exp3A_776, %div3A_798 : vector<16xf32>
        %add3A_834 = arith.addf %add3A_682, %mul3A_833 : vector<16xf32>
        scf.yield %add3A_805, %add3A_812, %add3A_819, %add3A_826, %add3A_828, %add3A_830, %add3A_832, %add3A_834 : vector<16xf32>, vector<16xf32>, vector<16xf32>, vector<16xf32>, vector<16xf32>, vector<16xf32>, vector<16xf32>, vector<16xf32>
      }
      %scan3A_179 = arith.constant 64 : i32
      %add3A_180 = arith.constant 2 : i32
      %add3A_181 = arith.addi %mul3A_137, %add3A_180 : i32
      %min3A = arith.constant 31 : i32
      %min3A_182 = arith.minsi %add3A_181, %min3A : i32
      %mul3A_183 = arith.constant 256 : i32
      %mul3A_184 = arith.muli %min3A_182, %mul3A_183 : i32
      %add3A_185 = arith.addi %mul3A_34, %mul3A_184 : i32
      %dma_start3A_186 = arith.constant 0 : i32
      %dma_start3A_187 = arith.constant 0 : i32
      %dma_start3A_188 = arith.constant 0 : i32
      %dma_start3A_189 = tpu.memref_slice %arg4[%dma_start3A_186, %dma_start3A_187, %dma_start3A_188] : memref<2x256x64xf32, #tpu.memory_space<vmem>> -> memref<1x256x64xf32, #tpu.memory_space<vmem>>
      %dma_start3A_190 = tpu.memref_squeeze %dma_start3A_189 : memref<1x256x64xf32, #tpu.memory_space<vmem>> -> memref<256x64xf32, #tpu.memory_space<vmem>>
      %dma_start3A_191 = arith.constant 0 : i32
      %dma_start3A_192 = tpu.memref_slice %arg2[%add3A_18, %add3A_185, %dma_start3A_191] : memref<32x16384x64xf32, #tpu.memory_space<hbm>> -> memref<1x256x64xf32, #tpu.memory_space<hbm>>
      %dma_start3A_193 = tpu.memref_squeeze %dma_start3A_192 : memref<1x256x64xf32, #tpu.memory_space<hbm>> -> memref<256x64xf32, #tpu.memory_space<hbm>>
      %dma_start3A_194 = arith.constant 0 : i32
      %dma_start3A_195 = arith.constant 0 : i32
      %dma_start3A_196 = tpu.memref_slice %arg4[%dma_start3A_186, %dma_start3A_194, %dma_start3A_195] : memref<2x256x64xf32, #tpu.memory_space<vmem>> -> memref<1x256x64xf32, #tpu.memory_space<vmem>>
      %dma_start3A_197 = tpu.memref_squeeze %dma_start3A_196 : memref<1x256x64xf32, #tpu.memory_space<vmem>> -> memref<256x64xf32, #tpu.memory_space<vmem>>
      %dma_start3A_198 = arith.constant 0 : i32
      %dma_start3A_199 = tpu.memref_slice %arg2[%add3A_18, %add3A_185, %dma_start3A_198] : memref<32x16384x64xf32, #tpu.memory_space<hbm>> -> memref<1x256x64xf32, #tpu.memory_space<hbm>>
      %dma_start3A_200 = tpu.memref_squeeze %dma_start3A_199 : memref<1x256x64xf32, #tpu.memory_space<hbm>> -> memref<256x64xf32, #tpu.memory_space<hbm>>
      tpu.enqueue_dma source(%dma_start3A_200 : memref<256x64xf32, #tpu.memory_space<hbm>>) target(%dma_start3A_197 : memref<256x64xf32, #tpu.memory_space<vmem>>) target_semaphore(%arg6 : memref<!tpu.dma_semaphore, #tpu.memory_space<semaphore_mem>>)
      %dma_wait3A_201 = arith.constant 1 : i32
      %dma_wait3A_202 = arith.constant 0 : i32
      %dma_wait3A_203 = arith.constant 0 : i32
      %dma_wait3A_204 = tpu.memref_slice %arg4[%dma_wait3A_201, %dma_wait3A_202, %dma_wait3A_203] : memref<2x256x64xf32, #tpu.memory_space<vmem>> -> memref<1x256x64xf32, #tpu.memory_space<vmem>>
      %dma_wait3A_205 = tpu.memref_squeeze %dma_wait3A_204 : memref<1x256x64xf32, #tpu.memory_space<vmem>> -> memref<256x64xf32, #tpu.memory_space<vmem>>
      %dma_wait3A_206 = arith.constant 0 : i32
      %dma_wait3A_207 = tpu.memref_slice %arg2[%add3A_18, %mul3A_34, %dma_wait3A_206] : memref<32x16384x64xf32, #tpu.memory_space<hbm>> -> memref<1x256x64xf32, #tpu.memory_space<hbm>>
      %dma_wait3A_208 = tpu.memref_squeeze %dma_wait3A_207 : memref<1x256x64xf32, #tpu.memory_space<hbm>> -> memref<256x64xf32, #tpu.memory_space<hbm>>
      %dma_wait3A_209 = arith.constant 0 : i32
      %dma_wait3A_210 = arith.constant 0 : i32
      %dma_wait3A_211 = tpu.memref_slice %arg4[%dma_wait3A_201, %dma_wait3A_209, %dma_wait3A_210] : memref<2x256x64xf32, #tpu.memory_space<vmem>> -> memref<1x256x64xf32, #tpu.memory_space<vmem>>
      %dma_wait3A_212 = tpu.memref_squeeze %dma_wait3A_211 : memref<1x256x64xf32, #tpu.memory_space<vmem>> -> memref<256x64xf32, #tpu.memory_space<vmem>>
      %dma_wait3A_213 = arith.constant 0 : i32
      %dma_wait3A_214 = tpu.memref_slice %arg2[%add3A_18, %mul3A_34, %dma_wait3A_213] : memref<32x16384x64xf32, #tpu.memory_space<hbm>> -> memref<1x256x64xf32, #tpu.memory_space<hbm>>
      %dma_wait3A_215 = tpu.memref_squeeze %dma_wait3A_214 : memref<1x256x64xf32, #tpu.memory_space<hbm>> -> memref<256x64xf32, #tpu.memory_space<hbm>>
      tpu.wait_dma2 semaphore(%arg7 : memref<!tpu.dma_semaphore, #tpu.memory_space<semaphore_mem>>) src(%dma_wait3A_215 : memref<256x64xf32, #tpu.memory_space<hbm>>) dst(%dma_wait3A_212 : memref<256x64xf32, #tpu.memory_space<vmem>>)
      %scan3A_216 = arith.constant 1 : i32
      %scan3A_217 = arith.constant 0 : i32
      %scan3A_218 = arith.constant 64 : i32
      %scan3A_219 = arith.addi %scan3A_217, %scan3A_218 : i32
      %scan3A_220 = arith.constant 1 : i32
      %scan3A_221:8 = scf.for %scan3A_223 = %scan3A_217 to %scan3A_219 step %scan3A_220 iter_args(%scan3A_224 = %scan3A_178#0, %scan3A_225 = %scan3A_178#1, %scan3A_226 = %scan3A_178#2, %scan3A_227 = %scan3A_178#3, %scan3A_228 = %scan3A_178#4, %scan3A_229 = %scan3A_178#5, %scan3A_230 = %scan3A_178#6, %scan3A_231 = %scan3A_178#7) -> (vector<16xf32>, vector<16xf32>, vector<16xf32>, vector<16xf32>, vector<16xf32>, vector<16xf32>, vector<16xf32>, vector<16xf32>)  : i32 {
        %mul3A_232 = arith.constant 4 : i32
        %mul3A_233 = arith.muli %scan3A_223, %mul3A_232 : i32
        %add3A_234 = arith.constant 0 : i32
        %add3A_235 = arith.addi %mul3A_233, %add3A_234 : i32
        %get3A = arith.constant 0 : i32
        %get3A_236 = arith.constant 0 : i32
        %get3A_237 = tpu.memref_slice %arg4[%scan3A_216, %get3A, %get3A_236] : memref<2x256x64xf32, #tpu.memory_space<vmem>> -> memref<1x256x64xf32, #tpu.memory_space<vmem>>
        %get3A_238 = tpu.memref_squeeze %get3A_237 : memref<1x256x64xf32, #tpu.memory_space<vmem>> -> memref<256x64xf32, #tpu.memory_space<vmem>>
        %get3A_239 = arith.index_cast %add3A_235 : i32 to index
        %get3A_240 = arith.constant 0 : index
        %get3A_241 = tpu.vector_load %get3A_238[%get3A_239, %get3A_240] {strides = array<i32>} : memref<256x64xf32, #tpu.memory_space<vmem>>, vector<1x16xf32>,
        %get3A_242 = vector.shape_cast %get3A_241 : vector<1x16xf32> to vector<16xf32>
        %get3A_243 = arith.constant 0 : i32
        %get3A_244 = arith.constant 0 : i32
        %get3A_245 = tpu.memref_slice %arg4[%scan3A_216, %get3A_243, %get3A_244] : memref<2x256x64xf32, #tpu.memory_space<vmem>> -> memref<1x256x64xf32, #tpu.memory_space<vmem>>
        %get3A_246 = tpu.memref_squeeze %get3A_245 : memref<1x256x64xf32, #tpu.memory_space<vmem>> -> memref<256x64xf32, #tpu.memory_space<vmem>>
        %get3A_247 = arith.index_cast %add3A_235 : i32 to index
        %get3A_248 = arith.constant 16 : index
        %get3A_249 = tpu.vector_load %get3A_246[%get3A_247, %get3A_248] {strides = array<i32>} : memref<256x64xf32, #tpu.memory_space<vmem>>, vector<1x16xf32>,
        %get3A_250 = vector.shape_cast %get3A_249 : vector<1x16xf32> to vector<16xf32>
        %get3A_251 = arith.constant 0 : i32
        %get3A_252 = arith.constant 0 : i32
        %get3A_253 = tpu.memref_slice %arg4[%scan3A_216, %get3A_251, %get3A_252] : memref<2x256x64xf32, #tpu.memory_space<vmem>> -> memref<1x256x64xf32, #tpu.memory_space<vmem>>
        %get3A_254 = tpu.memref_squeeze %get3A_253 : memref<1x256x64xf32, #tpu.memory_space<vmem>> -> memref<256x64xf32, #tpu.memory_space<vmem>>
        %get3A_255 = arith.index_cast %add3A_235 : i32 to index
        %get3A_256 = arith.constant 32 : index
        %get3A_257 = tpu.vector_load %get3A_254[%get3A_255, %get3A_256] {strides = array<i32>} : memref<256x64xf32, #tpu.memory_space<vmem>>, vector<1x16xf32>,
        %get3A_258 = vector.shape_cast %get3A_257 : vector<1x16xf32> to vector<16xf32>
        %get3A_259 = arith.constant 0 : i32
        %get3A_260 = arith.constant 0 : i32
        %get3A_261 = tpu.memref_slice %arg4[%scan3A_216, %get3A_259, %get3A_260] : memref<2x256x64xf32, #tpu.memory_space<vmem>> -> memref<1x256x64xf32, #tpu.memory_space<vmem>>
        %get3A_262 = tpu.memref_squeeze %get3A_261 : memref<1x256x64xf32, #tpu.memory_space<vmem>> -> memref<256x64xf32, #tpu.memory_space<vmem>>
        %get3A_263 = arith.index_cast %add3A_235 : i32 to index
        %get3A_264 = arith.constant 48 : index
        %get3A_265 = tpu.vector_load %get3A_262[%get3A_263, %get3A_264] {strides = array<i32>} : memref<256x64xf32, #tpu.memory_space<vmem>>, vector<1x16xf32>,
        %get3A_266 = vector.shape_cast %get3A_265 : vector<1x16xf32> to vector<16xf32>
        %max3A = arith.maximumf %get3A_242, %get3A_250 : vector<16xf32>
        %max3A_267 = arith.maximumf %get3A_258, %get3A_266 : vector<16xf32>
        %max3A_268 = arith.maximumf %max3A, %max3A_267 : vector<16xf32>
        %broadcast_in_dim3A_269 = vector.shape_cast %xor3A_36 : vector<16xi32> to vector<16x1xi32>
        %gather3A = vector.shape_cast %broadcast_in_dim3A_269 : vector<16x1xi32> to vector<16xi32>
        %gather3A_270 = tpu.dynamic_gather %max3A_268[%gather3A] in [0] : vector<16xf32>, vector<16xi32> -> vector<16xf32>
        %max3A_271 = arith.maximumf %max3A_268, %gather3A_270 : vector<16xf32>
        %broadcast_in_dim3A_272 = vector.shape_cast %xor3A_39 : vector<16xi32> to vector<16x1xi32>
        %gather3A_273 = vector.shape_cast %broadcast_in_dim3A_272 : vector<16x1xi32> to vector<16xi32>
        %gather3A_274 = tpu.dynamic_gather %max3A_271[%gather3A_273] in [0] : vector<16xf32>, vector<16xi32> -> vector<16xf32>
        %max3A_275 = arith.maximumf %max3A_271, %gather3A_274 : vector<16xf32>
        %broadcast_in_dim3A_276 = vector.shape_cast %xor3A_42 : vector<16xi32> to vector<16x1xi32>
        %gather3A_277 = vector.shape_cast %broadcast_in_dim3A_276 : vector<16x1xi32> to vector<16xi32>
        %gather3A_278 = tpu.dynamic_gather %max3A_275[%gather3A_277] in [0] : vector<16xf32>, vector<16xi32> -> vector<16xf32>
        %max3A_279 = arith.maximumf %max3A_275, %gather3A_278 : vector<16xf32>
        %broadcast_in_dim3A_280 = vector.shape_cast %xor3A_45 : vector<16xi32> to vector<16x1xi32>
        %gather3A_281 = vector.shape_cast %broadcast_in_dim3A_280 : vector<16x1xi32> to vector<16xi32>
        %gather3A_282 = tpu.dynamic_gather %max3A_279[%gather3A_281] in [0] : vector<16xf32>, vector<16xi32> -> vector<16xf32>
        %max3A_283 = arith.maximumf %max3A_279, %gather3A_282 : vector<16xf32>
        %eq3A_284 = arith.cmpf oeq, %get3A_242, %max3A_283 : vector<16xf32>
        %jit3A_285 = arith.constant -3.000000e+38 : f32
        %broadcast_in_dim3A_286 = vector.broadcast %jit3A_285 : f32 to vector<16xf32>
        %select_n3A_287 = arith.select %eq3A_284, %broadcast_in_dim3A_286, %get3A_242 : vector<16xi1>, vector<16xf32>
        %eq3A_288 = arith.cmpf oeq, %get3A_250, %max3A_283 : vector<16xf32>
        %jit3A_289 = arith.constant -3.000000e+38 : f32
        %broadcast_in_dim3A_290 = vector.broadcast %jit3A_289 : f32 to vector<16xf32>
        %select_n3A_291 = arith.select %eq3A_288, %broadcast_in_dim3A_290, %get3A_250 : vector<16xi1>, vector<16xf32>
        %eq3A_292 = arith.cmpf oeq, %get3A_258, %max3A_283 : vector<16xf32>
        %jit3A_293 = arith.constant -3.000000e+38 : f32
        %broadcast_in_dim3A_294 = vector.broadcast %jit3A_293 : f32 to vector<16xf32>
        %select_n3A_295 = arith.select %eq3A_292, %broadcast_in_dim3A_294, %get3A_258 : vector<16xi1>, vector<16xf32>
        %eq3A_296 = arith.cmpf oeq, %get3A_266, %max3A_283 : vector<16xf32>
        %jit3A_297 = arith.constant -3.000000e+38 : f32
        %broadcast_in_dim3A_298 = vector.broadcast %jit3A_297 : f32 to vector<16xf32>
        %select_n3A_299 = arith.select %eq3A_296, %broadcast_in_dim3A_298, %get3A_266 : vector<16xi1>, vector<16xf32>
        %max3A_300 = arith.maximumf %select_n3A_287, %select_n3A_291 : vector<16xf32>
        %max3A_301 = arith.maximumf %select_n3A_295, %select_n3A_299 : vector<16xf32>
        %max3A_302 = arith.maximumf %max3A_300, %max3A_301 : vector<16xf32>
        %broadcast_in_dim3A_303 = vector.shape_cast %xor3A_36 : vector<16xi32> to vector<16x1xi32>
        %gather3A_304 = vector.shape_cast %broadcast_in_dim3A_303 : vector<16x1xi32> to vector<16xi32>
        %gather3A_305 = tpu.dynamic_gather %max3A_302[%gather3A_304] in [0] : vector<16xf32>, vector<16xi32> -> vector<16xf32>
        %max3A_306 = arith.maximumf %max3A_302, %gather3A_305 : vector<16xf32>
        %broadcast_in_dim3A_307 = vector.shape_cast %xor3A_39 : vector<16xi32> to vector<16x1xi32>
        %gather3A_308 = vector.shape_cast %broadcast_in_dim3A_307 : vector<16x1xi32> to vector<16xi32>
        %gather3A_309 = tpu.dynamic_gather %max3A_306[%gather3A_308] in [0] : vector<16xf32>, vector<16xi32> -> vector<16xf32>
        %max3A_310 = arith.maximumf %max3A_306, %gather3A_309 : vector<16xf32>
        %broadcast_in_dim3A_311 = vector.shape_cast %xor3A_42 : vector<16xi32> to vector<16x1xi32>
        %gather3A_312 = vector.shape_cast %broadcast_in_dim3A_311 : vector<16x1xi32> to vector<16xi32>
        %gather3A_313 = tpu.dynamic_gather %max3A_310[%gather3A_312] in [0] : vector<16xf32>, vector<16xi32> -> vector<16xf32>
        %max3A_314 = arith.maximumf %max3A_310, %gather3A_313 : vector<16xf32>
        %broadcast_in_dim3A_315 = vector.shape_cast %xor3A_45 : vector<16xi32> to vector<16x1xi32>
        %gather3A_316 = vector.shape_cast %broadcast_in_dim3A_315 : vector<16x1xi32> to vector<16xi32>
        %gather3A_317 = tpu.dynamic_gather %max3A_314[%gather3A_316] in [0] : vector<16xf32>, vector<16xi32> -> vector<16xf32>
        %max3A_318 = arith.maximumf %max3A_314, %gather3A_317 : vector<16xf32>
        %exp3A = math.exp %get3A_242 : vector<16xf32>
        %exp3A_319 = math.exp %get3A_250 : vector<16xf32>
        %exp3A_320 = math.exp %get3A_258 : vector<16xf32>
        %exp3A_321 = math.exp %get3A_266 : vector<16xf32>
        %add3A_322 = arith.addf %exp3A, %exp3A_319 : vector<16xf32>
        %add3A_323 = arith.addf %exp3A_320, %exp3A_321 : vector<16xf32>
        %add3A_324 = arith.addf %add3A_322, %add3A_323 : vector<16xf32>
        %broadcast_in_dim3A_325 = vector.shape_cast %xor3A_36 : vector<16xi32> to vector<16x1xi32>
        %gather3A_326 = vector.shape_cast %broadcast_in_dim3A_325 : vector<16x1xi32> to vector<16xi32>
        %gather3A_327 = tpu.dynamic_gather %add3A_324[%gather3A_326] in [0] : vector<16xf32>, vector<16xi32> -> vector<16xf32>
        %add3A_328 = arith.addf %add3A_324, %gather3A_327 : vector<16xf32>
        %broadcast_in_dim3A_329 = vector.shape_cast %xor3A_39 : vector<16xi32> to vector<16x1xi32>
        %gather3A_330 = vector.shape_cast %broadcast_in_dim3A_329 : vector<16x1xi32> to vector<16xi32>
        %gather3A_331 = tpu.dynamic_gather %add3A_328[%gather3A_330] in [0] : vector<16xf32>, vector<16xi32> -> vector<16xf32>
        %add3A_332 = arith.addf %add3A_328, %gather3A_331 : vector<16xf32>
        %broadcast_in_dim3A_333 = vector.shape_cast %xor3A_42 : vector<16xi32> to vector<16x1xi32>
        %gather3A_334 = vector.shape_cast %broadcast_in_dim3A_333 : vector<16x1xi32> to vector<16xi32>
        %gather3A_335 = tpu.dynamic_gather %add3A_332[%gather3A_334] in [0] : vector<16xf32>, vector<16xi32> -> vector<16xf32>
        %add3A_336 = arith.addf %add3A_332, %gather3A_335 : vector<16xf32>
        %broadcast_in_dim3A_337 = vector.shape_cast %xor3A_45 : vector<16xi32> to vector<16x1xi32>
        %gather3A_338 = vector.shape_cast %broadcast_in_dim3A_337 : vector<16x1xi32> to vector<16xi32>
        %gather3A_339 = tpu.dynamic_gather %add3A_336[%gather3A_338] in [0] : vector<16xf32>, vector<16xi32> -> vector<16xf32>
        %add3A_340 = arith.addf %add3A_336, %gather3A_339 : vector<16xf32>
        %div3A_341 = arith.constant 1.000000e+00 : f32
        %div3A_342 = vector.broadcast %div3A_341 : f32 to vector<16xf32>
        %div3A_343 = arith.divf %div3A_342, %add3A_340 : vector<16xf32>
        %ge3A = arith.cmpf oge, %get3A_242, %max3A_318 : vector<16xf32>
        %jit3A_344 = arith.constant 1.000000e+00 : f32
        %jit3A_345 = arith.constant 0.000000e+00 : f32
        %broadcast_in_dim3A_346 = vector.broadcast %jit3A_344 : f32 to vector<16xf32>
        %broadcast_in_dim3A_347 = vector.broadcast %jit3A_345 : f32 to vector<16xf32>
        %select_n3A_348 = arith.select %ge3A, %broadcast_in_dim3A_346, %broadcast_in_dim3A_347 : vector<16xi1>, vector<16xf32>
        %add3A_349 = arith.addf %scan3A_224, %select_n3A_348 : vector<16xf32>
        %ge3A_350 = arith.cmpf oge, %get3A_250, %max3A_318 : vector<16xf32>
        %jit3A_351 = arith.constant 1.000000e+00 : f32
        %jit3A_352 = arith.constant 0.000000e+00 : f32
        %broadcast_in_dim3A_353 = vector.broadcast %jit3A_351 : f32 to vector<16xf32>
        %broadcast_in_dim3A_354 = vector.broadcast %jit3A_352 : f32 to vector<16xf32>
        %select_n3A_355 = arith.select %ge3A_350, %broadcast_in_dim3A_353, %broadcast_in_dim3A_354 : vector<16xi1>, vector<16xf32>
        %add3A_356 = arith.addf %scan3A_225, %select_n3A_355 : vector<16xf32>
        %ge3A_357 = arith.cmpf oge, %get3A_258, %max3A_318 : vector<16xf32>
        %jit3A_358 = arith.constant 1.000000e+00 : f32
        %jit3A_359 = arith.constant 0.000000e+00 : f32
        %broadcast_in_dim3A_360 = vector.broadcast %jit3A_358 : f32 to vector<16xf32>
        %broadcast_in_dim3A_361 = vector.broadcast %jit3A_359 : f32 to vector<16xf32>
        %select_n3A_362 = arith.select %ge3A_357, %broadcast_in_dim3A_360, %broadcast_in_dim3A_361 : vector<16xi1>, vector<16xf32>
        %add3A_363 = arith.addf %scan3A_226, %select_n3A_362 : vector<16xf32>
        %ge3A_364 = arith.cmpf oge, %get3A_266, %max3A_318 : vector<16xf32>
        %jit3A_365 = arith.constant 1.000000e+00 : f32
        %jit3A_366 = arith.constant 0.000000e+00 : f32
        %broadcast_in_dim3A_367 = vector.broadcast %jit3A_365 : f32 to vector<16xf32>
        %broadcast_in_dim3A_368 = vector.broadcast %jit3A_366 : f32 to vector<16xf32>
        %select_n3A_369 = arith.select %ge3A_364, %broadcast_in_dim3A_367, %broadcast_in_dim3A_368 : vector<16xi1>, vector<16xf32>
        %add3A_370 = arith.addf %scan3A_227, %select_n3A_369 : vector<16xf32>
        %mul3A_371 = arith.mulf %exp3A, %div3A_343 : vector<16xf32>
        %add3A_372 = arith.addf %scan3A_228, %mul3A_371 : vector<16xf32>
        %mul3A_373 = arith.mulf %exp3A_319, %div3A_343 : vector<16xf32>
        %add3A_374 = arith.addf %scan3A_229, %mul3A_373 : vector<16xf32>
        %mul3A_375 = arith.mulf %exp3A_320, %div3A_343 : vector<16xf32>
        %add3A_376 = arith.addf %scan3A_230, %mul3A_375 : vector<16xf32>
        %mul3A_377 = arith.mulf %exp3A_321, %div3A_343 : vector<16xf32>
        %add3A_378 = arith.addf %scan3A_231, %mul3A_377 : vector<16xf32>
        %mul3A_379 = arith.constant 4 : i32
        %mul3A_380 = arith.muli %scan3A_223, %mul3A_379 : i32
        %add3A_381 = arith.constant 1 : i32
        %add3A_382 = arith.addi %mul3A_380, %add3A_381 : i32
        %get3A_383 = arith.constant 0 : i32
        %get3A_384 = arith.constant 0 : i32
        %get3A_385 = tpu.memref_slice %arg4[%scan3A_216, %get3A_383, %get3A_384] : memref<2x256x64xf32, #tpu.memory_space<vmem>> -> memref<1x256x64xf32, #tpu.memory_space<vmem>>
        %get3A_386 = tpu.memref_squeeze %get3A_385 : memref<1x256x64xf32, #tpu.memory_space<vmem>> -> memref<256x64xf32, #tpu.memory_space<vmem>>
        %get3A_387 = arith.index_cast %add3A_382 : i32 to index
        %get3A_388 = arith.constant 0 : index
        %get3A_389 = tpu.vector_load %get3A_386[%get3A_387, %get3A_388] {strides = array<i32>} : memref<256x64xf32, #tpu.memory_space<vmem>>, vector<1x16xf32>,
        %get3A_390 = vector.shape_cast %get3A_389 : vector<1x16xf32> to vector<16xf32>
        %get3A_391 = arith.constant 0 : i32
        %get3A_392 = arith.constant 0 : i32
        %get3A_393 = tpu.memref_slice %arg4[%scan3A_216, %get3A_391, %get3A_392] : memref<2x256x64xf32, #tpu.memory_space<vmem>> -> memref<1x256x64xf32, #tpu.memory_space<vmem>>
        %get3A_394 = tpu.memref_squeeze %get3A_393 : memref<1x256x64xf32, #tpu.memory_space<vmem>> -> memref<256x64xf32, #tpu.memory_space<vmem>>
        %get3A_395 = arith.index_cast %add3A_382 : i32 to index
        %get3A_396 = arith.constant 16 : index
        %get3A_397 = tpu.vector_load %get3A_394[%get3A_395, %get3A_396] {strides = array<i32>} : memref<256x64xf32, #tpu.memory_space<vmem>>, vector<1x16xf32>,
        %get3A_398 = vector.shape_cast %get3A_397 : vector<1x16xf32> to vector<16xf32>
        %get3A_399 = arith.constant 0 : i32
        %get3A_400 = arith.constant 0 : i32
        %get3A_401 = tpu.memref_slice %arg4[%scan3A_216, %get3A_399, %get3A_400] : memref<2x256x64xf32, #tpu.memory_space<vmem>> -> memref<1x256x64xf32, #tpu.memory_space<vmem>>
        %get3A_402 = tpu.memref_squeeze %get3A_401 : memref<1x256x64xf32, #tpu.memory_space<vmem>> -> memref<256x64xf32, #tpu.memory_space<vmem>>
        %get3A_403 = arith.index_cast %add3A_382 : i32 to index
        %get3A_404 = arith.constant 32 : index
        %get3A_405 = tpu.vector_load %get3A_402[%get3A_403, %get3A_404] {strides = array<i32>} : memref<256x64xf32, #tpu.memory_space<vmem>>, vector<1x16xf32>,
        %get3A_406 = vector.shape_cast %get3A_405 : vector<1x16xf32> to vector<16xf32>
        %get3A_407 = arith.constant 0 : i32
        %get3A_408 = arith.constant 0 : i32
        %get3A_409 = tpu.memref_slice %arg4[%scan3A_216, %get3A_407, %get3A_408] : memref<2x256x64xf32, #tpu.memory_space<vmem>> -> memref<1x256x64xf32, #tpu.memory_space<vmem>>
        %get3A_410 = tpu.memref_squeeze %get3A_409 : memref<1x256x64xf32, #tpu.memory_space<vmem>> -> memref<256x64xf32, #tpu.memory_space<vmem>>
        %get3A_411 = arith.index_cast %add3A_382 : i32 to index
        %get3A_412 = arith.constant 48 : index
        %get3A_413 = tpu.vector_load %get3A_410[%get3A_411, %get3A_412] {strides = array<i32>} : memref<256x64xf32, #tpu.memory_space<vmem>>, vector<1x16xf32>,
        %get3A_414 = vector.shape_cast %get3A_413 : vector<1x16xf32> to vector<16xf32>
        %max3A_415 = arith.maximumf %get3A_390, %get3A_398 : vector<16xf32>
        %max3A_416 = arith.maximumf %get3A_406, %get3A_414 : vector<16xf32>
        %max3A_417 = arith.maximumf %max3A_415, %max3A_416 : vector<16xf32>
        %broadcast_in_dim3A_418 = vector.shape_cast %xor3A_36 : vector<16xi32> to vector<16x1xi32>
        %gather3A_419 = vector.shape_cast %broadcast_in_dim3A_418 : vector<16x1xi32> to vector<16xi32>
        %gather3A_420 = tpu.dynamic_gather %max3A_417[%gather3A_419] in [0] : vector<16xf32>, vector<16xi32> -> vector<16xf32>
        %max3A_421 = arith.maximumf %max3A_417, %gather3A_420 : vector<16xf32>
        %broadcast_in_dim3A_422 = vector.shape_cast %xor3A_39 : vector<16xi32> to vector<16x1xi32>
        %gather3A_423 = vector.shape_cast %broadcast_in_dim3A_422 : vector<16x1xi32> to vector<16xi32>
        %gather3A_424 = tpu.dynamic_gather %max3A_421[%gather3A_423] in [0] : vector<16xf32>, vector<16xi32> -> vector<16xf32>
        %max3A_425 = arith.maximumf %max3A_421, %gather3A_424 : vector<16xf32>
        %broadcast_in_dim3A_426 = vector.shape_cast %xor3A_42 : vector<16xi32> to vector<16x1xi32>
        %gather3A_427 = vector.shape_cast %broadcast_in_dim3A_426 : vector<16x1xi32> to vector<16xi32>
        %gather3A_428 = tpu.dynamic_gather %max3A_425[%gather3A_427] in [0] : vector<16xf32>, vector<16xi32> -> vector<16xf32>
        %max3A_429 = arith.maximumf %max3A_425, %gather3A_428 : vector<16xf32>
        %broadcast_in_dim3A_430 = vector.shape_cast %xor3A_45 : vector<16xi32> to vector<16x1xi32>
        %gather3A_431 = vector.shape_cast %broadcast_in_dim3A_430 : vector<16x1xi32> to vector<16xi32>
        %gather3A_432 = tpu.dynamic_gather %max3A_429[%gather3A_431] in [0] : vector<16xf32>, vector<16xi32> -> vector<16xf32>
        %max3A_433 = arith.maximumf %max3A_429, %gather3A_432 : vector<16xf32>
        %eq3A_434 = arith.cmpf oeq, %get3A_390, %max3A_433 : vector<16xf32>
        %jit3A_435 = arith.constant -3.000000e+38 : f32
        %broadcast_in_dim3A_436 = vector.broadcast %jit3A_435 : f32 to vector<16xf32>
        %select_n3A_437 = arith.select %eq3A_434, %broadcast_in_dim3A_436, %get3A_390 : vector<16xi1>, vector<16xf32>
        %eq3A_438 = arith.cmpf oeq, %get3A_398, %max3A_433 : vector<16xf32>
        %jit3A_439 = arith.constant -3.000000e+38 : f32
        %broadcast_in_dim3A_440 = vector.broadcast %jit3A_439 : f32 to vector<16xf32>
        %select_n3A_441 = arith.select %eq3A_438, %broadcast_in_dim3A_440, %get3A_398 : vector<16xi1>, vector<16xf32>
        %eq3A_442 = arith.cmpf oeq, %get3A_406, %max3A_433 : vector<16xf32>
        %jit3A_443 = arith.constant -3.000000e+38 : f32
        %broadcast_in_dim3A_444 = vector.broadcast %jit3A_443 : f32 to vector<16xf32>
        %select_n3A_445 = arith.select %eq3A_442, %broadcast_in_dim3A_444, %get3A_406 : vector<16xi1>, vector<16xf32>
        %eq3A_446 = arith.cmpf oeq, %get3A_414, %max3A_433 : vector<16xf32>
        %jit3A_447 = arith.constant -3.000000e+38 : f32
        %broadcast_in_dim3A_448 = vector.broadcast %jit3A_447 : f32 to vector<16xf32>
        %select_n3A_449 = arith.select %eq3A_446, %broadcast_in_dim3A_448, %get3A_414 : vector<16xi1>, vector<16xf32>
        %max3A_450 = arith.maximumf %select_n3A_437, %select_n3A_441 : vector<16xf32>
        %max3A_451 = arith.maximumf %select_n3A_445, %select_n3A_449 : vector<16xf32>
        %max3A_452 = arith.maximumf %max3A_450, %max3A_451 : vector<16xf32>
        %broadcast_in_dim3A_453 = vector.shape_cast %xor3A_36 : vector<16xi32> to vector<16x1xi32>
        %gather3A_454 = vector.shape_cast %broadcast_in_dim3A_453 : vector<16x1xi32> to vector<16xi32>
        %gather3A_455 = tpu.dynamic_gather %max3A_452[%gather3A_454] in [0] : vector<16xf32>, vector<16xi32> -> vector<16xf32>
        %max3A_456 = arith.maximumf %max3A_452, %gather3A_455 : vector<16xf32>
        %broadcast_in_dim3A_457 = vector.shape_cast %xor3A_39 : vector<16xi32> to vector<16x1xi32>
        %gather3A_458 = vector.shape_cast %broadcast_in_dim3A_457 : vector<16x1xi32> to vector<16xi32>
        %gather3A_459 = tpu.dynamic_gather %max3A_456[%gather3A_458] in [0] : vector<16xf32>, vector<16xi32> -> vector<16xf32>
        %max3A_460 = arith.maximumf %max3A_456, %gather3A_459 : vector<16xf32>
        %broadcast_in_dim3A_461 = vector.shape_cast %xor3A_42 : vector<16xi32> to vector<16x1xi32>
        %gather3A_462 = vector.shape_cast %broadcast_in_dim3A_461 : vector<16x1xi32> to vector<16xi32>
        %gather3A_463 = tpu.dynamic_gather %max3A_460[%gather3A_462] in [0] : vector<16xf32>, vector<16xi32> -> vector<16xf32>
        %max3A_464 = arith.maximumf %max3A_460, %gather3A_463 : vector<16xf32>
        %broadcast_in_dim3A_465 = vector.shape_cast %xor3A_45 : vector<16xi32> to vector<16x1xi32>
        %gather3A_466 = vector.shape_cast %broadcast_in_dim3A_465 : vector<16x1xi32> to vector<16xi32>
        %gather3A_467 = tpu.dynamic_gather %max3A_464[%gather3A_466] in [0] : vector<16xf32>, vector<16xi32> -> vector<16xf32>
        %max3A_468 = arith.maximumf %max3A_464, %gather3A_467 : vector<16xf32>
        %exp3A_469 = math.exp %get3A_390 : vector<16xf32>
        %exp3A_470 = math.exp %get3A_398 : vector<16xf32>
        %exp3A_471 = math.exp %get3A_406 : vector<16xf32>
        %exp3A_472 = math.exp %get3A_414 : vector<16xf32>
        %add3A_473 = arith.addf %exp3A_469, %exp3A_470 : vector<16xf32>
        %add3A_474 = arith.addf %exp3A_471, %exp3A_472 : vector<16xf32>
        %add3A_475 = arith.addf %add3A_473, %add3A_474 : vector<16xf32>
        %broadcast_in_dim3A_476 = vector.shape_cast %xor3A_36 : vector<16xi32> to vector<16x1xi32>
        %gather3A_477 = vector.shape_cast %broadcast_in_dim3A_476 : vector<16x1xi32> to vector<16xi32>
        %gather3A_478 = tpu.dynamic_gather %add3A_475[%gather3A_477] in [0] : vector<16xf32>, vector<16xi32> -> vector<16xf32>
        %add3A_479 = arith.addf %add3A_475, %gather3A_478 : vector<16xf32>
        %broadcast_in_dim3A_480 = vector.shape_cast %xor3A_39 : vector<16xi32> to vector<16x1xi32>
        %gather3A_481 = vector.shape_cast %broadcast_in_dim3A_480 : vector<16x1xi32> to vector<16xi32>
        %gather3A_482 = tpu.dynamic_gather %add3A_479[%gather3A_481] in [0] : vector<16xf32>, vector<16xi32> -> vector<16xf32>
        %add3A_483 = arith.addf %add3A_479, %gather3A_482 : vector<16xf32>
        %broadcast_in_dim3A_484 = vector.shape_cast %xor3A_42 : vector<16xi32> to vector<16x1xi32>
        %gather3A_485 = vector.shape_cast %broadcast_in_dim3A_484 : vector<16x1xi32> to vector<16xi32>
        %gather3A_486 = tpu.dynamic_gather %add3A_483[%gather3A_485] in [0] : vector<16xf32>, vector<16xi32> -> vector<16xf32>
        %add3A_487 = arith.addf %add3A_483, %gather3A_486 : vector<16xf32>
        %broadcast_in_dim3A_488 = vector.shape_cast %xor3A_45 : vector<16xi32> to vector<16x1xi32>
        %gather3A_489 = vector.shape_cast %broadcast_in_dim3A_488 : vector<16x1xi32> to vector<16xi32>
        %gather3A_490 = tpu.dynamic_gather %add3A_487[%gather3A_489] in [0] : vector<16xf32>, vector<16xi32> -> vector<16xf32>
        %add3A_491 = arith.addf %add3A_487, %gather3A_490 : vector<16xf32>
        %div3A_492 = arith.constant 1.000000e+00 : f32
        %div3A_493 = vector.broadcast %div3A_492 : f32 to vector<16xf32>
        %div3A_494 = arith.divf %div3A_493, %add3A_491 : vector<16xf32>
        %ge3A_495 = arith.cmpf oge, %get3A_390, %max3A_468 : vector<16xf32>
        %jit3A_496 = arith.constant 1.000000e+00 : f32
        %jit3A_497 = arith.constant 0.000000e+00 : f32
        %broadcast_in_dim3A_498 = vector.broadcast %jit3A_496 : f32 to vector<16xf32>
        %broadcast_in_dim3A_499 = vector.broadcast %jit3A_497 : f32 to vector<16xf32>
        %select_n3A_500 = arith.select %ge3A_495, %broadcast_in_dim3A_498, %broadcast_in_dim3A_499 : vector<16xi1>, vector<16xf32>
        %add3A_501 = arith.addf %add3A_349, %select_n3A_500 : vector<16xf32>
        %ge3A_502 = arith.cmpf oge, %get3A_398, %max3A_468 : vector<16xf32>
        %jit3A_503 = arith.constant 1.000000e+00 : f32
        %jit3A_504 = arith.constant 0.000000e+00 : f32
        %broadcast_in_dim3A_505 = vector.broadcast %jit3A_503 : f32 to vector<16xf32>
        %broadcast_in_dim3A_506 = vector.broadcast %jit3A_504 : f32 to vector<16xf32>
        %select_n3A_507 = arith.select %ge3A_502, %broadcast_in_dim3A_505, %broadcast_in_dim3A_506 : vector<16xi1>, vector<16xf32>
        %add3A_508 = arith.addf %add3A_356, %select_n3A_507 : vector<16xf32>
        %ge3A_509 = arith.cmpf oge, %get3A_406, %max3A_468 : vector<16xf32>
        %jit3A_510 = arith.constant 1.000000e+00 : f32
        %jit3A_511 = arith.constant 0.000000e+00 : f32
        %broadcast_in_dim3A_512 = vector.broadcast %jit3A_510 : f32 to vector<16xf32>
        %broadcast_in_dim3A_513 = vector.broadcast %jit3A_511 : f32 to vector<16xf32>
        %select_n3A_514 = arith.select %ge3A_509, %broadcast_in_dim3A_512, %broadcast_in_dim3A_513 : vector<16xi1>, vector<16xf32>
        %add3A_515 = arith.addf %add3A_363, %select_n3A_514 : vector<16xf32>
        %ge3A_516 = arith.cmpf oge, %get3A_414, %max3A_468 : vector<16xf32>
        %jit3A_517 = arith.constant 1.000000e+00 : f32
        %jit3A_518 = arith.constant 0.000000e+00 : f32
        %broadcast_in_dim3A_519 = vector.broadcast %jit3A_517 : f32 to vector<16xf32>
        %broadcast_in_dim3A_520 = vector.broadcast %jit3A_518 : f32 to vector<16xf32>
        %select_n3A_521 = arith.select %ge3A_516, %broadcast_in_dim3A_519, %broadcast_in_dim3A_520 : vector<16xi1>, vector<16xf32>
        %add3A_522 = arith.addf %add3A_370, %select_n3A_521 : vector<16xf32>
        %mul3A_523 = arith.mulf %exp3A_469, %div3A_494 : vector<16xf32>
        %add3A_524 = arith.addf %add3A_372, %mul3A_523 : vector<16xf32>
        %mul3A_525 = arith.mulf %exp3A_470, %div3A_494 : vector<16xf32>
        %add3A_526 = arith.addf %add3A_374, %mul3A_525 : vector<16xf32>
        %mul3A_527 = arith.mulf %exp3A_471, %div3A_494 : vector<16xf32>
        %add3A_528 = arith.addf %add3A_376, %mul3A_527 : vector<16xf32>
        %mul3A_529 = arith.mulf %exp3A_472, %div3A_494 : vector<16xf32>
        %add3A_530 = arith.addf %add3A_378, %mul3A_529 : vector<16xf32>
        %mul3A_531 = arith.constant 4 : i32
        %mul3A_532 = arith.muli %scan3A_223, %mul3A_531 : i32
        %add3A_533 = arith.constant 2 : i32
        %add3A_534 = arith.addi %mul3A_532, %add3A_533 : i32
        %get3A_535 = arith.constant 0 : i32
        %get3A_536 = arith.constant 0 : i32
        %get3A_537 = tpu.memref_slice %arg4[%scan3A_216, %get3A_535, %get3A_536] : memref<2x256x64xf32, #tpu.memory_space<vmem>> -> memref<1x256x64xf32, #tpu.memory_space<vmem>>
        %get3A_538 = tpu.memref_squeeze %get3A_537 : memref<1x256x64xf32, #tpu.memory_space<vmem>> -> memref<256x64xf32, #tpu.memory_space<vmem>>
        %get3A_539 = arith.index_cast %add3A_534 : i32 to index
        %get3A_540 = arith.constant 0 : index
        %get3A_541 = tpu.vector_load %get3A_538[%get3A_539, %get3A_540] {strides = array<i32>} : memref<256x64xf32, #tpu.memory_space<vmem>>, vector<1x16xf32>,
        %get3A_542 = vector.shape_cast %get3A_541 : vector<1x16xf32> to vector<16xf32>
        %get3A_543 = arith.constant 0 : i32
        %get3A_544 = arith.constant 0 : i32
        %get3A_545 = tpu.memref_slice %arg4[%scan3A_216, %get3A_543, %get3A_544] : memref<2x256x64xf32, #tpu.memory_space<vmem>> -> memref<1x256x64xf32, #tpu.memory_space<vmem>>
        %get3A_546 = tpu.memref_squeeze %get3A_545 : memref<1x256x64xf32, #tpu.memory_space<vmem>> -> memref<256x64xf32, #tpu.memory_space<vmem>>
        %get3A_547 = arith.index_cast %add3A_534 : i32 to index
        %get3A_548 = arith.constant 16 : index
        %get3A_549 = tpu.vector_load %get3A_546[%get3A_547, %get3A_548] {strides = array<i32>} : memref<256x64xf32, #tpu.memory_space<vmem>>, vector<1x16xf32>,
        %get3A_550 = vector.shape_cast %get3A_549 : vector<1x16xf32> to vector<16xf32>
        %get3A_551 = arith.constant 0 : i32
        %get3A_552 = arith.constant 0 : i32
        %get3A_553 = tpu.memref_slice %arg4[%scan3A_216, %get3A_551, %get3A_552] : memref<2x256x64xf32, #tpu.memory_space<vmem>> -> memref<1x256x64xf32, #tpu.memory_space<vmem>>
        %get3A_554 = tpu.memref_squeeze %get3A_553 : memref<1x256x64xf32, #tpu.memory_space<vmem>> -> memref<256x64xf32, #tpu.memory_space<vmem>>
        %get3A_555 = arith.index_cast %add3A_534 : i32 to index
        %get3A_556 = arith.constant 32 : index
        %get3A_557 = tpu.vector_load %get3A_554[%get3A_555, %get3A_556] {strides = array<i32>} : memref<256x64xf32, #tpu.memory_space<vmem>>, vector<1x16xf32>,
        %get3A_558 = vector.shape_cast %get3A_557 : vector<1x16xf32> to vector<16xf32>
        %get3A_559 = arith.constant 0 : i32
        %get3A_560 = arith.constant 0 : i32
        %get3A_561 = tpu.memref_slice %arg4[%scan3A_216, %get3A_559, %get3A_560] : memref<2x256x64xf32, #tpu.memory_space<vmem>> -> memref<1x256x64xf32, #tpu.memory_space<vmem>>
        %get3A_562 = tpu.memref_squeeze %get3A_561 : memref<1x256x64xf32, #tpu.memory_space<vmem>> -> memref<256x64xf32, #tpu.memory_space<vmem>>
        %get3A_563 = arith.index_cast %add3A_534 : i32 to index
        %get3A_564 = arith.constant 48 : index
        %get3A_565 = tpu.vector_load %get3A_562[%get3A_563, %get3A_564] {strides = array<i32>} : memref<256x64xf32, #tpu.memory_space<vmem>>, vector<1x16xf32>,
        %get3A_566 = vector.shape_cast %get3A_565 : vector<1x16xf32> to vector<16xf32>
        %max3A_567 = arith.maximumf %get3A_542, %get3A_550 : vector<16xf32>
        %max3A_568 = arith.maximumf %get3A_558, %get3A_566 : vector<16xf32>
        %max3A_569 = arith.maximumf %max3A_567, %max3A_568 : vector<16xf32>
        %broadcast_in_dim3A_570 = vector.shape_cast %xor3A_36 : vector<16xi32> to vector<16x1xi32>
        %gather3A_571 = vector.shape_cast %broadcast_in_dim3A_570 : vector<16x1xi32> to vector<16xi32>
        %gather3A_572 = tpu.dynamic_gather %max3A_569[%gather3A_571] in [0] : vector<16xf32>, vector<16xi32> -> vector<16xf32>
        %max3A_573 = arith.maximumf %max3A_569, %gather3A_572 : vector<16xf32>
        %broadcast_in_dim3A_574 = vector.shape_cast %xor3A_39 : vector<16xi32> to vector<16x1xi32>
        %gather3A_575 = vector.shape_cast %broadcast_in_dim3A_574 : vector<16x1xi32> to vector<16xi32>
        %gather3A_576 = tpu.dynamic_gather %max3A_573[%gather3A_575] in [0] : vector<16xf32>, vector<16xi32> -> vector<16xf32>
        %max3A_577 = arith.maximumf %max3A_573, %gather3A_576 : vector<16xf32>
        %broadcast_in_dim3A_578 = vector.shape_cast %xor3A_42 : vector<16xi32> to vector<16x1xi32>
        %gather3A_579 = vector.shape_cast %broadcast_in_dim3A_578 : vector<16x1xi32> to vector<16xi32>
        %gather3A_580 = tpu.dynamic_gather %max3A_577[%gather3A_579] in [0] : vector<16xf32>, vector<16xi32> -> vector<16xf32>
        %max3A_581 = arith.maximumf %max3A_577, %gather3A_580 : vector<16xf32>
        %broadcast_in_dim3A_582 = vector.shape_cast %xor3A_45 : vector<16xi32> to vector<16x1xi32>
        %gather3A_583 = vector.shape_cast %broadcast_in_dim3A_582 : vector<16x1xi32> to vector<16xi32>
        %gather3A_584 = tpu.dynamic_gather %max3A_581[%gather3A_583] in [0] : vector<16xf32>, vector<16xi32> -> vector<16xf32>
        %max3A_585 = arith.maximumf %max3A_581, %gather3A_584 : vector<16xf32>
        %eq3A_586 = arith.cmpf oeq, %get3A_542, %max3A_585 : vector<16xf32>
        %jit3A_587 = arith.constant -3.000000e+38 : f32
        %broadcast_in_dim3A_588 = vector.broadcast %jit3A_587 : f32 to vector<16xf32>
        %select_n3A_589 = arith.select %eq3A_586, %broadcast_in_dim3A_588, %get3A_542 : vector<16xi1>, vector<16xf32>
        %eq3A_590 = arith.cmpf oeq, %get3A_550, %max3A_585 : vector<16xf32>
        %jit3A_591 = arith.constant -3.000000e+38 : f32
        %broadcast_in_dim3A_592 = vector.broadcast %jit3A_591 : f32 to vector<16xf32>
        %select_n3A_593 = arith.select %eq3A_590, %broadcast_in_dim3A_592, %get3A_550 : vector<16xi1>, vector<16xf32>
        %eq3A_594 = arith.cmpf oeq, %get3A_558, %max3A_585 : vector<16xf32>
        %jit3A_595 = arith.constant -3.000000e+38 : f32
        %broadcast_in_dim3A_596 = vector.broadcast %jit3A_595 : f32 to vector<16xf32>
        %select_n3A_597 = arith.select %eq3A_594, %broadcast_in_dim3A_596, %get3A_558 : vector<16xi1>, vector<16xf32>
        %eq3A_598 = arith.cmpf oeq, %get3A_566, %max3A_585 : vector<16xf32>
        %jit3A_599 = arith.constant -3.000000e+38 : f32
        %broadcast_in_dim3A_600 = vector.broadcast %jit3A_599 : f32 to vector<16xf32>
        %select_n3A_601 = arith.select %eq3A_598, %broadcast_in_dim3A_600, %get3A_566 : vector<16xi1>, vector<16xf32>
        %max3A_602 = arith.maximumf %select_n3A_589, %select_n3A_593 : vector<16xf32>
        %max3A_603 = arith.maximumf %select_n3A_597, %select_n3A_601 : vector<16xf32>
        %max3A_604 = arith.maximumf %max3A_602, %max3A_603 : vector<16xf32>
        %broadcast_in_dim3A_605 = vector.shape_cast %xor3A_36 : vector<16xi32> to vector<16x1xi32>
        %gather3A_606 = vector.shape_cast %broadcast_in_dim3A_605 : vector<16x1xi32> to vector<16xi32>
        %gather3A_607 = tpu.dynamic_gather %max3A_604[%gather3A_606] in [0] : vector<16xf32>, vector<16xi32> -> vector<16xf32>
        %max3A_608 = arith.maximumf %max3A_604, %gather3A_607 : vector<16xf32>
        %broadcast_in_dim3A_609 = vector.shape_cast %xor3A_39 : vector<16xi32> to vector<16x1xi32>
        %gather3A_610 = vector.shape_cast %broadcast_in_dim3A_609 : vector<16x1xi32> to vector<16xi32>
        %gather3A_611 = tpu.dynamic_gather %max3A_608[%gather3A_610] in [0] : vector<16xf32>, vector<16xi32> -> vector<16xf32>
        %max3A_612 = arith.maximumf %max3A_608, %gather3A_611 : vector<16xf32>
        %broadcast_in_dim3A_613 = vector.shape_cast %xor3A_42 : vector<16xi32> to vector<16x1xi32>
        %gather3A_614 = vector.shape_cast %broadcast_in_dim3A_613 : vector<16x1xi32> to vector<16xi32>
        %gather3A_615 = tpu.dynamic_gather %max3A_612[%gather3A_614] in [0] : vector<16xf32>, vector<16xi32> -> vector<16xf32>
        %max3A_616 = arith.maximumf %max3A_612, %gather3A_615 : vector<16xf32>
        %broadcast_in_dim3A_617 = vector.shape_cast %xor3A_45 : vector<16xi32> to vector<16x1xi32>
        %gather3A_618 = vector.shape_cast %broadcast_in_dim3A_617 : vector<16x1xi32> to vector<16xi32>
        %gather3A_619 = tpu.dynamic_gather %max3A_616[%gather3A_618] in [0] : vector<16xf32>, vector<16xi32> -> vector<16xf32>
        %max3A_620 = arith.maximumf %max3A_616, %gather3A_619 : vector<16xf32>
        %exp3A_621 = math.exp %get3A_542 : vector<16xf32>
        %exp3A_622 = math.exp %get3A_550 : vector<16xf32>
        %exp3A_623 = math.exp %get3A_558 : vector<16xf32>
        %exp3A_624 = math.exp %get3A_566 : vector<16xf32>
        %add3A_625 = arith.addf %exp3A_621, %exp3A_622 : vector<16xf32>
        %add3A_626 = arith.addf %exp3A_623, %exp3A_624 : vector<16xf32>
        %add3A_627 = arith.addf %add3A_625, %add3A_626 : vector<16xf32>
        %broadcast_in_dim3A_628 = vector.shape_cast %xor3A_36 : vector<16xi32> to vector<16x1xi32>
        %gather3A_629 = vector.shape_cast %broadcast_in_dim3A_628 : vector<16x1xi32> to vector<16xi32>
        %gather3A_630 = tpu.dynamic_gather %add3A_627[%gather3A_629] in [0] : vector<16xf32>, vector<16xi32> -> vector<16xf32>
        %add3A_631 = arith.addf %add3A_627, %gather3A_630 : vector<16xf32>
        %broadcast_in_dim3A_632 = vector.shape_cast %xor3A_39 : vector<16xi32> to vector<16x1xi32>
        %gather3A_633 = vector.shape_cast %broadcast_in_dim3A_632 : vector<16x1xi32> to vector<16xi32>
        %gather3A_634 = tpu.dynamic_gather %add3A_631[%gather3A_633] in [0] : vector<16xf32>, vector<16xi32> -> vector<16xf32>
        %add3A_635 = arith.addf %add3A_631, %gather3A_634 : vector<16xf32>
        %broadcast_in_dim3A_636 = vector.shape_cast %xor3A_42 : vector<16xi32> to vector<16x1xi32>
        %gather3A_637 = vector.shape_cast %broadcast_in_dim3A_636 : vector<16x1xi32> to vector<16xi32>
        %gather3A_638 = tpu.dynamic_gather %add3A_635[%gather3A_637] in [0] : vector<16xf32>, vector<16xi32> -> vector<16xf32>
        %add3A_639 = arith.addf %add3A_635, %gather3A_638 : vector<16xf32>
        %broadcast_in_dim3A_640 = vector.shape_cast %xor3A_45 : vector<16xi32> to vector<16x1xi32>
        %gather3A_641 = vector.shape_cast %broadcast_in_dim3A_640 : vector<16x1xi32> to vector<16xi32>
        %gather3A_642 = tpu.dynamic_gather %add3A_639[%gather3A_641] in [0] : vector<16xf32>, vector<16xi32> -> vector<16xf32>
        %add3A_643 = arith.addf %add3A_639, %gather3A_642 : vector<16xf32>
        %div3A_644 = arith.constant 1.000000e+00 : f32
        %div3A_645 = vector.broadcast %div3A_644 : f32 to vector<16xf32>
        %div3A_646 = arith.divf %div3A_645, %add3A_643 : vector<16xf32>
        %ge3A_647 = arith.cmpf oge, %get3A_542, %max3A_620 : vector<16xf32>
        %jit3A_648 = arith.constant 1.000000e+00 : f32
        %jit3A_649 = arith.constant 0.000000e+00 : f32
        %broadcast_in_dim3A_650 = vector.broadcast %jit3A_648 : f32 to vector<16xf32>
        %broadcast_in_dim3A_651 = vector.broadcast %jit3A_649 : f32 to vector<16xf32>
        %select_n3A_652 = arith.select %ge3A_647, %broadcast_in_dim3A_650, %broadcast_in_dim3A_651 : vector<16xi1>, vector<16xf32>
        %add3A_653 = arith.addf %add3A_501, %select_n3A_652 : vector<16xf32>
        %ge3A_654 = arith.cmpf oge, %get3A_550, %max3A_620 : vector<16xf32>
        %jit3A_655 = arith.constant 1.000000e+00 : f32
        %jit3A_656 = arith.constant 0.000000e+00 : f32
        %broadcast_in_dim3A_657 = vector.broadcast %jit3A_655 : f32 to vector<16xf32>
        %broadcast_in_dim3A_658 = vector.broadcast %jit3A_656 : f32 to vector<16xf32>
        %select_n3A_659 = arith.select %ge3A_654, %broadcast_in_dim3A_657, %broadcast_in_dim3A_658 : vector<16xi1>, vector<16xf32>
        %add3A_660 = arith.addf %add3A_508, %select_n3A_659 : vector<16xf32>
        %ge3A_661 = arith.cmpf oge, %get3A_558, %max3A_620 : vector<16xf32>
        %jit3A_662 = arith.constant 1.000000e+00 : f32
        %jit3A_663 = arith.constant 0.000000e+00 : f32
        %broadcast_in_dim3A_664 = vector.broadcast %jit3A_662 : f32 to vector<16xf32>
        %broadcast_in_dim3A_665 = vector.broadcast %jit3A_663 : f32 to vector<16xf32>
        %select_n3A_666 = arith.select %ge3A_661, %broadcast_in_dim3A_664, %broadcast_in_dim3A_665 : vector<16xi1>, vector<16xf32>
        %add3A_667 = arith.addf %add3A_515, %select_n3A_666 : vector<16xf32>
        %ge3A_668 = arith.cmpf oge, %get3A_566, %max3A_620 : vector<16xf32>
        %jit3A_669 = arith.constant 1.000000e+00 : f32
        %jit3A_670 = arith.constant 0.000000e+00 : f32
        %broadcast_in_dim3A_671 = vector.broadcast %jit3A_669 : f32 to vector<16xf32>
        %broadcast_in_dim3A_672 = vector.broadcast %jit3A_670 : f32 to vector<16xf32>
        %select_n3A_673 = arith.select %ge3A_668, %broadcast_in_dim3A_671, %broadcast_in_dim3A_672 : vector<16xi1>, vector<16xf32>
        %add3A_674 = arith.addf %add3A_522, %select_n3A_673 : vector<16xf32>
        %mul3A_675 = arith.mulf %exp3A_621, %div3A_646 : vector<16xf32>
        %add3A_676 = arith.addf %add3A_524, %mul3A_675 : vector<16xf32>
        %mul3A_677 = arith.mulf %exp3A_622, %div3A_646 : vector<16xf32>
        %add3A_678 = arith.addf %add3A_526, %mul3A_677 : vector<16xf32>
        %mul3A_679 = arith.mulf %exp3A_623, %div3A_646 : vector<16xf32>
        %add3A_680 = arith.addf %add3A_528, %mul3A_679 : vector<16xf32>
        %mul3A_681 = arith.mulf %exp3A_624, %div3A_646 : vector<16xf32>
        %add3A_682 = arith.addf %add3A_530, %mul3A_681 : vector<16xf32>
        %mul3A_683 = arith.constant 4 : i32
        %mul3A_684 = arith.muli %scan3A_223, %mul3A_683 : i32
        %add3A_685 = arith.constant 3 : i32
        %add3A_686 = arith.addi %mul3A_684, %add3A_685 : i32
        %get3A_687 = arith.constant 0 : i32
        %get3A_688 = arith.constant 0 : i32
        %get3A_689 = tpu.memref_slice %arg4[%scan3A_216, %get3A_687, %get3A_688] : memref<2x256x64xf32, #tpu.memory_space<vmem>> -> memref<1x256x64xf32, #tpu.memory_space<vmem>>
        %get3A_690 = tpu.memref_squeeze %get3A_689 : memref<1x256x64xf32, #tpu.memory_space<vmem>> -> memref<256x64xf32, #tpu.memory_space<vmem>>
        %get3A_691 = arith.index_cast %add3A_686 : i32 to index
        %get3A_692 = arith.constant 0 : index
        %get3A_693 = tpu.vector_load %get3A_690[%get3A_691, %get3A_692] {strides = array<i32>} : memref<256x64xf32, #tpu.memory_space<vmem>>, vector<1x16xf32>,
        %get3A_694 = vector.shape_cast %get3A_693 : vector<1x16xf32> to vector<16xf32>
        %get3A_695 = arith.constant 0 : i32
        %get3A_696 = arith.constant 0 : i32
        %get3A_697 = tpu.memref_slice %arg4[%scan3A_216, %get3A_695, %get3A_696] : memref<2x256x64xf32, #tpu.memory_space<vmem>> -> memref<1x256x64xf32, #tpu.memory_space<vmem>>
        %get3A_698 = tpu.memref_squeeze %get3A_697 : memref<1x256x64xf32, #tpu.memory_space<vmem>> -> memref<256x64xf32, #tpu.memory_space<vmem>>
        %get3A_699 = arith.index_cast %add3A_686 : i32 to index
        %get3A_700 = arith.constant 16 : index
        %get3A_701 = tpu.vector_load %get3A_698[%get3A_699, %get3A_700] {strides = array<i32>} : memref<256x64xf32, #tpu.memory_space<vmem>>, vector<1x16xf32>,
        %get3A_702 = vector.shape_cast %get3A_701 : vector<1x16xf32> to vector<16xf32>
        %get3A_703 = arith.constant 0 : i32
        %get3A_704 = arith.constant 0 : i32
        %get3A_705 = tpu.memref_slice %arg4[%scan3A_216, %get3A_703, %get3A_704] : memref<2x256x64xf32, #tpu.memory_space<vmem>> -> memref<1x256x64xf32, #tpu.memory_space<vmem>>
        %get3A_706 = tpu.memref_squeeze %get3A_705 : memref<1x256x64xf32, #tpu.memory_space<vmem>> -> memref<256x64xf32, #tpu.memory_space<vmem>>
        %get3A_707 = arith.index_cast %add3A_686 : i32 to index
        %get3A_708 = arith.constant 32 : index
        %get3A_709 = tpu.vector_load %get3A_706[%get3A_707, %get3A_708] {strides = array<i32>} : memref<256x64xf32, #tpu.memory_space<vmem>>, vector<1x16xf32>,
        %get3A_710 = vector.shape_cast %get3A_709 : vector<1x16xf32> to vector<16xf32>
        %get3A_711 = arith.constant 0 : i32
        %get3A_712 = arith.constant 0 : i32
        %get3A_713 = tpu.memref_slice %arg4[%scan3A_216, %get3A_711, %get3A_712] : memref<2x256x64xf32, #tpu.memory_space<vmem>> -> memref<1x256x64xf32, #tpu.memory_space<vmem>>
        %get3A_714 = tpu.memref_squeeze %get3A_713 : memref<1x256x64xf32, #tpu.memory_space<vmem>> -> memref<256x64xf32, #tpu.memory_space<vmem>>
        %get3A_715 = arith.index_cast %add3A_686 : i32 to index
        %get3A_716 = arith.constant 48 : index
        %get3A_717 = tpu.vector_load %get3A_714[%get3A_715, %get3A_716] {strides = array<i32>} : memref<256x64xf32, #tpu.memory_space<vmem>>, vector<1x16xf32>,
        %get3A_718 = vector.shape_cast %get3A_717 : vector<1x16xf32> to vector<16xf32>
        %max3A_719 = arith.maximumf %get3A_694, %get3A_702 : vector<16xf32>
        %max3A_720 = arith.maximumf %get3A_710, %get3A_718 : vector<16xf32>
        %max3A_721 = arith.maximumf %max3A_719, %max3A_720 : vector<16xf32>
        %broadcast_in_dim3A_722 = vector.shape_cast %xor3A_36 : vector<16xi32> to vector<16x1xi32>
        %gather3A_723 = vector.shape_cast %broadcast_in_dim3A_722 : vector<16x1xi32> to vector<16xi32>
        %gather3A_724 = tpu.dynamic_gather %max3A_721[%gather3A_723] in [0] : vector<16xf32>, vector<16xi32> -> vector<16xf32>
        %max3A_725 = arith.maximumf %max3A_721, %gather3A_724 : vector<16xf32>
        %broadcast_in_dim3A_726 = vector.shape_cast %xor3A_39 : vector<16xi32> to vector<16x1xi32>
        %gather3A_727 = vector.shape_cast %broadcast_in_dim3A_726 : vector<16x1xi32> to vector<16xi32>
        %gather3A_728 = tpu.dynamic_gather %max3A_725[%gather3A_727] in [0] : vector<16xf32>, vector<16xi32> -> vector<16xf32>
        %max3A_729 = arith.maximumf %max3A_725, %gather3A_728 : vector<16xf32>
        %broadcast_in_dim3A_730 = vector.shape_cast %xor3A_42 : vector<16xi32> to vector<16x1xi32>
        %gather3A_731 = vector.shape_cast %broadcast_in_dim3A_730 : vector<16x1xi32> to vector<16xi32>
        %gather3A_732 = tpu.dynamic_gather %max3A_729[%gather3A_731] in [0] : vector<16xf32>, vector<16xi32> -> vector<16xf32>
        %max3A_733 = arith.maximumf %max3A_729, %gather3A_732 : vector<16xf32>
        %broadcast_in_dim3A_734 = vector.shape_cast %xor3A_45 : vector<16xi32> to vector<16x1xi32>
        %gather3A_735 = vector.shape_cast %broadcast_in_dim3A_734 : vector<16x1xi32> to vector<16xi32>
        %gather3A_736 = tpu.dynamic_gather %max3A_733[%gather3A_735] in [0] : vector<16xf32>, vector<16xi32> -> vector<16xf32>
        %max3A_737 = arith.maximumf %max3A_733, %gather3A_736 : vector<16xf32>
        %eq3A_738 = arith.cmpf oeq, %get3A_694, %max3A_737 : vector<16xf32>
        %jit3A_739 = arith.constant -3.000000e+38 : f32
        %broadcast_in_dim3A_740 = vector.broadcast %jit3A_739 : f32 to vector<16xf32>
        %select_n3A_741 = arith.select %eq3A_738, %broadcast_in_dim3A_740, %get3A_694 : vector<16xi1>, vector<16xf32>
        %eq3A_742 = arith.cmpf oeq, %get3A_702, %max3A_737 : vector<16xf32>
        %jit3A_743 = arith.constant -3.000000e+38 : f32
        %broadcast_in_dim3A_744 = vector.broadcast %jit3A_743 : f32 to vector<16xf32>
        %select_n3A_745 = arith.select %eq3A_742, %broadcast_in_dim3A_744, %get3A_702 : vector<16xi1>, vector<16xf32>
        %eq3A_746 = arith.cmpf oeq, %get3A_710, %max3A_737 : vector<16xf32>
        %jit3A_747 = arith.constant -3.000000e+38 : f32
        %broadcast_in_dim3A_748 = vector.broadcast %jit3A_747 : f32 to vector<16xf32>
        %select_n3A_749 = arith.select %eq3A_746, %broadcast_in_dim3A_748, %get3A_710 : vector<16xi1>, vector<16xf32>
        %eq3A_750 = arith.cmpf oeq, %get3A_718, %max3A_737 : vector<16xf32>
        %jit3A_751 = arith.constant -3.000000e+38 : f32
        %broadcast_in_dim3A_752 = vector.broadcast %jit3A_751 : f32 to vector<16xf32>
        %select_n3A_753 = arith.select %eq3A_750, %broadcast_in_dim3A_752, %get3A_718 : vector<16xi1>, vector<16xf32>
        %max3A_754 = arith.maximumf %select_n3A_741, %select_n3A_745 : vector<16xf32>
        %max3A_755 = arith.maximumf %select_n3A_749, %select_n3A_753 : vector<16xf32>
        %max3A_756 = arith.maximumf %max3A_754, %max3A_755 : vector<16xf32>
        %broadcast_in_dim3A_757 = vector.shape_cast %xor3A_36 : vector<16xi32> to vector<16x1xi32>
        %gather3A_758 = vector.shape_cast %broadcast_in_dim3A_757 : vector<16x1xi32> to vector<16xi32>
        %gather3A_759 = tpu.dynamic_gather %max3A_756[%gather3A_758] in [0] : vector<16xf32>, vector<16xi32> -> vector<16xf32>
        %max3A_760 = arith.maximumf %max3A_756, %gather3A_759 : vector<16xf32>
        %broadcast_in_dim3A_761 = vector.shape_cast %xor3A_39 : vector<16xi32> to vector<16x1xi32>
        %gather3A_762 = vector.shape_cast %broadcast_in_dim3A_761 : vector<16x1xi32> to vector<16xi32>
        %gather3A_763 = tpu.dynamic_gather %max3A_760[%gather3A_762] in [0] : vector<16xf32>, vector<16xi32> -> vector<16xf32>
        %max3A_764 = arith.maximumf %max3A_760, %gather3A_763 : vector<16xf32>
        %broadcast_in_dim3A_765 = vector.shape_cast %xor3A_42 : vector<16xi32> to vector<16x1xi32>
        %gather3A_766 = vector.shape_cast %broadcast_in_dim3A_765 : vector<16x1xi32> to vector<16xi32>
        %gather3A_767 = tpu.dynamic_gather %max3A_764[%gather3A_766] in [0] : vector<16xf32>, vector<16xi32> -> vector<16xf32>
        %max3A_768 = arith.maximumf %max3A_764, %gather3A_767 : vector<16xf32>
        %broadcast_in_dim3A_769 = vector.shape_cast %xor3A_45 : vector<16xi32> to vector<16x1xi32>
        %gather3A_770 = vector.shape_cast %broadcast_in_dim3A_769 : vector<16x1xi32> to vector<16xi32>
        %gather3A_771 = tpu.dynamic_gather %max3A_768[%gather3A_770] in [0] : vector<16xf32>, vector<16xi32> -> vector<16xf32>
        %max3A_772 = arith.maximumf %max3A_768, %gather3A_771 : vector<16xf32>
        %exp3A_773 = math.exp %get3A_694 : vector<16xf32>
        %exp3A_774 = math.exp %get3A_702 : vector<16xf32>
        %exp3A_775 = math.exp %get3A_710 : vector<16xf32>
        %exp3A_776 = math.exp %get3A_718 : vector<16xf32>
        %add3A_777 = arith.addf %exp3A_773, %exp3A_774 : vector<16xf32>
        %add3A_778 = arith.addf %exp3A_775, %exp3A_776 : vector<16xf32>
        %add3A_779 = arith.addf %add3A_777, %add3A_778 : vector<16xf32>
        %broadcast_in_dim3A_780 = vector.shape_cast %xor3A_36 : vector<16xi32> to vector<16x1xi32>
        %gather3A_781 = vector.shape_cast %broadcast_in_dim3A_780 : vector<16x1xi32> to vector<16xi32>
        %gather3A_782 = tpu.dynamic_gather %add3A_779[%gather3A_781] in [0] : vector<16xf32>, vector<16xi32> -> vector<16xf32>
        %add3A_783 = arith.addf %add3A_779, %gather3A_782 : vector<16xf32>
        %broadcast_in_dim3A_784 = vector.shape_cast %xor3A_39 : vector<16xi32> to vector<16x1xi32>
        %gather3A_785 = vector.shape_cast %broadcast_in_dim3A_784 : vector<16x1xi32> to vector<16xi32>
        %gather3A_786 = tpu.dynamic_gather %add3A_783[%gather3A_785] in [0] : vector<16xf32>, vector<16xi32> -> vector<16xf32>
        %add3A_787 = arith.addf %add3A_783, %gather3A_786 : vector<16xf32>
        %broadcast_in_dim3A_788 = vector.shape_cast %xor3A_42 : vector<16xi32> to vector<16x1xi32>
        %gather3A_789 = vector.shape_cast %broadcast_in_dim3A_788 : vector<16x1xi32> to vector<16xi32>
        %gather3A_790 = tpu.dynamic_gather %add3A_787[%gather3A_789] in [0] : vector<16xf32>, vector<16xi32> -> vector<16xf32>
        %add3A_791 = arith.addf %add3A_787, %gather3A_790 : vector<16xf32>
        %broadcast_in_dim3A_792 = vector.shape_cast %xor3A_45 : vector<16xi32> to vector<16x1xi32>
        %gather3A_793 = vector.shape_cast %broadcast_in_dim3A_792 : vector<16x1xi32> to vector<16xi32>
        %gather3A_794 = tpu.dynamic_gather %add3A_791[%gather3A_793] in [0] : vector<16xf32>, vector<16xi32> -> vector<16xf32>
        %add3A_795 = arith.addf %add3A_791, %gather3A_794 : vector<16xf32>
        %div3A_796 = arith.constant 1.000000e+00 : f32
        %div3A_797 = vector.broadcast %div3A_796 : f32 to vector<16xf32>
        %div3A_798 = arith.divf %div3A_797, %add3A_795 : vector<16xf32>
        %ge3A_799 = arith.cmpf oge, %get3A_694, %max3A_772 : vector<16xf32>
        %jit3A_800 = arith.constant 1.000000e+00 : f32
        %jit3A_801 = arith.constant 0.000000e+00 : f32
        %broadcast_in_dim3A_802 = vector.broadcast %jit3A_800 : f32 to vector<16xf32>
        %broadcast_in_dim3A_803 = vector.broadcast %jit3A_801 : f32 to vector<16xf32>
        %select_n3A_804 = arith.select %ge3A_799, %broadcast_in_dim3A_802, %broadcast_in_dim3A_803 : vector<16xi1>, vector<16xf32>
        %add3A_805 = arith.addf %add3A_653, %select_n3A_804 : vector<16xf32>
        %ge3A_806 = arith.cmpf oge, %get3A_702, %max3A_772 : vector<16xf32>
        %jit3A_807 = arith.constant 1.000000e+00 : f32
        %jit3A_808 = arith.constant 0.000000e+00 : f32
        %broadcast_in_dim3A_809 = vector.broadcast %jit3A_807 : f32 to vector<16xf32>
        %broadcast_in_dim3A_810 = vector.broadcast %jit3A_808 : f32 to vector<16xf32>
        %select_n3A_811 = arith.select %ge3A_806, %broadcast_in_dim3A_809, %broadcast_in_dim3A_810 : vector<16xi1>, vector<16xf32>
        %add3A_812 = arith.addf %add3A_660, %select_n3A_811 : vector<16xf32>
        %ge3A_813 = arith.cmpf oge, %get3A_710, %max3A_772 : vector<16xf32>
        %jit3A_814 = arith.constant 1.000000e+00 : f32
        %jit3A_815 = arith.constant 0.000000e+00 : f32
        %broadcast_in_dim3A_816 = vector.broadcast %jit3A_814 : f32 to vector<16xf32>
        %broadcast_in_dim3A_817 = vector.broadcast %jit3A_815 : f32 to vector<16xf32>
        %select_n3A_818 = arith.select %ge3A_813, %broadcast_in_dim3A_816, %broadcast_in_dim3A_817 : vector<16xi1>, vector<16xf32>
        %add3A_819 = arith.addf %add3A_667, %select_n3A_818 : vector<16xf32>
        %ge3A_820 = arith.cmpf oge, %get3A_718, %max3A_772 : vector<16xf32>
        %jit3A_821 = arith.constant 1.000000e+00 : f32
        %jit3A_822 = arith.constant 0.000000e+00 : f32
        %broadcast_in_dim3A_823 = vector.broadcast %jit3A_821 : f32 to vector<16xf32>
        %broadcast_in_dim3A_824 = vector.broadcast %jit3A_822 : f32 to vector<16xf32>
        %select_n3A_825 = arith.select %ge3A_820, %broadcast_in_dim3A_823, %broadcast_in_dim3A_824 : vector<16xi1>, vector<16xf32>
        %add3A_826 = arith.addf %add3A_674, %select_n3A_825 : vector<16xf32>
        %mul3A_827 = arith.mulf %exp3A_773, %div3A_798 : vector<16xf32>
        %add3A_828 = arith.addf %add3A_676, %mul3A_827 : vector<16xf32>
        %mul3A_829 = arith.mulf %exp3A_774, %div3A_798 : vector<16xf32>
        %add3A_830 = arith.addf %add3A_678, %mul3A_829 : vector<16xf32>
        %mul3A_831 = arith.mulf %exp3A_775, %div3A_798 : vector<16xf32>
        %add3A_832 = arith.addf %add3A_680, %mul3A_831 : vector<16xf32>
        %mul3A_833 = arith.mulf %exp3A_776, %div3A_798 : vector<16xf32>
        %add3A_834 = arith.addf %add3A_682, %mul3A_833 : vector<16xf32>
        scf.yield %add3A_805, %add3A_812, %add3A_819, %add3A_826, %add3A_828, %add3A_830, %add3A_832, %add3A_834 : vector<16xf32>, vector<16xf32>, vector<16xf32>, vector<16xf32>, vector<16xf32>, vector<16xf32>, vector<16xf32>, vector<16xf32>
      }
      %scan3A_222 = arith.constant 64 : i32
      scf.yield %scan3A_221#0, %scan3A_221#1, %scan3A_221#2, %scan3A_221#3, %scan3A_221#4, %scan3A_221#5, %scan3A_221#6, %scan3A_221#7 : vector<16xf32>, vector<16xf32>, vector<16xf32>, vector<16xf32>, vector<16xf32>, vector<16xf32>, vector<16xf32>, vector<16xf32>
    }
    %scan3A_65 = arith.constant 16 : i32
    %dma_wait3A = arith.constant 0 : i32
    %dma_wait3A_66 = arith.constant 0 : i32
    %dma_wait3A_67 = arith.constant 0 : i32
    %dma_wait3A_68 = tpu.memref_slice %arg4[%dma_wait3A, %dma_wait3A_66, %dma_wait3A_67] : memref<2x256x64xf32, #tpu.memory_space<vmem>> -> memref<1x256x64xf32, #tpu.memory_space<vmem>>
    %dma_wait3A_69 = tpu.memref_squeeze %dma_wait3A_68 : memref<1x256x64xf32, #tpu.memory_space<vmem>> -> memref<256x64xf32, #tpu.memory_space<vmem>>
    %dma_wait3A_70 = arith.constant 0 : i32
    %dma_wait3A_71 = tpu.memref_slice %arg2[%add3A_18, %mul3A_34, %dma_wait3A_70] : memref<32x16384x64xf32, #tpu.memory_space<hbm>> -> memref<1x256x64xf32, #tpu.memory_space<hbm>>
    %dma_wait3A_72 = tpu.memref_squeeze %dma_wait3A_71 : memref<1x256x64xf32, #tpu.memory_space<hbm>> -> memref<256x64xf32, #tpu.memory_space<hbm>>
    %dma_wait3A_73 = arith.constant 0 : i32
    %dma_wait3A_74 = arith.constant 0 : i32
    %dma_wait3A_75 = tpu.memref_slice %arg4[%dma_wait3A, %dma_wait3A_73, %dma_wait3A_74] : memref<2x256x64xf32, #tpu.memory_space<vmem>> -> memref<1x256x64xf32, #tpu.memory_space<vmem>>
    %dma_wait3A_76 = tpu.memref_squeeze %dma_wait3A_75 : memref<1x256x64xf32, #tpu.memory_space<vmem>> -> memref<256x64xf32, #tpu.memory_space<vmem>>
    %dma_wait3A_77 = arith.constant 0 : i32
    %dma_wait3A_78 = tpu.memref_slice %arg2[%add3A_18, %mul3A_34, %dma_wait3A_77] : memref<32x16384x64xf32, #tpu.memory_space<hbm>> -> memref<1x256x64xf32, #tpu.memory_space<hbm>>
    %dma_wait3A_79 = tpu.memref_squeeze %dma_wait3A_78 : memref<1x256x64xf32, #tpu.memory_space<hbm>> -> memref<256x64xf32, #tpu.memory_space<hbm>>
    tpu.wait_dma2 semaphore(%arg6 : memref<!tpu.dma_semaphore, #tpu.memory_space<semaphore_mem>>) src(%dma_wait3A_79 : memref<256x64xf32, #tpu.memory_space<hbm>>) dst(%dma_wait3A_76 : memref<256x64xf32, #tpu.memory_space<vmem>>)
    %swap3A = arith.constant 0 : i32
    %swap3A_80 = arith.index_cast %swap3A : i32 to index
    %swap3A_81 = arith.constant 0 : index
    %swap3A_82 = tpu.vector_load %arg5[%swap3A_80, %swap3A_81] {strides = array<i32>} : memref<8x16xf32, #tpu.memory_space<vmem>>, vector<1x16xf32>,
    %swap3A_83 = vector.shape_cast %swap3A_82 : vector<1x16xf32> to vector<16xf32>
    %swap3A_84 = vector.shape_cast %scan3A_64#0 : vector<16xf32> to vector<1x16xf32>
    tpu.vector_store %arg5[%swap3A_80, %swap3A_81], %swap3A_84 {strides = array<i32>} : memref<8x16xf32, #tpu.memory_space<vmem>>, vector<1x16xf32>,
    %swap3A_85 = arith.constant 4 : i32
    %swap3A_86 = arith.index_cast %swap3A_85 : i32 to index
    %swap3A_87 = arith.constant 0 : index
    %swap3A_88 = tpu.vector_load %arg5[%swap3A_86, %swap3A_87] {strides = array<i32>} : memref<8x16xf32, #tpu.memory_space<vmem>>, vector<1x16xf32>,
    %swap3A_89 = vector.shape_cast %swap3A_88 : vector<1x16xf32> to vector<16xf32>
    %swap3A_90 = vector.shape_cast %scan3A_64#4 : vector<16xf32> to vector<1x16xf32>
    tpu.vector_store %arg5[%swap3A_86, %swap3A_87], %swap3A_90 {strides = array<i32>} : memref<8x16xf32, #tpu.memory_space<vmem>>, vector<1x16xf32>,
    %swap3A_91 = arith.constant 1 : i32
    %swap3A_92 = arith.index_cast %swap3A_91 : i32 to index
    %swap3A_93 = arith.constant 0 : index
    %swap3A_94 = tpu.vector_load %arg5[%swap3A_92, %swap3A_93] {strides = array<i32>} : memref<8x16xf32, #tpu.memory_space<vmem>>, vector<1x16xf32>,
    %swap3A_95 = vector.shape_cast %swap3A_94 : vector<1x16xf32> to vector<16xf32>
    %swap3A_96 = vector.shape_cast %scan3A_64#1 : vector<16xf32> to vector<1x16xf32>
    tpu.vector_store %arg5[%swap3A_92, %swap3A_93], %swap3A_96 {strides = array<i32>} : memref<8x16xf32, #tpu.memory_space<vmem>>, vector<1x16xf32>,
    %swap3A_97 = arith.constant 5 : i32
    %swap3A_98 = arith.index_cast %swap3A_97 : i32 to index
    %swap3A_99 = arith.constant 0 : index
    %swap3A_100 = tpu.vector_load %arg5[%swap3A_98, %swap3A_99] {strides = array<i32>} : memref<8x16xf32, #tpu.memory_space<vmem>>, vector<1x16xf32>,
    %swap3A_101 = vector.shape_cast %swap3A_100 : vector<1x16xf32> to vector<16xf32>
    %swap3A_102 = vector.shape_cast %scan3A_64#5 : vector<16xf32> to vector<1x16xf32>
    tpu.vector_store %arg5[%swap3A_98, %swap3A_99], %swap3A_102 {strides = array<i32>} : memref<8x16xf32, #tpu.memory_space<vmem>>, vector<1x16xf32>,
    %swap3A_103 = arith.constant 2 : i32
    %swap3A_104 = arith.index_cast %swap3A_103 : i32 to index
    %swap3A_105 = arith.constant 0 : index
    %swap3A_106 = tpu.vector_load %arg5[%swap3A_104, %swap3A_105] {strides = array<i32>} : memref<8x16xf32, #tpu.memory_space<vmem>>, vector<1x16xf32>,
    %swap3A_107 = vector.shape_cast %swap3A_106 : vector<1x16xf32> to vector<16xf32>
    %swap3A_108 = vector.shape_cast %scan3A_64#2 : vector<16xf32> to vector<1x16xf32>
    tpu.vector_store %arg5[%swap3A_104, %swap3A_105], %swap3A_108 {strides = array<i32>} : memref<8x16xf32, #tpu.memory_space<vmem>>, vector<1x16xf32>,
    %swap3A_109 = arith.constant 6 : i32
    %swap3A_110 = arith.index_cast %swap3A_109 : i32 to index
    %swap3A_111 = arith.constant 0 : index
    %swap3A_112 = tpu.vector_load %arg5[%swap3A_110, %swap3A_111] {strides = array<i32>} : memref<8x16xf32, #tpu.memory_space<vmem>>, vector<1x16xf32>,
    %swap3A_113 = vector.shape_cast %swap3A_112 : vector<1x16xf32> to vector<16xf32>
    %swap3A_114 = vector.shape_cast %scan3A_64#6 : vector<16xf32> to vector<1x16xf32>
    tpu.vector_store %arg5[%swap3A_110, %swap3A_111], %swap3A_114 {strides = array<i32>} : memref<8x16xf32, #tpu.memory_space<vmem>>, vector<1x16xf32>,
    %swap3A_115 = arith.constant 3 : i32
    %swap3A_116 = arith.index_cast %swap3A_115 : i32 to index
    %swap3A_117 = arith.constant 0 : index
    %swap3A_118 = tpu.vector_load %arg5[%swap3A_116, %swap3A_117] {strides = array<i32>} : memref<8x16xf32, #tpu.memory_space<vmem>>, vector<1x16xf32>,
    %swap3A_119 = vector.shape_cast %swap3A_118 : vector<1x16xf32> to vector<16xf32>
    %swap3A_120 = vector.shape_cast %scan3A_64#3 : vector<16xf32> to vector<1x16xf32>
    tpu.vector_store %arg5[%swap3A_116, %swap3A_117], %swap3A_120 {strides = array<i32>} : memref<8x16xf32, #tpu.memory_space<vmem>>, vector<1x16xf32>,
    %swap3A_121 = arith.constant 7 : i32
    %swap3A_122 = arith.index_cast %swap3A_121 : i32 to index
    %swap3A_123 = arith.constant 0 : index
    %swap3A_124 = tpu.vector_load %arg5[%swap3A_122, %swap3A_123] {strides = array<i32>} : memref<8x16xf32, #tpu.memory_space<vmem>>, vector<1x16xf32>,
    %swap3A_125 = vector.shape_cast %swap3A_124 : vector<1x16xf32> to vector<16xf32>
    %swap3A_126 = vector.shape_cast %scan3A_64#7 : vector<16xf32> to vector<1x16xf32>
    tpu.vector_store %arg5[%swap3A_122, %swap3A_123], %swap3A_126 {strides = array<i32>} : memref<8x16xf32, #tpu.memory_space<vmem>>, vector<1x16xf32>,
    "tpu.region"() ({
      %run_scoped3A = tpu.sem_alloc : memref<!tpu.dma_semaphore, #tpu.memory_space<semaphore_mem>>
      %dma_start3A_127 = arith.constant 0 : i32
      %dma_start3A_128 = arith.constant 0 : i32
      %dma_start3A_129 = tpu.memref_slice %arg3[%add3A, %dma_start3A_127, %dma_start3A_128] : memref<32x8x16xf32, #tpu.memory_space<hbm>> -> memref<1x8x16xf32, #tpu.memory_space<hbm>>
      %dma_start3A_130 = tpu.memref_squeeze %dma_start3A_129 : memref<1x8x16xf32, #tpu.memory_space<hbm>> -> memref<8x16xf32, #tpu.memory_space<hbm>>
      %dma_start3A_131 = arith.constant 0 : i32
      %dma_start3A_132 = arith.constant 0 : i32
      %dma_start3A_133 = tpu.memref_slice %arg3[%add3A, %dma_start3A_131, %dma_start3A_132] : memref<32x8x16xf32, #tpu.memory_space<hbm>> -> memref<1x8x16xf32, #tpu.memory_space<hbm>>
      %dma_start3A_134 = tpu.memref_squeeze %dma_start3A_133 : memref<1x8x16xf32, #tpu.memory_space<hbm>> -> memref<8x16xf32, #tpu.memory_space<hbm>>
      tpu.enqueue_dma source(%arg5 : memref<8x16xf32, #tpu.memory_space<vmem>>) target(%dma_start3A_134 : memref<8x16xf32, #tpu.memory_space<hbm>>) target_semaphore(%run_scoped3A : memref<!tpu.dma_semaphore, #tpu.memory_space<semaphore_mem>>)
      %dma_wait3A_135 = arith.constant 0 : i32
      %dma_wait3A_136 = arith.constant 0 : i32
      %dma_wait3A_137 = tpu.memref_slice %arg3[%add3A, %dma_wait3A_135, %dma_wait3A_136] : memref<32x8x16xf32, #tpu.memory_space<hbm>> -> memref<1x8x16xf32, #tpu.memory_space<hbm>>
      %dma_wait3A_138 = tpu.memref_squeeze %dma_wait3A_137 : memref<1x8x16xf32, #tpu.memory_space<hbm>> -> memref<8x16xf32, #tpu.memory_space<hbm>>
      %dma_wait3A_139 = arith.constant 0 : i32
      %dma_wait3A_140 = arith.constant 0 : i32
      %dma_wait3A_141 = tpu.memref_slice %arg3[%add3A, %dma_wait3A_139, %dma_wait3A_140] : memref<32x8x16xf32, #tpu.memory_space<hbm>> -> memref<1x8x16xf32, #tpu.memory_space<hbm>>
      %dma_wait3A_142 = tpu.memref_squeeze %dma_wait3A_141 : memref<1x8x16xf32, #tpu.memory_space<hbm>> -> memref<8x16xf32, #tpu.memory_space<hbm>>
      tpu.wait_dma2 semaphore(%run_scoped3A : memref<!tpu.dma_semaphore, #tpu.memory_space<semaphore_mem>>) src(%arg5 : memref<8x16xf32, #tpu.memory_space<vmem>>) dst(%dma_wait3A_142 : memref<8x16xf32, #tpu.memory_space<hbm>>)
      tpu.yield
    }) : () -> ()
    return
  }
}

module attributes {stable_mosaic.version = 14 : i64} {
  func.func @_tc_body(%arg0: i32, %arg1: i32, %arg2: memref<1x8192x64xf32, #tpu.memory_space<vmem>>, %arg3: memref<1x1xf32, #tpu.memory_space<vmem>>, %arg4: memref<1x64xf32, #tpu.memory_space<vmem>>, %arg5: memref<1x64xf32, #tpu.memory_space<vmem>>) attributes {dimension_semantics = [#tpu.dimension_semantics<arbitrary>, #tpu.dimension_semantics<arbitrary>], iteration_bounds = array<i64: 16, 2>, scalar_prefetch = 0 : i64, scratch_operands = 2 : i64, tpu.core_type = #tpu.core_type<tc>, window_params = [{transform_indices = @transform_0, window_bounds = array<i64: 1, 8192, 64>}, {pipeline_mode = #tpu.pipeline_mode<synchronous>, transform_indices = @transform_1, window_bounds = array<i64: 1, 1>}]} {
    %eq3A = arith.constant 0 : i32
    %eq3A_0 = arith.cmpi eq, %arg1, %eq3A : i32
    %convert_element_type3A = arith.extui %eq3A_0 : i1 to i32
    %cond3A = arith.constant 0 : i32
    %cond3A_1 = arith.cmpi ne, %convert_element_type3A, %cond3A : i32
    scf.if %cond3A_1 {
      %broadcast_in_dim3A_52 = arith.constant 0.000000e+00 : f32
      %broadcast_in_dim3A_53 = vector.broadcast %broadcast_in_dim3A_52 : f32 to vector<1x64xf32>
      %swap3A_54 = arith.constant 0 : index
      %swap3A_55 = arith.constant 0 : index
      %swap3A_56 = vector.load %arg4[%swap3A_54, %swap3A_55] : memref<1x64xf32, #tpu.memory_space<vmem>>, vector<1x64xf32>
      tpu.vector_store %arg4[%swap3A_54, %swap3A_55], %broadcast_in_dim3A_53 {strides = array<i32>} : memref<1x64xf32, #tpu.memory_space<vmem>>, vector<1x64xf32>,
      %broadcast_in_dim3A_57 = arith.constant 0.000000e+00 : f32
      %broadcast_in_dim3A_58 = vector.broadcast %broadcast_in_dim3A_57 : f32 to vector<1x64xf32>
      %swap3A_59 = arith.constant 0 : index
      %swap3A_60 = arith.constant 0 : index
      %swap3A_61 = vector.load %arg5[%swap3A_59, %swap3A_60] : memref<1x64xf32, #tpu.memory_space<vmem>>, vector<1x64xf32>
      tpu.vector_store %arg5[%swap3A_59, %swap3A_60], %broadcast_in_dim3A_58 {strides = array<i32>} : memref<1x64xf32, #tpu.memory_space<vmem>>, vector<1x64xf32>,
    } else {
    }
    %get3A = arith.constant 0 : index
    %get3A_2 = arith.constant 0 : index
    %get3A_3 = arith.constant 0 : index
    %get3A_4 = vector.load %arg2[%get3A, %get3A_2, %get3A_3] : memref<1x8192x64xf32, #tpu.memory_space<vmem>>, vector<1x8192x64xf32>
    %get3A_5 = vector.shape_cast %get3A_4 : vector<1x8192x64xf32> to vector<8192x64xf32>
    %reduce_max3A = arith.constant dense<0xFF800000> : vector<8192xf32>
    %reduce_max3A_6 = vector.multi_reduction <maximumf>, %get3A_5, %reduce_max3A [1] : vector<8192x64xf32> to vector<8192xf32>
    %broadcast_in_dim3A = vector.shape_cast %reduce_max3A_6 : vector<8192xf32> to vector<8192x1xf32>
    %sub3A = vector.broadcast %broadcast_in_dim3A : vector<8192x1xf32> to vector<8192x64xf32>
    %sub3A_7 = arith.subf %get3A_5, %sub3A : vector<8192x64xf32>
    %exp3A = math.exp %sub3A_7 : vector<8192x64xf32>
    %reduce_sum3A = arith.constant dense<0.000000e+00> : vector<8192xf32>
    %reduce_sum3A_8 = vector.multi_reduction <add>, %exp3A, %reduce_sum3A [1] : vector<8192x64xf32> to vector<8192xf32>
    %broadcast_in_dim3A_9 = vector.shape_cast %reduce_sum3A_8 : vector<8192xf32> to vector<8192x1xf32>
    %div3A = arith.constant 1.000000e+00 : f32
    %div3A_10 = vector.broadcast %div3A : f32 to vector<8192x1xf32>
    %div3A_11 = arith.divf %div3A_10, %broadcast_in_dim3A_9 : vector<8192x1xf32>
    %mul3A = vector.broadcast %div3A_11 : vector<8192x1xf32> to vector<8192x64xf32>
    %mul3A_12 = arith.mulf %exp3A, %mul3A : vector<8192x64xf32>
    %get3A_13 = arith.constant 0 : index
    %get3A_14 = arith.constant 0 : index
    %get3A_15 = vector.load %arg5[%get3A_13, %get3A_14] : memref<1x64xf32, #tpu.memory_space<vmem>>, vector<1x64xf32>
    %reduce_sum3A_16 = arith.constant dense<0.000000e+00> : vector<64xf32>
    %reduce_sum3A_17 = vector.multi_reduction <add>, %mul3A_12, %reduce_sum3A_16 [0] : vector<8192x64xf32> to vector<64xf32>
    %broadcast_in_dim3A_18 = vector.shape_cast %reduce_sum3A_17 : vector<64xf32> to vector<1x64xf32>
    %add3A = arith.addf %get3A_15, %broadcast_in_dim3A_18 : vector<1x64xf32>
    %swap3A = arith.constant 0 : index
    %swap3A_19 = arith.constant 0 : index
    %swap3A_20 = vector.load %arg5[%swap3A, %swap3A_19] : memref<1x64xf32, #tpu.memory_space<vmem>>, vector<1x64xf32>
    tpu.vector_store %arg5[%swap3A, %swap3A_19], %add3A {strides = array<i32>} : memref<1x64xf32, #tpu.memory_space<vmem>>, vector<1x64xf32>,
    %eq3A_21 = vector.broadcast %broadcast_in_dim3A : vector<8192x1xf32> to vector<8192x64xf32>
    %eq3A_22 = arith.cmpf oeq, %get3A_5, %eq3A_21 : vector<8192x64xf32>
    %jit3A = arith.constant 0xFF800000 : f32
    %broadcast_in_dim3A_23 = vector.broadcast %jit3A : f32 to vector<8192x64xf32>
    %select_n3A = arith.select %eq3A_22, %broadcast_in_dim3A_23, %get3A_5 : vector<8192x64xi1>, vector<8192x64xf32>
    %reduce_max3A_24 = arith.constant dense<0xFF800000> : vector<8192xf32>
    %reduce_max3A_25 = vector.multi_reduction <maximumf>, %select_n3A, %reduce_max3A_24 [1] : vector<8192x64xf32> to vector<8192xf32>
    %broadcast_in_dim3A_26 = vector.shape_cast %reduce_max3A_25 : vector<8192xf32> to vector<8192x1xf32>
    %ge3A = vector.broadcast %broadcast_in_dim3A_26 : vector<8192x1xf32> to vector<8192x64xf32>
    %ge3A_27 = arith.cmpf oge, %get3A_5, %ge3A : vector<8192x64xf32>
    %convert_element_type3A_28 = arith.extui %ge3A_27 : vector<8192x64xi1> to vector<8192x64xi32>
    %convert_element_type3A_29 = arith.sitofp %convert_element_type3A_28 : vector<8192x64xi32> to vector<8192x64xf32>
    %get3A_30 = arith.constant 0 : index
    %get3A_31 = arith.constant 0 : index
    %get3A_32 = vector.load %arg4[%get3A_30, %get3A_31] : memref<1x64xf32, #tpu.memory_space<vmem>>, vector<1x64xf32>
    %reduce_sum3A_33 = arith.constant dense<0.000000e+00> : vector<64xf32>
    %reduce_sum3A_34 = vector.multi_reduction <add>, %convert_element_type3A_29, %reduce_sum3A_33 [0] : vector<8192x64xf32> to vector<64xf32>
    %broadcast_in_dim3A_35 = vector.shape_cast %reduce_sum3A_34 : vector<64xf32> to vector<1x64xf32>
    %add3A_36 = arith.addf %get3A_32, %broadcast_in_dim3A_35 : vector<1x64xf32>
    %swap3A_37 = arith.constant 0 : index
    %swap3A_38 = arith.constant 0 : index
    %swap3A_39 = vector.load %arg4[%swap3A_37, %swap3A_38] : memref<1x64xf32, #tpu.memory_space<vmem>>, vector<1x64xf32>
    tpu.vector_store %arg4[%swap3A_37, %swap3A_38], %add3A_36 {strides = array<i32>} : memref<1x64xf32, #tpu.memory_space<vmem>>, vector<1x64xf32>,
    %eq3A_40 = arith.constant 1 : i32
    %eq3A_41 = arith.cmpi eq, %arg1, %eq3A_40 : i32
    %convert_element_type3A_42 = arith.extui %eq3A_41 : i1 to i32
    %cond3A_43 = arith.constant 0 : i32
    %cond3A_44 = arith.cmpi ne, %convert_element_type3A_42, %cond3A_43 : i32
    scf.if %cond3A_44 {
      %get3A_52 = arith.constant 0 : index
      %get3A_53 = arith.constant 0 : index
      %get3A_54 = vector.load %arg3[%get3A_52, %get3A_53] : memref<1x1xf32, #tpu.memory_space<vmem>>, vector<1x1xf32>
      %get3A_55 = arith.constant 0 : index
      %get3A_56 = arith.constant 0 : index
      %get3A_57 = vector.load %arg4[%get3A_55, %get3A_56] : memref<1x64xf32, #tpu.memory_space<vmem>>, vector<1x64xf32>
      %get3A_58 = arith.constant 0 : index
      %get3A_59 = arith.constant 0 : index
      %get3A_60 = vector.load %arg5[%get3A_58, %get3A_59] : memref<1x64xf32, #tpu.memory_space<vmem>>, vector<1x64xf32>
      %mul3A_61 = arith.mulf %get3A_57, %get3A_60 : vector<1x64xf32>
      %reduce_sum3A_62 = vector.shape_cast %mul3A_61 : vector<1x64xf32> to vector<1x1x64xf32>
      %reduce_sum3A_63 = arith.constant dense<0.000000e+00> : vector<1xf32>
      %reduce_sum3A_64 = vector.multi_reduction <add>, %reduce_sum3A_62, %reduce_sum3A_63 [1, 2] : vector<1x1x64xf32> to vector<1xf32>
      %reduce_sum3A_65 = vector.shape_cast %reduce_sum3A_64 : vector<1xf32> to vector<1x1x1xf32>
      %reduce_sum3A_66 = vector.extract %reduce_sum3A_65[0, 0, 0] : f32 from vector<1x1x1xf32>
      %reshape3A = vector.broadcast %reduce_sum3A_66 : f32 to vector<1x1xf32>
      %add3A_67 = arith.addf %get3A_54, %reshape3A : vector<1x1xf32>
      %swap3A_68 = arith.constant 0 : index
      %swap3A_69 = arith.constant 0 : index
      %swap3A_70 = vector.load %arg3[%swap3A_68, %swap3A_69] : memref<1x1xf32, #tpu.memory_space<vmem>>, vector<1x1xf32>
      tpu.vector_store %arg3[%swap3A_68, %swap3A_69], %add3A_67 {strides = array<i32>} : memref<1x1xf32, #tpu.memory_space<vmem>>, vector<1x1xf32>,
    } else {
    }
    %eq3A_45 = arith.constant 0 : i32
    %eq3A_46 = arith.cmpi eq, %arg0, %eq3A_45 : i32
    %eq3A_47 = arith.constant 0 : i32
    %eq3A_48 = arith.cmpi eq, %arg1, %eq3A_47 : i32
    %and3A = arith.andi %eq3A_46, %eq3A_48 : i1
    %convert_element_type3A_49 = arith.extui %and3A : i1 to i32
    %cond3A_50 = arith.constant 0 : i32
    %cond3A_51 = arith.cmpi ne, %convert_element_type3A_49, %cond3A_50 : i32
    scf.if %cond3A_51 {
      %broadcast_in_dim3A_52 = arith.constant 0.000000e+00 : f32
      %broadcast_in_dim3A_53 = vector.broadcast %broadcast_in_dim3A_52 : f32 to vector<1x1xf32>
      %swap3A_54 = arith.constant 0 : index
      %swap3A_55 = arith.constant 0 : index
      %swap3A_56 = vector.load %arg3[%swap3A_54, %swap3A_55] : memref<1x1xf32, #tpu.memory_space<vmem>>, vector<1x1xf32>
      tpu.vector_store %arg3[%swap3A_54, %swap3A_55], %broadcast_in_dim3A_53 {strides = array<i32>} : memref<1x1xf32, #tpu.memory_space<vmem>>, vector<1x1xf32>,
    } else {
    }
    return
  }
  func.func @transform_0(%arg0: i32, %arg1: i32) -> (i32, i32, i32) {
    %c0_i32 = arith.constant 0 : i32
    %c0_i32_0 = arith.constant 0 : i32
    return %arg0, %arg1, %c0_i32 : i32, i32, i32
  }
  func.func @transform_1(%arg0: i32, %arg1: i32) -> (i32, i32) {
    %c0_i32 = arith.constant 0 : i32
    %c0_i32_0 = arith.constant 0 : i32
    %c0_i32_1 = arith.constant 0 : i32
    return %c0_i32, %c0_i32_0 : i32, i32
  }
}

</mosaic_0001>

<sc_bundles>
// kernel: kernel.4.cloned.1.call-start
scs
__scs_entry_jumppad:
0x0: {  	(pc) =	sbr.rel $0x88, $3  }
0x1: {  	(tag) =	ssettag $0x0;
	lr =	simm.s32 $0x1  }
0x2: {  	[smem:$0x3F9E] =	sst lr;
	_ =	strace $0xD0000000  }
0x3: {  	_ = 	snop  }
0x4: {  	_ = 	snop  }
0x5: {  	_ = 	snop  }
0x6: {  	_ = 	snop  }
0x7: {  	_ = 	snop  }
__scs_overlays_trampoline_lowered:
0x8: {  	[smem:$0x3FAD] =	sst s0  }
0x9: {  	[smem:$0x3FAE] =	sst s1  }
0xa: {  	[smem:$0x3FAF] =	sst s2  }
0xb: {  	[smem:$0x3FB0] =	sst s3  }
0xc: {  	[smem:$0x3FB1] =	sst s4  }
0xd: {  	[smem:$0x3FB2] =	sst s5  }
0xe: {  	[smem:$0x3FB3] =	sst s6  }
0xf: {  	[smem:$0x3FB4] =	sst s7  }
0x10: {  	[smem:$0x3FB5] =	sst s8  }
0x11: {  	[smem:$0x3FB6] =	sst s9;
	s0 =	simm.s32 @!p0 $0x0  }
0x12: {  	s1 =	sld [smem:$0x3F9C];
	s0 =	simm.s32 @p0 $0x1  }
0x13: {  	[smem:$0x3FB7] =	sst s0;
	s0 =	simm.s32 @!p1 $0x0  }
0x14: {  	s2 =	sld [smem:$0x3F9B];
	s0 =	simm.s32 @p1 $0x1  }
0x15: {  	[smem:$0x3FB8] =	sst s0;
	s0 =	simm.s32 @!p2 $0x0  }
0x16: {  	s3 =	sld [smem:$0x3FDB];
	s0 =	simm.s32 @p2 $0x1  }
0x17: {  	s4 =	simm.s32 $0x1BF5;
	[smem:$0x3FBA] =	sst s0  }
0x18: {  	s0 =	sld [smem:$0x3F9D];
	_ =	swait.ge [sflag:s4], $0x0  }
0x19: {  	s7 =	sld [smem:$0x3F9E]  }
0x1a: {  	s8 =	sadd.s32 $0xFFFFE003, lr  }
0x1b: {  	s9 =	sadd.s32 $0xFFFFFEF7, lr;
	s5 =	simm.s32 $0xFFFFFFFF;
	p2 =	slt.u32 s8, $0xFFFFF086  }
0x1c: {  	p1 =	slt.u32 s9, $0xF7A;
	s5 =	simm.s32 @!p2 $0x0  }
0x1d: {  	s5 =	simm.s32 @p1 $0x1;
	p0 =	seq.s32 s7, s2  }
0x1e: {  	s7 =	smul.u32 @!p0 $0xF7A, s2;
	p2 =	seq.s32 @!p0 s5, $0x0  }
0x1f: {  	s9 =	smul.u32 $0xF7A, s1;
	s8 =	simm.s32 @!p0 $0x1BF5;
	p2 =	por !p2, p0  }
0x20: {  	[sflag:s8] =	ssyncset.s32 @!p0 $0xFFFFF086;
	s6 =	sadd.s32 @!p0 s3, s7;
	s7 =	simm.s32 @!p0 $0x108  }
0x21: {  	s3 =	sadd.s32 s3, s9;
	s6 =	sadd.s32 @!p0 $0x88, s6;
	s7 =	simm.s32 @p2 $0x1082  }
0x22: {  	[simem:s7], [sflag:s8] =	dma.local @!p0 [hbm:s6], $0xF7A  }
0x23: {  	s9 =	sor.u32 $0xD0000000, s2;
	s6 =	simm.s32 $0x108;
	_ =	swait.ge @!p0 [sflag:s8], $0x0  }
0x24: {  	s3 =	sadd.s32 $0x88, s3;
	s6 =	simm.s32 @!p1 $0x1082;
	[sflag:s4] =	ssyncset.s32 $0xFFFFF086  }
0x25: {  	[simem:s6], [sflag:s4] =	dma.local [hbm:s3], $0xF7A  }
0x26: {  	[smem:$0x3F9E] =	sst s1;
	(tag) =	ssettag s2;
	_ =	strace s9  }
0x27: {  	s1 =	sld [smem:$0x3FAE]  }
0x28: {  	s2 =	sld [smem:$0x3FAF]  }
0x29: {  	s4 =	sld [smem:$0x3FB1]  }
0x2a: {  	p0 =	seq.s32 s5, $0x0;
	s5 =	sld [smem:$0x3FB2]  }
0x2b: {  	s6 =	sld [smem:$0x3FB3]  }
0x2c: {  	s7 =	sld [smem:$0x3FB4]  }
0x2d: {  	s3 =	simm.s32 $0x108;
	s8 =	sld [smem:$0x3FB5]  }
0x2e: {  	s3 =	simm.s32 @!p0 $0x1082;
	s9 =	sld [smem:$0x3FB6]  }
0x2f: {  	lr =	sadd.s32 s0, s3;
	s0 =	sld [smem:$0x3FAD]  }
0x30: {  	s3 =	sld [smem:$0x3FB0]  }
0x31: {  	[smem:$0x3FB9] =	sst s10  }
0x32: {  	s10 =	sld [smem:$0x3FB7];
	_ =	sdelay $0x3  }
0x33: {  	p0 =	seq.s32 s10, $0x1;
	s10 =	sld [smem:$0x3FB9];
	_ =	sdelay $0x3  }
0x34: {  	[smem:$0x3FB9] =	sst s10  }
0x35: {  	s10 =	sld [smem:$0x3FB8];
	_ =	sdelay $0x3  }
0x36: {  	p1 =	seq.s32 s10, $0x1;
	s10 =	sld [smem:$0x3FB9];
	_ =	sdelay $0x3  }
0x37: {  	[smem:$0x3FB9] =	sst s10  }
0x38: {  	s10 =	sld [smem:$0x3FBA]  }
0x39: {  	_ = 	snop;
	(pc) =	sbr.ind lr, $3  }
0x3a: {  	_ = 	snop  }
0x3b: {  	_ = 	snop  }
0x3c: {  	p2 =	seq.s32 s10, $0x1;
	s10 =	sld [smem:$0x3FB9]  }
0x3d: {  	_ =	shalt  }
0x3e: {  	_ =	shalt  }
0x3f: {  	_ =	shalt  }
0x40: {  	_ =	shalt  }
0x41: {  	_ =	shalt  }
0x42: {  	_ =	shalt  }
0x43: {  	_ =	shalt  }
0x44: {  	_ =	shalt  }
0x45: {  	_ =	shalt  }
0x46: {  	_ =	shalt  }
0x47: {  	_ =	shalt  }
0x48: {  	_ =	shalt  }
0x49: {  	_ =	shalt  }
0x4a: {  	_ =	shalt  }
0x4b: {  	_ =	shalt  }
0x4c: {  	_ =	shalt  }
0x4d: {  	_ =	shalt  }
0x4e: {  	_ =	shalt  }
0x4f: {  	_ =	shalt  }
0x50: {  	_ =	shalt  }
0x51: {  	_ =	shalt  }
0x52: {  	_ =	shalt  }
0x53: {  	_ =	shalt  }
0x54: {  	_ =	shalt  }
0x55: {  	_ =	shalt  }
0x56: {  	_ =	shalt  }
0x57: {  	_ =	shalt  }
0x58: {  	_ =	shalt  }
0x59: {  	_ =	shalt  }
0x5a: {  	_ =	shalt  }
0x5b: {  	_ =	shalt  }
0x5c: {  	_ =	shalt  }
0x5d: {  	_ =	shalt  }
0x5e: {  	_ =	shalt  }
0x5f: {  	_ =	shalt  }
0x60: {  	_ =	shalt  }
0x61: {  	_ =	shalt  }
0x62: {  	_ =	shalt  }
0x63: {  	_ =	shalt  }
0x64: {  	_ =	shalt  }
0x65: {  	_ =	shalt  }
0x66: {  	_ =	shalt  }
0x67: {  	_ =	shalt  }
0x68: {  	_ =	shalt  }
0x69: {  	_ =	shalt  }
0x6a: {  	_ =	shalt  }
0x6b: {  	_ =	shalt  }
0x6c: {  	_ =	shalt  }
0x6d: {  	_ =	shalt  }
0x6e: {  	_ =	shalt  }
0x6f: {  	_ =	shalt  }
0x70: {  	_ =	shalt  }
0x71: {  	_ =	shalt  }
0x72: {  	_ =	shalt  }
0x73: {  	_ =	shalt  }
0x74: {  	_ =	shalt  }
0x75: {  	_ =	shalt  }
0x76: {  	_ =	shalt  }
0x77: {  	_ =	shalt  }
0x78: {  	_ =	shalt  }
0x79: {  	_ =	shalt  }
0x7a: {  	_ =	shalt  }
0x7b: {  	_ =	shalt  }
0x7c: {  	_ =	shalt  }
0x7d: {  	_ =	shalt  }
0x7e: {  	_ =	shalt  }
0x7f: {  	_ =	shalt  }
0x80: {  	_ =	shalt  }
0x81: {  	_ =	shalt  }
0x82: {  	_ =	shalt  }
0x83: {  	_ =	shalt  }
0x84: {  	_ =	shalt  }
0x85: {  	_ =	shalt  }
0x86: {  	_ =	shalt  }
0x87: {  	_ =	shalt  }
.Lfunc_end0:
.L_simem_size_0:
called_computation_lowered:
.L_overlay_start_0:
0x88: {  	s2 =	sld [smem:$0x3FD9]  }
0x89: {  	s3 =	sld [smem:$0x3FFE];
	_ =	sdelay $0x1  }
0x8a: {  	s1 =	srdreg.scid  }
0x8b: {  	s0 =	sand.u32 $0x1, s1  }
0x8c: {  	s16 =	sshll.u32 s0, $0xA;
	s2 =	sadd.s32 s3, s2  }
0x8d: {  	s2 =	sadd.s32 s2, s16  }
0x8e: {  	[smem:$0x3FC5] =	sst s2  }
0x8f: {  	_ = 	snop  }
0x90: {  	(tm) =	ssettm $0x1  }
0x91: {  	s17 =	sld [smem:$0x3FFB];
	_ =	sdelay $0x3  }
0x92: {  	_ =	strace s17  }
0x93: {  	s2 =	sld [smem:$0x3FFC];
	_ =	sdelay $0x3  }
0x94: {  	_ =	strace s2  }
0x95: {  	s2 =	sld [smem:$0x3FFD];
	_ =	sdelay $0x3  }
0x96: {  	_ =	strace s2  }
0x97: {  	_ =	strace $0x8FFFFFFF  }
0x98: {  	s18 =	sld [smem:$0x3FDB];
	_ =	sdelay $0x1  }
0x99: {  	s19 =	simm.s32 $_scs_section_size  }
0x9a: {  	s4 =	simm.s32 $_size__tile_overlayer_lowered;
	s5 =	simm.s32 $_tile_overlayer_lowered  }
0x9b: {  	s22 =	simm.s32 $0x1BFF;
	s21 =	sshll.u32 s5, $0x1;
	s2 =	sadd.s32 s19, s18  }
0x9c: {  	s6 =	simm.s32 $0x0;
	s20 =	sshll.u32 s4, $0x1;
	s4 =	sadd.s32 s21, s2  }
0x9d: {  	[timem:s6], [sflag:s22] =	dma.local [hbm:s4], s20  }
0x9e: {  	_ =	swait.ge [sflag:s22], s20  }
0x9f: {  	s3 =	ssub.s32 $0x0, s20;
	[sflag:s22] =	ssyncset.done $0x0  }
0xa0: {  	[sflag:s22] =	ssyncadd.s32 s3;
	_ =	sdelay $0x1  }
0xa1: {  	s23 =	simm.s32 $0x1B8B  }
0xa2: {  	_ =	swait.ge [sflag:s23], $0x1  }
0xa3: {  	[sflag:s23] =	ssyncset.done $0x0  }
0xa4: {  	s25 =	simm.s32 $0x1B8E;
	s24 =	sld [smem:$0x3FFE];
	[sflag:s23] =	ssyncadd.s32 $0xFFFFFFFF  }
0xa5: {  	s26 =	simm.s32 $execute0_lowered;
	[smem:$0x3FD2] =	sst s25  }
0xa6: {  	s4 =	sshll.u32 s26, $0x1;
	_ =	strace $0x80000046;
	[dreg:$0x1] =	wrdreg $0xFFFFFFFF  }
0xa7: {  	s28 =	simm.s32 $_size_execute0_lowered;
	s2 =	sadd.s32 s2, s4;
	[dreg:$0x0] =	wrdreg $0x0  }
0xa8: {  	s4 =	sshll.u32 s28, $0x1;
	[dreg:$0x2] =	wrdreg s2  }
0xa9: {  	[dreg:$0x3] =	wrdreg s4  }
0xaa: {  	[dreg:$0x4] =	wrdreg $0xC0  }
0xab: {  	_ =	task [dreg:s6], $0x5FFFF  }
0xac: {  	[dreg:$0x1] =	wrdreg $0xFFFFFFFF  }
0xad: {  	[dreg:$0x0] =	wrdreg $0x60  }
0xae: {  	[dreg:$0x2] =	wrdreg s24  }
0xaf: {  	[dreg:$0x3] =	wrdreg $0x9  }
0xb0: {  	_ =	task.clear_ibuf [dreg:s6], $0x4FFFF;
	_ =	strace $0x90000046  }
0xb1: {  	s29 =	simm.s32 $0x9;
	_ =	strace $0x80000048  }
0xb2: {  	_ =	swait.ge [sflag:s29], $0x1  }
0xb3: {  	[sflag:s29] =	ssyncadd.s32 $0xFFFFFFFF  }
0xb4: {  	_ =	strace $0x90000048  }
0xb5: {  	_ =	sfence  }
0xb6: {  	s30 =	sld [smem:$0x0];
	_ =	sdelay $0x2  }
0xb7: {  	s31 =	sshll.u32 s1, $0xD;
	s1 =	sshrl.u32 s1, $0x2  }
0xb8: {  	s3 =	sand.u32 $0x4000, s31;
	s1 =	sadd.s32 s1, s30  }
0xb9: {  	s0 =	sor.u32 s3, s0;
	s1 =	sshll.u32 s1, $0x11  }
0xba: {  	s0 =	sor.u32 s1, s0  }
0xbb: {  	s0 =	sadd.s32 $0x8F2B, s0  }
0xbc: {  	[sflag:s0] =	ssyncadd.remote.s32 $0x1  }
0xbd: {  	_ =	sfence.sel $0xFFFF  }
0xbe: {  	[dreg:$0x0] =	wrdreg $0xFFFFFFFF;
	(pc) =	sbr.abs _section_cstart, $3  }
0xbf: {  	[dreg:$0x1] =	wrdreg $0xFFFFFFFF  }
0xc0: {  	_ =	task.clear_ibuf [dreg:s6], $0x2FFFF;
	_ =	strace $0x9FFFFFFF  }
0xc1: {  	(tm) =	ssettm $0x7FFFFFFF  }
tec
execute0_lowered:
.L_overlay_start_1:
0x0: {  	(tag) =	ssettag $0x1  }
0x1: {  	s1 =	srdreg.scid;
	s0 =	stileid.u32  }
0x2: {  	v0 =	vimm.s32 $0xFEDCBA98;
	s3 =	simm.s32 $0x1;
	v1 =	vimm.s32 $0x76543210;
	v2 =	vimm.s32 $0xBA98FEDC;
	s4 =	sand.u32 $0x1, s1;
	s30 =	sshll.u32 s0, $0x1  }
0x3: {  	s2 =	simm.s32 $0x0;
	v3 =	vimm.s32 $0x32107654;
	v4 =	vimm.s32 $0xDCFE98BA;
	s10 =	simm.s32 $0x8000;
	s5 =	sor.u32 s4, s30  }
0x4: {  	v5 =	vimm.s32 $0x54761032;
	v6 =	vimm.s32 $0xEFCDAB89;
	v7 =	vimm.s32 $0x67452301;
	s11 =	simm.s32 $0x2;
	p1 =	seq.s32 s4, $0x1;
	p0 =	seq.s32 s5, $0x0  }
0x5: {  	s12 =	simm.s32 $0x10000;
	s13 =	simm.s32 $0x3;
	v0 =	vunpack.c.l.s4.s8 v0;
	v1 =	vunpack.c.l.s4.s8 v1;
	v2 =	vunpack.c.l.s4.s8 v2;
	p0 =	por !p0, !p1  }
0x6: {  	s14 =	simm.s32 $0x0;
	s1 =	rddreg [dreg:$0x0];
	v3 =	vunpack.c.l.s4.s8 v3;
	v4 =	vunpack.c.l.s4.s8 v4;
	v5 =	vunpack.c.l.s4.s8 v5;
	p0 =	por !p0, !p0  }
0x7: {  	[smem:$0x7FF] =	sst s2;
	v6 =	vunpack.c.l.s4.s8 v6;
	v7 =	vunpack.c.l.s4.s8 v7;
	s6 =	sshll.u32 s4, $0x14;
	v0 =	vunpack.c.0.s8.s32 v0;
	s3 =	simm.s32 @!p0 $0x0  }
0x8: {  	s4 =	ssub.s32 $0x2, s4;
	s5 =	sshll.u32 s5, $0x7;
	v2 =	vunpack.c.0.s8.s32 v2;
	v3 =	vunpack.c.0.s8.s32 v3;
	v4 =	vunpack.c.0.s8.s32 v4;
	s3 =	ssub.s32 s0, s3  }
0x9: {  	s31 =	sshrl.u32 s4, $0x1;
	v5 =	vunpack.c.0.s8.s32 v5;
	v6 =	vunpack.c.0.s8.s32 v6;
	v7 =	vunpack.c.0.s8.s32 v7;
	s8 =	sadd.s32 s5, s1;
	s7 =	sshll.u32 s3, $0x15  }
0xa: {  	v1 =	vunpack.c.0.s8.s32 v1;
	s9 =	ssub.s32 s4, s31;
	s4 =	simm.s32 $0x1;
	v2 =	vcombine.low v3, v2;
	s7 =	sor.u32 s6, s7  }
0xb: {  	v3 =	vcombine.low v5, v4;
	v4 =	vcombine.low v7, v6;
	s8 =	sadd.s32 $0x800000, s8;
	v0 =	vand.u32 $0xF, v0;
	s9 =	smax.u32 s9, $0x1;
	s6 =	sadd.s32 $0x2000000, s7  }
0xc: {  	v0 =	vcombine.low v0, v1;
	v1 =	vand.u32 $0xF, v2;
	s3 =	rddreg [dreg:$0x1];
	_ =	strace $0x80000047;
	s6 =	sshrl.u32 s6, $0x3  }
0xd: {  	v2 =	vand.u32 $0xF, v3;
	v3 =	vand.u32 $0xF, v4;
	v4 =	vimm.f32 $0.0e+00;
	s5 =	sadd.s32 s1, s6;
	s6 =	sadd.s32 $0x2008000, s7;
	s7 =	sadd.s32 $0x2010000, s7  }
.LBB2_1:
0xe: {  	v62 =	vimm.f32 $0.0e+00;
	v63 =	vimm.f32 $0.0e+00  }
0xf: {  	[tilespmem:s2], [sflag:$0x1] =	stream.linear.gather [hbm4b:s5+s2], $0x8000, $0x38;
	v11 =	vimm.f32 $0.0e+00;
	v5 =	vimm.f32 $0.0e+00;
	v23 =	vimm.f32 $0.0e+00;
	[tilespmem:$0x10400] =	vst v63  }
0x10: {  	v10 =	vimm.f32 $0.0e+00;
	v27 =	vimm.f32 $0.0e+00;
	v12 =	vimm.f32 $0.0e+00;
	s15 =	simm.s32 $0x0  }
.LBB2_2:
0x11: {  	s16 =	sshll.u32 s15, $0x10  }
0x12: {  	[tilespmem:$0x1FFC0] =	vst v5;
	s16 =	sadd.s32 s6, s16  }
0x13: {  	[tilespmem:$0x1FFD0] =	vst v27;
	s16 =	sshrl.u32 s16, $0x3  }
0x14: {  	[tilespmem:$0x1FFE0] =	vst v23;
	s17 =	simm.s32 $0x0;
	s16 =	sadd.s32 s1, s16  }
0x15: {  	[tilespmem:s10], [sflag:$0x2] =	stream.linear.gather [hbm4b:s16+s17], $0x8000, $0x38;
	[tilespmem:$0x10400] =	vst v63  }
0x16: {  	_ =	swait.ge [sflag:s4], $0x8000  }
0x17: {  	[sflag:s4] =	ssyncset.done $0x0  }
0x18: {  	s31 =	simm.s32 $0x0;
	[sflag:s4] =	ssyncadd.s32 $0xFFFF8000  }
0x19: {  	v15 =	vld [tilespmem:s31+$0x180]  }
0x1a: {  	v17 =	vld [tilespmem:s31+$0x190]  }
0x1b: {  	v19 =	vld [tilespmem:s31+$0x1A0]  }
0x1c: {  	v20 =	vld [tilespmem:s31+$0x1B0]  }
0x1d: {  	v22 =	vld [tilespmem:s31+$0x100]  }
0x1e: {  	v21 =	vld [tilespmem:s31+$0x110]  }
0x1f: {  	v24 =	vld [tilespmem:s31+$0x120]  }
0x20: {  	v23 =	vld [tilespmem:s31+$0x130]  }
0x21: {  	v28 =	vld [tilespmem:s31+$0xB0]  }
0x22: {  	v30 =	vld [tilespmem:s31+$0x10]  }
0x23: {  	v34 =	vld [tilespmem:s31+$0x20]  }
0x24: {  	v36 =	vld [tilespmem:s31+$0x30];
	v13 =	vmul.f32 $1.442695020e+00, v15  }
0x25: {  	v14 =	vmul.f32 $1.442695020e+00, v17;
	v16 =	vmul.f32 $1.442695020e+00, v19  }
0x26: {  	v18 =	vmul.f32 $1.442695020e+00, v20;
	v31 =	vmul.f32 $1.442695020e+00, v22  }
0x27: {  	v32 =	vmax.f32 v15, v17;
	v33 =	vmax.f32 v19, v20;
	v37 =	vmax.f32 v22, v21  }
0x28: {  	v38 =	vmax.f32 v24, v23;
	v35 =	vmul.f32 $1.442695020e+00, v28;
	v40 =	vmul.f32 $1.442695020e+00, v30  }
0x29: {  	v25 =	vld [tilespmem:s31+$0x80];
	v42 =	vmul.f32 $1.442695020e+00, v34;
	v43 =	vmul.f32 $1.442695020e+00, v36;
	v32 =	vmax.f32 v32, v33  }
0x2a: {  	v46 =	vmax.f32 v37, v38;
	(erf) = vpow2.f32 v13;
	v13 =	vmul.f32 $1.442695020e+00, v21  }
0x2b: {  	v26 =	vld [tilespmem:s31+$0x90];
	v47 =	vperm.xlane v32, v0;
	v48 =	vperm.xlane v46, v0  }
0x2c: {  	v27 =	vld [tilespmem:s31+$0xA0];
	(erf) = vpow2.f32 v14;
	v14 =	vmul.f32 $1.442695020e+00, v24  }
0x2d: {  	(erf) = vpow2.f32 v16;
	v16 =	vmul.f32 $1.442695020e+00, v23  }
0x2e: {  	v29 =	vld [tilespmem:s31+$0x0];
	v32 =	vmax.f32 v32, v47;
	(erf) = vpow2.f32 v18;
	v18 =	vmul.f32 $1.442695020e+00, v25  }
0x2f: {  	v33 =	vmax.f32 v46, v48;
	v51 =	vperm.xlane v32, v1;
	(erf) = vpow2.f32 v31  }
0x30: {  	v44 =	vperm.xlane v33, v1;
	(erf) = vpow2.f32 v13  }
0x31: {  	v39 =	vmax.f32 v27, v28;
	v31 =	vmul.f32 $1.442695020e+00, v26;
	(erf) = vpow2.f32 v14  }
0x32: {  	v41 =	vmax.f32 v34, v36;
	v13 =	vmul.f32 $1.442695020e+00, v27;
	(erf) = vpow2.f32 v16  }
0x33: {  	v54 =	vmax.f32 v32, v51;
	(erf) = vpow2.f32 v18;
	v18 =	vmax.f32 v29, v30  }
0x34: {  	v16 =	vmul.f32 $1.442695020e+00, v29;
	(erf) = vpow2.f32 v31;
	v18 =	vmax.f32 v18, v41  }
0x35: {  	v14 =	vmax.f32 v25, v26;
	v31 =	vpop (erf);
	(erf) = vpow2.f32 v13;
	v41 =	vperm.xlane v18, v0  }
0x36: {  	v53 =	vmax.f32 v33, v44;
	v46 =	vperm.xlane v54, v2;
	(erf) = vpow2.f32 v35;
	v35 =	vpop (erf)  }
0x37: {  	(erf) = vpow2.f32 v16;
	v6 =	vpop (erf);
	v16 =	vmax.f32 v14, v39;
	v41 =	vmax.f32 v18, v41  }
0x38: {  	v14 =	vmov v6;
	v6 =	vpop (erf);
	v49 =	vperm.xlane v16, v0;
	v45 =	vperm.xlane v41, v1  }
0x39: {  	v55 =	vperm.xlane v53, v2;
	v46 =	vmax.f32 v54, v46;
	(erf) = vpow2.f32 v40;
	v37 =	vpop (erf)  }
0x3a: {  	(erf) = vpow2.f32 v42;
	v38 =	vpop (erf);
	v50 =	vmax.f32 v16, v49;
	v45 =	vmax.f32 v41, v45  }
0x3b: {  	v51 =	vadd.f32 v35, v31;
	v16 =	vpop (erf);
	v52 =	vperm.xlane v50, v1;
	v47 =	vperm.xlane v45, v2  }
0x3c: {  	(erf) = vpow2.f32 v43;
	v49 =	vmax.f32 v53, v55;
	v54 =	vadd.f32 v38, v37;
	v18 =	vpop (erf)  }
0x3d: {  	v40 =	vpop (erf);
	v42 =	vmax.f32 v50, v52;
	v45 =	vmax.f32 v45, v47;
	v50 =	vperm.xlane v49, v3  }
0x3e: {  	v52 =	vadd.f32 v6, v14;
	v39 =	vpop (erf);
	v48 =	vperm.xlane v42, v2;
	v56 =	vperm.xlane v45, v3  }
0x3f: {  	v55 =	vadd.f32 v18, v16;
	v57 =	vadd.f32 v39, v40;
	v49 =	vmax.f32 v49, v50  }
0x40: {  	v33 =	vpop (erf);
	v47 =	vmax.f32 v42, v48;
	v48 =	vperm.xlane v46, v3;
	v56 =	vmax.f32 v45, v56  }
0x41: {  	v32 =	vpop (erf);
	vm5 =	veq.f32 v22, v49;
	vm8 =	veq.f32 v21, v49;
	vm9 =	veq.f32 v24, v49  }
0x42: {  	vm10 =	veq.f32 v23, v49;
	v53 =	vperm.xlane v47, v3;
	v58 =	vadd.f32 v32, v33  }
0x43: {  	vm14 =	veq.f32 v29, v56;
	vm1 =	veq.f32 v30, v56;
	vm2 =	veq.f32 v34, v56  }
0x44: {  	v41 =	vpop (erf);
	vm0 =	veq.f32 v36, v56;
	v50 =	vsel vm5, $0xFF61B1E6, v22;
	v61 =	vmax.f32 v46, v48  }
0x45: {  	v42 =	vpop (erf);
	v46 =	vadd.f32 v52, v51;
	v48 =	vadd.f32 v55, v54;
	v51 =	vsel vm9, $0xFF61B1E6, v24  }
0x46: {  	v59 =	vadd.f32 v42, v41;
	v53 =	vmax.f32 v47, v53;
	v47 =	vadd.f32 v58, v57  }
0x47: {  	vm3 =	veq.f32 v15, v61;
	vm4 =	veq.f32 v17, v61;
	vm6 =	veq.f32 v19, v61  }
0x48: {  	vm7 =	veq.f32 v20, v61;
	v58 =	vsel vm14, $0xFF61B1E6, v29;
	vm11 =	veq.f32 v25, v53  }
0x49: {  	v43 =	vpop (erf);
	vm12 =	veq.f32 v26, v53;
	vm13 =	veq.f32 v27, v53;
	vm15 =	veq.f32 v28, v53  }
0x4a: {  	v44 =	vpop (erf);
	v49 =	vsel vm3, $0xFF61B1E6, v15;
	v54 =	vsel vm4, $0xFF61B1E6, v17;
	v52 =	vsel vm6, $0xFF61B1E6, v19  }
0x4b: {  	v56 =	vsel vm7, $0xFF61B1E6, v20;
	v53 =	vsel vm8, $0xFF61B1E6, v21;
	v60 =	vadd.f32 v44, v43  }
0x4c: {  	v61 =	vsel vm12, $0xFF61B1E6, v26;
	v55 =	vsel vm13, $0xFF61B1E6, v27;
	v57 =	vsel vm15, $0xFF61B1E6, v28  }
0x4d: {  	s16 =	simm.s32 $0x800;
	[tilespmem:$0x1FFF0] =	vst v6;
	v45 =	vadd.f32 v60, v59;
	v60 =	vsel vm11, $0xFF61B1E6, v25;
	v59 =	vsel vm10, $0xFF61B1E6, v23  }
.LBB2_3:
0x4e: {  	[tilespmem:$0x1FFB0] =	vst v14;
	v14 =	vmovc v62;
	v62 =	vsel vm1, $0xFF61B1E6, v30;
	v13 =	vmov v63;
	v63 =	vsel vm2, $0xFF61B1E6, v34  }
0x4f: {  	v6 =	vsel vm0, $0xFF61B1E6, v36;
	v49 =	vmax.f32 v49, v54;
	v52 =	vmax.f32 v52, v56  }
0x50: {  	v61 =	vmax.f32 v60, v61;
	v50 =	vmax.f32 v50, v53;
	v51 =	vmax.f32 v51, v59  }
0x51: {  	v55 =	vmax.f32 v55, v57;
	v5 =	vperm.xlane v46, v0;
	v7 =	vperm.xlane v47, v0  }
0x52: {  	v8 =	vperm.xlane v48, v0;
	v9 =	vperm.xlane v45, v0;
	v62 =	vmax.f32 v58, v62  }
0x53: {  	v6 =	vmax.f32 v63, v6;
	v54 =	vmax.f32 v61, v55;
	v49 =	vmax.f32 v49, v52  }
0x54: {  	v50 =	vmax.f32 v50, v51;
	v6 =	vmax.f32 v62, v6;
	v63 =	vperm.xlane v49, v0  }
0x55: {  	v58 =	vperm.xlane v54, v0;
	v8 =	vadd.f32 v8, v48;
	v5 =	vadd.f32 v5, v46  }
0x56: {  	v7 =	vadd.f32 v7, v47;
	v46 =	vperm.xlane v50, v0;
	v9 =	vadd.f32 v9, v45  }
0x57: {  	v57 =	vperm.xlane v6, v0;
	v45 =	vmax.f32 v54, v58;
	v59 =	vperm.xlane v8, v1  }
0x58: {  	v47 =	vmax.f32 v49, v63;
	v60 =	vperm.xlane v5, v1;
	v61 =	vperm.xlane v9, v1  }
0x59: {  	v62 =	vperm.xlane v7, v1;
	v46 =	vmax.f32 v50, v46;
	v49 =	vperm.xlane v47, v1  }
0x5a: {  	v6 =	vmax.f32 v6, v57;
	v54 =	vperm.xlane v45, v1;
	v63 =	vperm.xlane v46, v1  }
0x5b: {  	v56 =	vperm.xlane v6, v1;
	v8 =	vadd.f32 v59, v8;
	v5 =	vadd.f32 v60, v5  }
0x5c: {  	v7 =	vadd.f32 v62, v7;
	v47 =	vmax.f32 v47, v49;
	v45 =	vmax.f32 v45, v54  }
0x5d: {  	v9 =	vadd.f32 v61, v9;
	v61 =	vperm.xlane v47, v2;
	v62 =	vperm.xlane v45, v2  }
0x5e: {  	v46 =	vmax.f32 v46, v63;
	v57 =	vperm.xlane v5, v2;
	v58 =	vperm.xlane v7, v2  }
0x5f: {  	v6 =	vmax.f32 v6, v56;
	v59 =	vperm.xlane v8, v2;
	v60 =	vperm.xlane v9, v2  }
0x60: {  	v63 =	vperm.xlane v46, v2;
	v56 =	vperm.xlane v6, v2;
	v45 =	vmax.f32 v45, v62  }
0x61: {  	v47 =	vmax.f32 v47, v61;
	v5 =	vadd.f32 v57, v5;
	v8 =	vadd.f32 v59, v8  }
0x62: {  	v46 =	vmax.f32 v46, v63;
	v6 =	vmax.f32 v6, v56;
	v57 =	vperm.xlane v47, v3  }
0x63: {  	v9 =	vadd.f32 v60, v9;
	v59 =	vperm.xlane v45, v3;
	v48 =	vperm.xlane v46, v3  }
0x64: {  	v7 =	vadd.f32 v58, v7;
	v58 =	vperm.xlane v6, v3;
	v60 =	vperm.xlane v8, v3  }
0x65: {  	v61 =	vperm.xlane v5, v3;
	v62 =	vperm.xlane v9, v3  }
0x66: {  	v63 =	vperm.xlane v7, v3;
	v47 =	vmax.f32 v47, v57;
	v45 =	vmax.f32 v45, v59  }
0x67: {  	v46 =	vmax.f32 v46, v48;
	v6 =	vmax.f32 v6, v58;
	vm0 =	vge.f32 v15, v47  }
0x68: {  	vm1 =	vge.f32 v17, v47;
	vm3 =	vge.f32 v19, v47;
	vm4 =	vge.f32 v20, v47  }
0x69: {  	vm7 =	vge.f32 v25, v45;
	vm9 =	vge.f32 v26, v45;
	vm10 =	vge.f32 v27, v45  }
0x6a: {  	vm11 =	vge.f32 v28, v45;
	v5 =	vadd.f32 v61, v5;
	v7 =	vadd.f32 v63, v7  }
0x6b: {  	v8 =	vadd.f32 v60, v8;
	v9 =	vadd.f32 v62, v9;
	vm2 =	vge.f32 v22, v46  }
0x6c: {  	vm5 =	vge.f32 v21, v46;
	vm6 =	vge.f32 v24, v46;
	vm12 =	vge.f32 v29, v6  }
0x6d: {  	vm8 =	vge.f32 v23, v46;
	vm14 =	vge.f32 v34, v6;
	v24 =	vsel vm12, $0x3F800000, v4  }
0x6e: {  	v26 =	vsel vm14, $0x3F800000, v4;
	(erf) = vrcp.f32 v5;
	v12 =	vadd.f32 v24, v12;
	v24 =	vld [tilespmem:$0x1FFD0]  }
0x6f: {  	vm13 =	vge.f32 v30, v6;
	v10 =	vadd.f32 v26, v10;
	v26 =	vld [tilespmem:$0x1FFE0];
	(erf) = vrcp.f32 v8  }
0x70: {  	vm15 =	vge.f32 v36, v6;
	v6 =	vsel vm1, $0x3F800000, v4;
	(erf) = vrcp.f32 v7  }
0x71: {  	v17 =	vsel vm4, $0x3F800000, v4;
	v15 =	vsel vm7, $0x3F800000, v4;
	(erf) = vrcp.f32 v9  }
0x72: {  	v21 =	vsel vm9, $0x3F800000, v4;
	v22 =	vsel vm10, $0x3F800000, v4;
	v25 =	vsel vm13, $0x3F800000, v4  }
0x73: {  	v23 =	vsel vm11, $0x3F800000, v4;
	v28 =	vsel vm15, $0x3F800000, v4;
	v36 =	vadd.f32 v25, v24  }
0x74: {  	v19 =	vsel vm6, $0x3F800000, v4;
	v20 =	vsel vm8, $0x3F800000, v4;
	v26 =	vadd.f32 v28, v26  }
0x75: {  	v8 =	vsel vm2, $0x3F800000, v4;
	v12 =	vadd.f32 v15, v12;
	v15 =	vadd.f32 v21, v36  }
0x76: {  	v10 =	vadd.f32 v22, v10;
	v9 =	vsel vm5, $0x3F800000, v4;
	v22 =	vadd.f32 v23, v26  }
0x77: {  	v5 =	vsel vm0, $0x3F800000, v4;
	v8 =	vadd.f32 v8, v12;
	v27 =	vpop (erf);
	v9 =	vadd.f32 v9, v15  }
0x78: {  	v10 =	vadd.f32 v19, v10;
	v19 =	vadd.f32 v20, v22;
	v29 =	vmul.f32 v27, v31;
	v31 =	vpop (erf)  }
0x79: {  	v12 =	vadd.f32 v5, v8;
	v28 =	vmul.f32 v31, v38;
	v38 =	vpop (erf);
	v5 =	vadd.f32 v6, v9  }
0x7a: {  	s17 =	sshra.s32 s16, $0x2;
	v6 =	vadd.f32 v17, v19;
	v24 =	vpop (erf)  }
0x7b: {  	v34 =	vld [tilespmem:s17+$0x20];
	v42 =	vmul.f32 v24, v42;
	[tilespmem:$0x1FFD0] =	vst v5  }
0x7c: {  	v7 =	vsel vm3, $0x3F800000, v4;
	v20 =	vmul.f32 v24, v43;
	v5 =	vmul.f32 v24, v44;
	[tilespmem:$0x1FFE0] =	vst v6;
	v6 =	vld [tilespmem:$0x1FFC0]  }
0x7d: {  	v10 =	vadd.f32 v7, v10;
	v15 =	vld [tilespmem:s17+$0x180];
	v8 =	vmul.f32 v38, v33;
	v7 =	vadd.f32 v42, v11  }
0x7e: {  	v22 =	vld [tilespmem:s17+$0x100];
	v9 =	vadd.f32 v20, v13;
	v5 =	vadd.f32 v5, v14;
	v11 =	vmul.f32 v38, v32  }
0x7f: {  	v19 =	vld [tilespmem:s17+$0x1A0];
	v23 =	vmul.f32 v38, v39;
	v26 =	vmul.f32 v24, v41  }
0x80: {  	v20 =	vld [tilespmem:s17+$0x1B0];
	v8 =	vadd.f32 v8, v9;
	v5 =	vadd.f32 v11, v5;
	v9 =	vmul.f32 v31, v18  }
0x81: {  	v21 =	vmul.f32 v38, v40;
	v11 =	vld [tilespmem:$0x1FFB0];
	v6 =	vadd.f32 v26, v6  }
0x82: {  	v25 =	vmul.f32 v31, v37;
	v7 =	vadd.f32 v23, v7;
	v5 =	vadd.f32 v9, v5;
	v9 =	vld [tilespmem:$0x1FFF0]  }
0x83: {  	v17 =	vld [tilespmem:s17+$0x190];
	v16 =	vmul.f32 v31, v16;
	v14 =	vmul.f32 $1.442695020e+00, v15;
	v6 =	vadd.f32 v21, v6  }
0x84: {  	v47 =	vmul.f32 $1.442695020e+00, v34;
	v30 =	vmul.f32 v27, v35;
	v7 =	vadd.f32 v28, v7;
	v28 =	vld [tilespmem:s17+$0xB0]  }
0x85: {  	(erf) = vpow2.f32 v14;
	v8 =	vadd.f32 v16, v8;
	v21 =	vld [tilespmem:s17+$0x110];
	v6 =	vadd.f32 v25, v6  }
0x86: {  	v14 =	vmax.f32 v19, v20;
	v13 =	vmul.f32 v27, v11;
	v11 =	vadd.f32 v30, v7  }
0x87: {  	v7 =	vmul.f32 $1.442695020e+00, v20;
	v30 =	vld [tilespmem:s17+$0x10];
	v9 =	vmul.f32 v27, v9;
	v6 =	vadd.f32 v29, v6  }
0x88: {  	v24 =	vld [tilespmem:s17+$0x120];
	v63 =	vadd.f32 v13, v8;
	v8 =	vmul.f32 $1.442695020e+00, v22;
	v13 =	vmax.f32 v15, v17  }
0x89: {  	v23 =	vld [tilespmem:s17+$0x130];
	v44 =	vmul.f32 $1.442695020e+00, v28;
	v48 =	vmax.f32 v13, v14;
	[tilespmem:$0x1FFC0] =	vst v6;
	v6 =	vmul.f32 $1.442695020e+00, v17  }
0x8a: {  	v25 =	vld [tilespmem:s17+$0x80];
	v62 =	vadd.f32 v9, v5;
	v5 =	vmul.f32 $1.442695020e+00, v19;
	v9 =	vmul.f32 $1.442695020e+00, v21  }
0x8b: {  	v26 =	vld [tilespmem:s17+$0x90];
	v49 =	vperm.xlane v48, v0;
	(erf) = vpow2.f32 v6  }
0x8c: {  	v27 =	vld [tilespmem:s17+$0xA0];
	v46 =	vmul.f32 $1.442695020e+00, v30;
	(erf) = vpow2.f32 v5  }
0x8d: {  	v29 =	vld [tilespmem:s17+$0x0];
	v6 =	vmul.f32 $1.442695020e+00, v24;
	(erf) = vpow2.f32 v7  }
0x8e: {  	v36 =	vld [tilespmem:s17+$0x30];
	v18 =	vmax.f32 v24, v23;
	v5 =	vmul.f32 $1.442695020e+00, v23;
	(erf) = vpow2.f32 v8  }
0x8f: {  	v16 =	vmax.f32 v22, v21;
	v7 =	vmul.f32 $1.442695020e+00, v25;
	(erf) = vpow2.f32 v9  }
0x90: {  	v18 =	vmax.f32 v16, v18;
	v8 =	vmul.f32 $1.442695020e+00, v26;
	(erf) = vpow2.f32 v6  }
0x91: {  	v51 =	vmax.f32 v48, v49;
	v9 =	vmul.f32 $1.442695020e+00, v27;
	(erf) = vpow2.f32 v5  }
0x92: {  	v45 =	vmax.f32 v27, v28;
	v5 =	vmul.f32 $1.442695020e+00, v29;
	(erf) = vpow2.f32 v7  }
0x93: {  	v7 =	vmax.f32 v29, v30;
	(erf) = vpow2.f32 v8;
	v8 =	vmax.f32 v34, v36  }
0x94: {  	v31 =	vpop (erf);
	(erf) = vpow2.f32 v9;
	v9 =	vmul.f32 $1.442695020e+00, v36;
	v7 =	vmax.f32 v7, v8  }
0x95: {  	v6 =	vmax.f32 v25, v26;
	v35 =	vpop (erf);
	(erf) = vpow2.f32 v44;
	v50 =	vperm.xlane v7, v0  }
0x96: {  	v14 =	vpop (erf);
	(erf) = vpow2.f32 v5;
	v5 =	vmax.f32 v6, v45;
	v6 =	vperm.xlane v18, v0  }
0x97: {  	v13 =	vpop (erf);
	(erf) = vpow2.f32 v46;
	v8 =	vperm.xlane v5, v0;
	v7 =	vmax.f32 v7, v50  }
0x98: {  	v37 =	vpop (erf);
	v46 =	vadd.f32 v35, v31;
	(erf) = vpow2.f32 v47;
	v6 =	vmax.f32 v18, v6  }
0x99: {  	v38 =	vpop (erf);
	v53 =	vperm.xlane v7, v1;
	v47 =	vadd.f32 v13, v14;
	(erf) = vpow2.f32 v9  }
0x9a: {  	v16 =	vpop (erf);
	v5 =	vmax.f32 v5, v8;
	v8 =	vperm.xlane v51, v1;
	v52 =	vperm.xlane v6, v1  }
0x9b: {  	v49 =	vadd.f32 v38, v37;
	v18 =	vpop (erf);
	v9 =	vperm.xlane v5, v1;
	v7 =	vmax.f32 v7, v53  }
0x9c: {  	v46 =	vadd.f32 v47, v46;
	v40 =	vpop (erf);
	v6 =	vmax.f32 v6, v52;
	v8 =	vmax.f32 v51, v8  }
0x9d: {  	v55 =	vperm.xlane v7, v2;
	v39 =	vpop (erf);
	v5 =	vmax.f32 v5, v9;
	v9 =	vperm.xlane v6, v2  }
0x9e: {  	v50 =	vadd.f32 v18, v16;
	v54 =	vperm.xlane v8, v2;
	v33 =	vpop (erf);
	v56 =	vperm.xlane v5, v2  }
0x9f: {  	v7 =	vmax.f32 v7, v55;
	v58 =	vadd.f32 v39, v40;
	v32 =	vpop (erf);
	v6 =	vmax.f32 v6, v9  }
0xa0: {  	v8 =	vmax.f32 v8, v54;
	v57 =	vperm.xlane v7, v3;
	v41 =	vpop (erf);
	v5 =	vmax.f32 v5, v56  }
0xa1: {  	v9 =	vperm.xlane v8, v3;
	v45 =	vperm.xlane v6, v3;
	v59 =	vadd.f32 v32, v33;
	v42 =	vpop (erf)  }
0xa2: {  	v48 =	vperm.xlane v5, v3;
	v7 =	vmax.f32 v7, v57;
	v60 =	vadd.f32 v42, v41  }
0xa3: {  	v8 =	vmax.f32 v8, v9;
	v6 =	vmax.f32 v6, v45;
	v47 =	vadd.f32 v59, v58  }
0xa4: {  	vm14 =	veq.f32 v29, v7;
	vm1 =	veq.f32 v30, v7;
	vm2 =	veq.f32 v34, v7  }
0xa5: {  	vm0 =	veq.f32 v36, v7;
	v5 =	vmax.f32 v5, v48;
	v48 =	vadd.f32 v50, v49  }
0xa6: {  	vm3 =	veq.f32 v15, v8;
	vm4 =	veq.f32 v17, v8;
	vm5 =	veq.f32 v22, v6  }
0xa7: {  	v43 =	vpop (erf);
	vm6 =	veq.f32 v19, v8;
	vm7 =	veq.f32 v20, v8;
	vm8 =	veq.f32 v21, v6  }
0xa8: {  	v44 =	vpop (erf);
	vm9 =	veq.f32 v24, v6;
	vm10 =	veq.f32 v23, v6;
	v58 =	vsel vm14, $0xFF61B1E6, v29  }
0xa9: {  	p0 =	sne.s32 s16, $0x1F800;
	v61 =	vadd.f32 v44, v43;
	vm11 =	veq.f32 v25, v5;
	vm12 =	veq.f32 v26, v5  }
.Ltmp0:
0xaa: {  	vm13 =	veq.f32 v27, v5;
	vm15 =	veq.f32 v28, v5;
	v49 =	vsel vm3, $0xFF61B1E6, v15;
	(pc) =	sbr.rel @p0 .LBB2_3-.Ltmp0, $4  }
0xab: {  	v54 =	vsel vm4, $0xFF61B1E6, v17;
	v52 =	vsel vm6, $0xFF61B1E6, v19;
	v56 =	vsel vm7, $0xFF61B1E6, v20  }
0xac: {  	v50 =	vsel vm5, $0xFF61B1E6, v22;
	v53 =	vsel vm8, $0xFF61B1E6, v21;
	v51 =	vsel vm9, $0xFF61B1E6, v24  }
0xad: {  	v59 =	vsel vm10, $0xFF61B1E6, v23;
	v55 =	vsel vm13, $0xFF61B1E6, v27;
	v57 =	vsel vm15, $0xFF61B1E6, v28  }
0xae: {  	s16 =	sadd.s32 $0x800, s16;
	[tilespmem:$0x1FFF0] =	vst v13;
	v45 =	vadd.f32 v61, v60;
	v60 =	vsel vm11, $0xFF61B1E6, v25;
	v61 =	vsel vm12, $0xFF61B1E6, v26  }
0xaf: {  	v5 =	vmax.f32 v49, v54;
	v6 =	vsel vm1, $0xFF61B1E6, v30;
	v7 =	vmax.f32 v52, v56  }
0xb0: {  	v8 =	vsel vm2, $0xFF61B1E6, v34;
	v9 =	vmax.f32 v60, v61;
	v49 =	vperm.xlane v46, v0  }
0xb1: {  	v50 =	vmax.f32 v50, v53;
	v52 =	vsel vm0, $0xFF61B1E6, v36;
	v51 =	vmax.f32 v51, v59  }
0xb2: {  	v60 =	vperm.xlane v47, v0;
	v61 =	vperm.xlane v48, v0;
	v55 =	vmax.f32 v55, v57  }
0xb3: {  	v6 =	vmax.f32 v58, v6;
	v8 =	vmax.f32 v8, v52;
	v58 =	vperm.xlane v45, v0  }
0xb4: {  	v9 =	vmax.f32 v9, v55;
	v50 =	vmax.f32 v50, v51;
	v5 =	vmax.f32 v5, v7  }
0xb5: {  	v6 =	vmax.f32 v6, v8;
	v7 =	vadd.f32 v61, v48;
	v8 =	vadd.f32 v49, v46  }
0xb6: {  	v46 =	vadd.f32 v60, v47;
	v47 =	vperm.xlane v50, v0;
	v48 =	vperm.xlane v5, v0  }
0xb7: {  	v60 =	vperm.xlane v9, v0;
	v59 =	vperm.xlane v6, v0  }
0xb8: {  	v45 =	vadd.f32 v58, v45;
	v61 =	vperm.xlane v7, v1;
	v53 =	vperm.xlane v8, v1  }
0xb9: {  	v58 =	vperm.xlane v46, v1;
	v9 =	vmax.f32 v9, v60;
	v47 =	vmax.f32 v50, v47  }
0xba: {  	v5 =	vmax.f32 v5, v48;
	v57 =	vperm.xlane v45, v1;
	v6 =	vmax.f32 v6, v59  }
0xbb: {  	v59 =	vperm.xlane v47, v1;
	v60 =	vperm.xlane v5, v1;
	v7 =	vadd.f32 v61, v7  }
0xbc: {  	v61 =	vperm.xlane v9, v1;
	v8 =	vadd.f32 v53, v8;
	v46 =	vadd.f32 v58, v46  }
0xbd: {  	v56 =	vperm.xlane v6, v1;
	v45 =	vadd.f32 v57, v45;
	v47 =	vmax.f32 v47, v59  }
0xbe: {  	v5 =	vmax.f32 v5, v60;
	v48 =	vperm.xlane v8, v2;
	v49 =	vperm.xlane v46, v2  }
0xbf: {  	v9 =	vmax.f32 v9, v61;
	v57 =	vperm.xlane v7, v2;
	v59 =	vperm.xlane v5, v2  }
0xc0: {  	v6 =	vmax.f32 v6, v56;
	v60 =	vperm.xlane v47, v2;
	v58 =	vperm.xlane v45, v2  }
0xc1: {  	v61 =	vperm.xlane v9, v2;
	v56 =	vperm.xlane v6, v2;
	v8 =	vadd.f32 v48, v8  }
0xc2: {  	v46 =	vadd.f32 v49, v46;
	v7 =	vadd.f32 v57, v7;
	v47 =	vmax.f32 v47, v60  }
0xc3: {  	v5 =	vmax.f32 v5, v59;
	v6 =	vmax.f32 v6, v56;
	v48 =	vperm.xlane v47, v3  }
0xc4: {  	v9 =	vmax.f32 v9, v61;
	v49 =	vperm.xlane v5, v3;
	v50 =	vperm.xlane v6, v3  }
0xc5: {  	v45 =	vadd.f32 v58, v45;
	v57 =	vperm.xlane v9, v3;
	v58 =	vperm.xlane v7, v3  }
0xc6: {  	v59 =	vperm.xlane v8, v3;
	v60 =	vperm.xlane v46, v3  }
0xc7: {  	v13 =	vld [tilespmem:$0x1FFD0];
	v61 =	vperm.xlane v45, v3;
	v5 =	vmax.f32 v5, v49;
	v47 =	vmax.f32 v47, v48  }
0xc8: {  	v9 =	vmax.f32 v9, v57;
	v8 =	vadd.f32 v59, v8;
	v46 =	vadd.f32 v60, v46  }
0xc9: {  	v6 =	vmax.f32 v6, v50;
	v7 =	vadd.f32 v58, v7;
	vm0 =	vge.f32 v15, v5  }
0xca: {  	v45 =	vadd.f32 v61, v45;
	vm13 =	vge.f32 v30, v6;
	(erf) = vrcp.f32 v8  }
0xcb: {  	vm10 =	vge.f32 v27, v9;
	v27 =	vsel vm13, $0x3F800000, v4;
	(erf) = vrcp.f32 v7  }
0xcc: {  	vm1 =	vge.f32 v17, v5;
	v27 =	vadd.f32 v27, v13;
	v13 =	vld [tilespmem:$0x1FFE0];
	(erf) = vrcp.f32 v46  }
0xcd: {  	vm2 =	vge.f32 v22, v47;
	vm5 =	vge.f32 v21, v47;
	(erf) = vrcp.f32 v45  }
0xce: {  	vm8 =	vge.f32 v23, v47;
	vm7 =	vge.f32 v25, v9;
	vm12 =	vge.f32 v29, v6  }
0xcf: {  	vm9 =	vge.f32 v26, v9;
	vm15 =	vge.f32 v36, v6;
	v25 =	vsel vm12, $0x3F800000, v4  }
0xd0: {  	s16 =	sshll.u32 s15, $0x1;
	vm11 =	vge.f32 v28, v9;
	v29 =	vsel vm15, $0x3F800000, v4;
	v12 =	vadd.f32 v25, v12  }
0xd1: {  	s16 =	smin.u32 s16, $0x1D;
	vm14 =	vge.f32 v34, v6;
	v15 =	vsel vm7, $0x3F800000, v4;
	v29 =	vadd.f32 v29, v13  }
0xd2: {  	s16 =	sshll.u32 s16, $0xF;
	v21 =	vsel vm9, $0x3F800000, v4;
	v23 =	vsel vm11, $0x3F800000, v4;
	v12 =	vadd.f32 v15, v12  }
0xd3: {  	s16 =	sadd.s32 s16, s7;
	v28 =	vsel vm14, $0x3F800000, v4;
	v15 =	vadd.f32 v21, v27;
	v21 =	vadd.f32 v23, v29;
	v26 =	vpop (erf)  }
0xd4: {  	s16 =	sshrl.u32 s16, $0x3;
	vm3 =	vge.f32 v19, v5;
	v19 =	vsel vm8, $0x3F800000, v4;
	v7 =	vsel vm2, $0x3F800000, v4;
	v30 =	vpop (erf)  }
0xd5: {  	s17 =	simm.s32 $0x0;
	s16 =	sadd.s32 s1, s16;
	vm4 =	vge.f32 v20, v5;
	v7 =	vadd.f32 v7, v12;
	v12 =	vadd.f32 v19, v21;
	v25 =	vpop (erf)  }
0xd6: {  	[tilespmem:s17], [sflag:$0x1] =	stream.linear.gather [hbm4b:s16+s17], $0x8000, $0x38;
	v5 =	vsel vm0, $0x3F800000, v4;
	v20 =	vsel vm4, $0x3F800000, v4;
	v10 =	vadd.f32 v28, v10;
	v28 =	vpop (erf);
	[tilespmem:$0x10400] =	vst v63  }
0xd7: {  	v22 =	vsel vm10, $0x3F800000, v4;
	v5 =	vadd.f32 v5, v7;
	v7 =	vadd.f32 v20, v12;
	_ =	swait.ge [sflag:s11], $0x8000  }
0xd8: {  	vm6 =	vge.f32 v24, v47;
	v9 =	vsel vm5, $0x3F800000, v4;
	v10 =	vadd.f32 v22, v10;
	[sflag:s11] =	ssyncset.done $0x0  }
0xd9: {  	s31 =	simm.s32 $0x0;
	v17 =	vsel vm6, $0x3F800000, v4;
	v9 =	vadd.f32 v9, v15;
	[tilespmem:$0x1FFA0] =	vst v7;
	v7 =	vld [tilespmem:$0x1FFC0];
	[sflag:s11] =	ssyncadd.s32 $0xFFFF8000  }
0xda: {  	v6 =	vsel vm1, $0x3F800000, v4;
	v10 =	vadd.f32 v17, v10;
	v15 =	vld [tilespmem:s31+$0x8180]  }
0xdb: {  	v6 =	vadd.f32 v6, v9;
	v24 =	vmul.f32 v26, v31;
	v31 =	vmul.f32 v30, v37;
	v17 =	vld [tilespmem:s31+$0x8190]  }
0xdc: {  	v8 =	vsel vm3, $0x3F800000, v4;
	v53 =	vmul.f32 v30, v38;
	v16 =	vmul.f32 v30, v16;
	v20 =	vld [tilespmem:s31+$0x81B0]  }
0xdd: {  	v18 =	vmul.f32 v30, v18;
	v29 =	vmul.f32 v28, v42;
	[tilespmem:$0x1FF80] =	vst v6;
	v6 =	vadd.f32 v8, v10;
	v21 =	vld [tilespmem:s31+$0x8100]  }
0xde: {  	v22 =	vmul.f32 v25, v39;
	[tilespmem:$0x1FF70] =	vst v5;
	v5 =	vmul.f32 v28, v43;
	v30 =	vld [tilespmem:s31+$0x80B0]  }
0xdf: {  	v11 =	vadd.f32 v29, v11;
	v29 =	vmul.f32 v25, v32;
	[tilespmem:$0x1FF90] =	vst v6;
	v6 =	vmul.f32 v28, v44;
	v32 =	vld [tilespmem:s31+$0x8010]  }
0xe0: {  	v23 =	vmul.f32 v28, v41;
	v28 =	vmul.f32 v25, v33;
	v5 =	vadd.f32 v5, v63;
	v34 =	vld [tilespmem:s31+$0x8020]  }
0xe1: {  	v45 =	vmul.f32 v26, v35;
	v36 =	vld [tilespmem:s31+$0x8030];
	v11 =	vadd.f32 v22, v11;
	v6 =	vadd.f32 v6, v62  }
0xe2: {  	v27 =	vmul.f32 v25, v40;
	v25 =	vld [tilespmem:s31+$0x8120];
	v5 =	vadd.f32 v28, v5;
	v8 =	vadd.f32 v23, v7  }
0xe3: {  	v13 =	vmul.f32 v26, v14;
	v19 =	vld [tilespmem:s31+$0x81A0];
	v38 =	vadd.f32 v53, v11;
	v6 =	vadd.f32 v29, v6  }
0xe4: {  	v7 =	vld [tilespmem:$0x1FFF0];
	v41 =	vadd.f32 v16, v5;
	v22 =	vmul.f32 $1.442695020e+00, v15;
	v54 =	vmul.f32 $1.442695020e+00, v17  }
0xe5: {  	v23 =	vld [tilespmem:s31+$0x8110];
	v8 =	vadd.f32 v27, v8;
	v55 =	vmul.f32 $1.442695020e+00, v20;
	v11 =	vmul.f32 $1.442695020e+00, v21  }
0xe6: {  	v29 =	vld [tilespmem:s31+$0x80A0];
	v58 =	vmul.f32 $1.442695020e+00, v30;
	v61 =	vmul.f32 $1.442695020e+00, v32;
	v62 =	vmax.f32 v34, v36  }
0xe7: {  	v27 =	vld [tilespmem:s31+$0x8130];
	v63 =	vmul.f32 $1.442695020e+00, v34;
	v42 =	vadd.f32 v18, v6;
	v6 =	vmul.f32 $1.442695020e+00, v25  }
0xe8: {  	v18 =	vmax.f32 v15, v17;
	v37 =	vadd.f32 v31, v8;
	v8 =	vmul.f32 $1.442695020e+00, v19  }
0xe9: {  	v28 =	vld [tilespmem:s31+$0x8090];
	v13 =	vadd.f32 v13, v41;
	(erf) = vpow2.f32 v22;
	v14 =	vmul.f32 v26, v7  }
0xea: {  	v22 =	vmax.f32 v19, v20;
	v5 =	vmul.f32 $1.442695020e+00, v23;
	(erf) = vpow2.f32 v54  }
0xeb: {  	v31 =	vld [tilespmem:s31+$0x8000];
	v56 =	vmax.f32 v21, v23;
	v18 =	vmax.f32 v18, v22;
	(erf) = vpow2.f32 v8  }
0xec: {  	v26 =	vld [tilespmem:s31+$0x8080];
	v59 =	vmax.f32 v29, v30;
	v49 =	vperm.xlane v18, v0;
	v8 =	vmul.f32 $1.442695020e+00, v27  }
0xed: {  	(erf) = vpow2.f32 v55;
	v57 =	vmax.f32 v25, v27;
	v14 =	vadd.f32 v14, v42  }
0xee: {  	(erf) = vpow2.f32 v11;
	v11 =	vmul.f32 $1.442695020e+00, v28;
	v48 =	vmax.f32 v56, v57  }
0xef: {  	v52 =	vmax.f32 v18, v49;
	(erf) = vpow2.f32 v5;
	v5 =	vmul.f32 $1.442695020e+00, v29  }
0xf0: {  	v60 =	vmax.f32 v31, v32;
	v50 =	vperm.xlane v48, v0;
	v53 =	vperm.xlane v52, v1  }
0xf1: {  	v16 =	vmul.f32 $1.442695020e+00, v26;
	(erf) = vpow2.f32 v6;
	v6 =	vmax.f32 v26, v28  }
0xf2: {  	v43 =	vmax.f32 v60, v62;
	v62 =	vadd.f32 v24, v37;
	(erf) = vpow2.f32 v8  }
0xf3: {  	v8 =	vmul.f32 $1.442695020e+00, v31;
	v6 =	vmax.f32 v6, v59;
	v46 =	vperm.xlane v43, v0  }
0xf4: {  	v40 =	vmax.f32 v48, v50;
	(erf) = vpow2.f32 v16;
	v51 =	vperm.xlane v6, v0  }
0xf5: {  	v55 =	vperm.xlane v40, v1;
	(erf) = vpow2.f32 v11;
	v43 =	vmax.f32 v43, v46  }
0xf6: {  	(erf) = vpow2.f32 v5;
	v5 =	vmul.f32 $1.442695020e+00, v36;
	v44 =	vmax.f32 v6, v51  }
0xf7: {  	v6 =	vadd.f32 v45, v38;
	v56 =	vperm.xlane v43, v1;
	v57 =	vmax.f32 v40, v55  }
0xf8: {  	v16 =	vpop (erf);
	(erf) = vpow2.f32 v58;
	v54 =	vperm.xlane v44, v1;
	v58 =	vmax.f32 v52, v53  }
0xf9: {  	v22 =	vpop (erf);
	v59 =	vperm.xlane v57, v2;
	(erf) = vpow2.f32 v8;
	v43 =	vmax.f32 v43, v56  }
0xfa: {  	v8 =	vpop (erf);
	v48 =	vperm.xlane v58, v2;
	v51 =	vadd.f32 v22, v16;
	(erf) = vpow2.f32 v61  }
0xfb: {  	v44 =	vmax.f32 v44, v54;
	v60 =	vperm.xlane v43, v2;
	v45 =	vmax.f32 v57, v59  }
0xfc: {  	v11 =	vpop (erf);
	(erf) = vpow2.f32 v63;
	v61 =	vperm.xlane v44, v2;
	v46 =	vmax.f32 v58, v48  }
0xfd: {  	v33 =	vpop (erf);
	v50 =	vperm.xlane v45, v3;
	v52 =	vadd.f32 v11, v8;
	(erf) = vpow2.f32 v5  }
0xfe: {  	v35 =	vpop (erf);
	v47 =	vmax.f32 v43, v60;
	v49 =	vperm.xlane v46, v3;
	v48 =	vmax.f32 v44, v61  }
0xff: {  	v54 =	vadd.f32 v35, v33;
	v56 =	vperm.xlane v47, v3;
	v50 =	vmax.f32 v45, v50  }
0x100: {  	v18 =	vpop (erf);
	v53 =	vperm.xlane v48, v3;
	v49 =	vmax.f32 v46, v49;
	v46 =	vadd.f32 v52, v51  }
0x101: {  	v24 =	vpop (erf);
	vm5 =	veq.f32 v21, v50;
	vm8 =	veq.f32 v23, v50;
	vm9 =	veq.f32 v25, v50  }
0x102: {  	vm10 =	veq.f32 v27, v50;
	v55 =	vadd.f32 v24, v18;
	v63 =	vmax.f32 v47, v56  }
0x103: {  	v39 =	vpop (erf);
	vm3 =	veq.f32 v15, v49;
	vm4 =	veq.f32 v17, v49;
	vm6 =	veq.f32 v19, v49  }
0x104: {  	vm7 =	veq.f32 v20, v49;
	v52 =	vsel vm5, $0xFF61B1E6, v21;
	v40 =	vpop (erf);
	v53 =	vmax.f32 v48, v53  }
0x105: {  	vm14 =	veq.f32 v31, v63;
	vm1 =	veq.f32 v32, v63;
	vm2 =	veq.f32 v34, v63;
	v37 =	vpop (erf)  }
0x106: {  	vm0 =	veq.f32 v36, v63;
	v49 =	vsel vm3, $0xFF61B1E6, v15;
	v50 =	vsel vm4, $0xFF61B1E6, v17;
	v38 =	vpop (erf)  }
0x107: {  	v51 =	vsel vm6, $0xFF61B1E6, v19;
	v57 =	vadd.f32 v40, v39;
	v48 =	vadd.f32 v55, v54;
	v41 =	vpop (erf)  }
0x108: {  	vm11 =	veq.f32 v26, v53;
	vm12 =	veq.f32 v28, v53;
	vm13 =	veq.f32 v29, v53;
	v42 =	vpop (erf)  }
0x109: {  	vm15 =	veq.f32 v30, v53;
	v54 =	vsel vm7, $0xFF61B1E6, v20;
	v55 =	vsel vm8, $0xFF61B1E6, v23;
	v43 =	vpop (erf)  }
0x10a: {  	v53 =	vsel vm9, $0xFF61B1E6, v25;
	v61 =	vsel vm12, $0xFF61B1E6, v28;
	v58 =	vadd.f32 v38, v37;
	v44 =	vpop (erf)  }
0x10b: {  	v56 =	vsel vm13, $0xFF61B1E6, v29;
	v59 =	vadd.f32 v42, v41;
	v60 =	vadd.f32 v44, v43  }
0x10c: {  	v47 =	vadd.f32 v58, v57;
	v58 =	vsel vm14, $0xFF61B1E6, v31;
	v57 =	vsel vm15, $0xFF61B1E6, v30  }
0x10d: {  	s16 =	simm.s32 $0x800;
	v45 =	vadd.f32 v60, v59;
	v60 =	vsel vm11, $0xFF61B1E6, v26;
	v59 =	vsel vm10, $0xFF61B1E6, v27  }
.LBB2_5:
0x10e: {  	[tilespmem:$0x1FF60] =	vst v11;
	v11 =	vmov v8;
	v8 =	vmov v14;
	v14 =	vmov v13  }
0x10f: {  	v13 =	vmovc v6;
	v6 =	vmovc v62;
	v62 =	vsel vm1, $0xFF61B1E6, v32;
	v63 =	vsel vm2, $0xFF61B1E6, v34;
	v9 =	vsel vm0, $0xFF61B1E6, v36  }
0x110: {  	v49 =	vmax.f32 v49, v50;
	v50 =	vmax.f32 v51, v54;
	v60 =	vmax.f32 v60, v61  }
0x111: {  	v52 =	vmax.f32 v52, v55;
	v7 =	vperm.xlane v46, v0;
	v10 =	vperm.xlane v47, v0  }
0x112: {  	v53 =	vmax.f32 v53, v59;
	v12 =	vperm.xlane v48, v0;
	v5 =	vperm.xlane v45, v0  }
0x113: {  	v61 =	vmax.f32 v58, v62;
	v9 =	vmax.f32 v63, v9;
	v62 =	vmax.f32 v56, v57  }
0x114: {  	v52 =	vmax.f32 v52, v53;
	v49 =	vmax.f32 v49, v50;
	v51 =	vmax.f32 v60, v62  }
0x115: {  	v9 =	vmax.f32 v61, v9;
	v63 =	vperm.xlane v49, v0;
	v12 =	vadd.f32 v12, v48  }
0x116: {  	v7 =	vadd.f32 v7, v46;
	v10 =	vadd.f32 v10, v47;
	v46 =	vperm.xlane v52, v0  }
0x117: {  	v57 =	vperm.xlane v9, v0;
	v5 =	vadd.f32 v5, v45;
	v58 =	vperm.xlane v51, v0  }
0x118: {  	v59 =	vperm.xlane v12, v1;
	v60 =	vperm.xlane v7, v1  }
0x119: {  	v47 =	vmax.f32 v49, v63;
	v61 =	vperm.xlane v5, v1;
	v62 =	vperm.xlane v10, v1  }
0x11a: {  	v45 =	vmax.f32 v51, v58;
	v46 =	vmax.f32 v52, v46;
	v49 =	vperm.xlane v47, v1  }
0x11b: {  	v9 =	vmax.f32 v9, v57;
	v63 =	vperm.xlane v46, v1;
	v51 =	vperm.xlane v45, v1  }
0x11c: {  	v56 =	vperm.xlane v9, v1;
	v12 =	vadd.f32 v59, v12;
	v7 =	vadd.f32 v60, v7  }
0x11d: {  	v5 =	vadd.f32 v61, v5;
	v10 =	vadd.f32 v62, v10;
	v47 =	vmax.f32 v47, v49  }
0x11e: {  	v46 =	vmax.f32 v46, v63;
	v61 =	vperm.xlane v47, v2;
	v57 =	vperm.xlane v7, v2  }
0x11f: {  	v45 =	vmax.f32 v45, v51;
	v58 =	vperm.xlane v10, v2;
	v59 =	vperm.xlane v12, v2  }
0x120: {  	v9 =	vmax.f32 v9, v56;
	v60 =	vperm.xlane v5, v2;
	v62 =	vperm.xlane v45, v2  }
0x121: {  	v63 =	vperm.xlane v46, v2;
	v56 =	vperm.xlane v9, v2  }
0x122: {  	v47 =	vmax.f32 v47, v61;
	v7 =	vadd.f32 v57, v7;
	v10 =	vadd.f32 v58, v10  }
0x123: {  	v12 =	vadd.f32 v59, v12;
	v45 =	vmax.f32 v45, v62;
	v46 =	vmax.f32 v46, v63  }
0x124: {  	v9 =	vmax.f32 v9, v56;
	v57 =	vperm.xlane v47, v3;
	v48 =	vperm.xlane v46, v3  }
0x125: {  	v5 =	vadd.f32 v60, v5;
	v58 =	vperm.xlane v9, v3;
	v59 =	vperm.xlane v45, v3  }
0x126: {  	v60 =	vperm.xlane v12, v3;
	v61 =	vperm.xlane v7, v3  }
0x127: {  	v62 =	vperm.xlane v5, v3;
	v63 =	vperm.xlane v10, v3  }
0x128: {  	v47 =	vmax.f32 v47, v57;
	v45 =	vmax.f32 v45, v59;
	v46 =	vmax.f32 v46, v48  }
0x129: {  	v9 =	vmax.f32 v9, v58;
	vm0 =	vge.f32 v15, v47;
	vm1 =	vge.f32 v17, v47  }
0x12a: {  	vm3 =	vge.f32 v19, v47;
	v7 =	vadd.f32 v61, v7;
	v10 =	vadd.f32 v63, v10  }
0x12b: {  	vm4 =	vge.f32 v20, v47;
	v12 =	vadd.f32 v60, v12;
	v5 =	vadd.f32 v62, v5  }
0x12c: {  	vm2 =	vge.f32 v21, v46;
	vm5 =	vge.f32 v23, v46;
	vm6 =	vge.f32 v25, v46  }
0x12d: {  	v56 =	vld [tilespmem:$0x1FF70];
	vm7 =	vge.f32 v26, v45;
	vm8 =	vge.f32 v27, v46;
	vm9 =	vge.f32 v28, v45  }
0x12e: {  	vm10 =	vge.f32 v29, v45;
	vm11 =	vge.f32 v30, v45;
	vm12 =	vge.f32 v31, v9  }
0x12f: {  	v57 =	vld [tilespmem:$0x1FF80];
	vm13 =	vge.f32 v32, v9;
	vm14 =	vge.f32 v34, v9;
	(erf) = vrcp.f32 v7  }
0x130: {  	vm15 =	vge.f32 v36, v9;
	v9 =	vsel vm1, $0x3F800000, v4;
	(erf) = vrcp.f32 v12  }
0x131: {  	v59 =	vld [tilespmem:$0x1FF90];
	v17 =	vsel vm4, $0x3F800000, v4;
	v26 =	vsel vm12, $0x3F800000, v4;
	(erf) = vrcp.f32 v10  }
0x132: {  	v61 =	vld [tilespmem:$0x1FFA0];
	v15 =	vsel vm7, $0x3F800000, v4;
	v26 =	vadd.f32 v26, v56;
	(erf) = vrcp.f32 v5  }
0x133: {  	v19 =	vsel vm6, $0x3F800000, v4;
	v20 =	vsel vm8, $0x3F800000, v4;
	v27 =	vsel vm13, $0x3F800000, v4  }
0x134: {  	s17 =	sshra.s32 s16, $0x2;
	v21 =	vsel vm9, $0x3F800000, v4;
	v27 =	vadd.f32 v27, v57;
	v15 =	vadd.f32 v15, v26  }
0x135: {  	v32 =	vld [tilespmem:s17+$0x8010];
	v28 =	vsel vm14, $0x3F800000, v4;
	v30 =	vsel vm15, $0x3F800000, v4;
	v5 =	vsel vm2, $0x3F800000, v4  }
0x136: {  	v34 =	vld [tilespmem:s17+$0x8020];
	v7 =	vsel vm0, $0x3F800000, v4;
	v21 =	vadd.f32 v21, v27;
	v5 =	vadd.f32 v5, v15  }
0x137: {  	v12 =	vsel vm5, $0x3F800000, v4;
	v60 =	vadd.f32 v28, v59;
	v30 =	vadd.f32 v30, v61  }
0x138: {  	v23 =	vsel vm10, $0x3F800000, v4;
	v12 =	vadd.f32 v12, v21;
	v5 =	vadd.f32 v7, v5;
	v29 =	vpop (erf)  }
0x139: {  	v25 =	vsel vm11, $0x3F800000, v4;
	v10 =	vsel vm3, $0x3F800000, v4;
	v23 =	vadd.f32 v23, v60;
	v31 =	vpop (erf)  }
0x13a: {  	v46 =	vmul.f32 $1.442695020e+00, v32;
	v25 =	vadd.f32 v25, v30;
	[tilespmem:$0x1FF70] =	vst v5;
	v5 =	vadd.f32 v9, v12;
	v63 =	vpop (erf)  }
0x13b: {  	v47 =	vmul.f32 $1.442695020e+00, v34;
	v19 =	vadd.f32 v19, v23;
	v16 =	vmul.f32 v29, v16;
	v28 =	vpop (erf)  }
0x13c: {  	v20 =	vadd.f32 v20, v25;
	[tilespmem:$0x1FF80] =	vst v5;
	v23 =	vmul.f32 v28, v43;
	v5 =	vmul.f32 v28, v44  }
0x13d: {  	v15 =	vld [tilespmem:s17+$0x8180];
	v7 =	vadd.f32 v10, v19;
	v58 =	vmul.f32 v31, v33;
	v9 =	vmul.f32 v63, v37  }
0x13e: {  	v19 =	vld [tilespmem:s17+$0x81A0];
	v12 =	vmul.f32 v63, v38;
	v10 =	vadd.f32 v23, v14;
	v5 =	vadd.f32 v5, v8  }
0x13f: {  	[tilespmem:$0x1FF90] =	vst v7;
	v7 =	vadd.f32 v17, v20;
	v17 =	vld [tilespmem:s17+$0x8190];
	v30 =	vmul.f32 v28, v41;
	v21 =	vmul.f32 v28, v42  }
0x140: {  	v20 =	vld [tilespmem:s17+$0x81B0];
	v9 =	vadd.f32 v9, v10;
	v5 =	vadd.f32 v12, v5;
	v10 =	vmul.f32 v31, v24  }
0x141: {  	v62 =	vmul.f32 v31, v35;
	v26 =	vmul.f32 v63, v39;
	[tilespmem:$0x1FFA0] =	vst v7;
	v7 =	vadd.f32 v30, v6  }
0x142: {  	v27 =	vmul.f32 v63, v40;
	v6 =	vadd.f32 v21, v13;
	v5 =	vadd.f32 v10, v5;
	v10 =	vld [tilespmem:$0x1FF60]  }
0x143: {  	v8 =	vmul.f32 v29, v11;
	v11 =	vmul.f32 $1.442695020e+00, v15  }
0x144: {  	v13 =	vmul.f32 v31, v18;
	v30 =	vld [tilespmem:s17+$0x80B0];
	v7 =	vadd.f32 v26, v7;
	v6 =	vadd.f32 v27, v6  }
0x145: {  	v21 =	vld [tilespmem:s17+$0x8100];
	(erf) = vpow2.f32 v11;
	v11 =	vmax.f32 v15, v17;
	v12 =	vmax.f32 v19, v20  }
0x146: {  	v22 =	vmul.f32 v29, v22;
	v23 =	vld [tilespmem:s17+$0x8110];
	v12 =	vmax.f32 v11, v12;
	v7 =	vadd.f32 v58, v7  }
0x147: {  	v25 =	vld [tilespmem:s17+$0x8120];
	v6 =	vadd.f32 v62, v6;
	v9 =	vadd.f32 v13, v9;
	v10 =	vmul.f32 v29, v10  }
0x148: {  	v27 =	vld [tilespmem:s17+$0x8130];
	v48 =	vperm.xlane v12, v0;
	v62 =	vadd.f32 v16, v7;
	v7 =	vmul.f32 $1.442695020e+00, v17  }
0x149: {  	v26 =	vld [tilespmem:s17+$0x8080];
	v43 =	vmul.f32 $1.442695020e+00, v30;
	v14 =	vadd.f32 v10, v5;
	v5 =	vmul.f32 $1.442695020e+00, v19  }
0x14a: {  	v31 =	vld [tilespmem:s17+$0x8000];
	v13 =	vadd.f32 v8, v9;
	v8 =	vmul.f32 $1.442695020e+00, v20;
	(erf) = vpow2.f32 v7  }
0x14b: {  	v28 =	vld [tilespmem:s17+$0x8090];
	v18 =	vmax.f32 v21, v23;
	v9 =	vmul.f32 $1.442695020e+00, v21;
	(erf) = vpow2.f32 v5  }
0x14c: {  	v6 =	vadd.f32 v22, v6;
	v29 =	vld [tilespmem:s17+$0x80A0];
	v10 =	vmul.f32 $1.442695020e+00, v23;
	(erf) = vpow2.f32 v8  }
0x14d: {  	v36 =	vld [tilespmem:s17+$0x8030];
	v12 =	vmax.f32 v12, v48;
	v7 =	vmul.f32 $1.442695020e+00, v25;
	(erf) = vpow2.f32 v9  }
0x14e: {  	v24 =	vmax.f32 v25, v27;
	v5 =	vmul.f32 $1.442695020e+00, v27;
	(erf) = vpow2.f32 v10  }
0x14f: {  	v45 =	vmax.f32 v31, v32;
	v8 =	vmul.f32 $1.442695020e+00, v26;
	(erf) = vpow2.f32 v7  }
0x150: {  	v24 =	vmax.f32 v18, v24;
	v9 =	vmul.f32 $1.442695020e+00, v28;
	(erf) = vpow2.f32 v5  }
0x151: {  	v44 =	vmax.f32 v29, v30;
	v10 =	vmul.f32 $1.442695020e+00, v29;
	(erf) = vpow2.f32 v8  }
0x152: {  	v5 =	vmul.f32 $1.442695020e+00, v31;
	(erf) = vpow2.f32 v9;
	v9 =	vmax.f32 v34, v36  }
0x153: {  	v16 =	vpop (erf);
	(erf) = vpow2.f32 v10;
	v10 =	vmul.f32 $1.442695020e+00, v36;
	v9 =	vmax.f32 v45, v9  }
0x154: {  	v7 =	vmax.f32 v26, v28;
	v22 =	vpop (erf);
	(erf) = vpow2.f32 v43;
	v50 =	vperm.xlane v9, v0  }
0x155: {  	v8 =	vpop (erf);
	(erf) = vpow2.f32 v5;
	v5 =	vmax.f32 v7, v44;
	v7 =	vperm.xlane v24, v0  }
0x156: {  	v11 =	vpop (erf);
	(erf) = vpow2.f32 v46;
	v49 =	vperm.xlane v5, v0;
	v9 =	vmax.f32 v9, v50  }
0x157: {  	v33 =	vpop (erf);
	v46 =	vadd.f32 v22, v16;
	(erf) = vpow2.f32 v47;
	v7 =	vmax.f32 v24, v7  }
0x158: {  	v35 =	vpop (erf);
	v53 =	vperm.xlane v9, v1;
	v47 =	vadd.f32 v11, v8;
	(erf) = vpow2.f32 v10  }
0x159: {  	v18 =	vpop (erf);
	v5 =	vmax.f32 v5, v49;
	v10 =	vperm.xlane v12, v1;
	v52 =	vperm.xlane v7, v1  }
0x15a: {  	v49 =	vadd.f32 v35, v33;
	v24 =	vpop (erf);
	v51 =	vperm.xlane v5, v1;
	v9 =	vmax.f32 v9, v53  }
0x15b: {  	v46 =	vadd.f32 v47, v46;
	v39 =	vpop (erf);
	v7 =	vmax.f32 v7, v52;
	v10 =	vmax.f32 v12, v10  }
0x15c: {  	v55 =	vperm.xlane v9, v2;
	v40 =	vpop (erf);
	v5 =	vmax.f32 v5, v51;
	v12 =	vperm.xlane v7, v2  }
0x15d: {  	v57 =	vadd.f32 v24, v18;
	v54 =	vperm.xlane v10, v2;
	v37 =	vpop (erf);
	v56 =	vperm.xlane v5, v2  }
0x15e: {  	v9 =	vmax.f32 v9, v55;
	v59 =	vadd.f32 v40, v39;
	v38 =	vpop (erf);
	v7 =	vmax.f32 v7, v12  }
0x15f: {  	v10 =	vmax.f32 v10, v54;
	v58 =	vperm.xlane v9, v3;
	v41 =	vpop (erf);
	v5 =	vmax.f32 v5, v56  }
0x160: {  	v12 =	vperm.xlane v10, v3;
	v45 =	vperm.xlane v7, v3;
	v60 =	vadd.f32 v38, v37;
	v42 =	vpop (erf)  }
0x161: {  	v48 =	vperm.xlane v5, v3;
	v9 =	vmax.f32 v9, v58;
	v61 =	vadd.f32 v42, v41  }
0x162: {  	v10 =	vmax.f32 v10, v12;
	v7 =	vmax.f32 v7, v45;
	v47 =	vadd.f32 v60, v59  }
0x163: {  	vm14 =	veq.f32 v31, v9;
	vm1 =	veq.f32 v32, v9;
	vm2 =	veq.f32 v34, v9  }
0x164: {  	vm0 =	veq.f32 v36, v9;
	v5 =	vmax.f32 v5, v48;
	v48 =	vadd.f32 v57, v49  }
0x165: {  	vm3 =	veq.f32 v15, v10;
	vm4 =	veq.f32 v17, v10;
	vm5 =	veq.f32 v21, v7  }
0x166: {  	v43 =	vpop (erf);
	vm6 =	veq.f32 v19, v10;
	vm7 =	veq.f32 v20, v10;
	vm8 =	veq.f32 v23, v7  }
0x167: {  	v44 =	vpop (erf);
	vm9 =	veq.f32 v25, v7;
	vm10 =	veq.f32 v27, v7;
	v58 =	vsel vm14, $0xFF61B1E6, v31  }
0x168: {  	p0 =	sne.s32 s16, $0x1F800;
	v63 =	vadd.f32 v44, v43;
	vm11 =	veq.f32 v26, v5;
	vm12 =	veq.f32 v28, v5  }
.Ltmp1:
0x169: {  	vm13 =	veq.f32 v29, v5;
	vm15 =	veq.f32 v30, v5;
	v49 =	vsel vm3, $0xFF61B1E6, v15;
	(pc) =	sbr.rel @p0 .LBB2_5-.Ltmp1, $4  }
0x16a: {  	v50 =	vsel vm4, $0xFF61B1E6, v17;
	v51 =	vsel vm6, $0xFF61B1E6, v19;
	v54 =	vsel vm7, $0xFF61B1E6, v20  }
0x16b: {  	v52 =	vsel vm5, $0xFF61B1E6, v21;
	v55 =	vsel vm8, $0xFF61B1E6, v23;
	v53 =	vsel vm9, $0xFF61B1E6, v25  }
0x16c: {  	v59 =	vsel vm10, $0xFF61B1E6, v27;
	v60 =	vsel vm11, $0xFF61B1E6, v26;
	v56 =	vsel vm13, $0xFF61B1E6, v29  }
0x16d: {  	s16 =	sadd.s32 $0x800, s16;
	v57 =	vsel vm15, $0xFF61B1E6, v30;
	v45 =	vadd.f32 v63, v61;
	v61 =	vsel vm12, $0xFF61B1E6, v28  }
0x16e: {  	v5 =	vmax.f32 v49, v50  }
0x16f: {  	v7 =	vmax.f32 v51, v54;
	v9 =	vmax.f32 v60, v61;
	v10 =	vmax.f32 v52, v55  }
0x170: {  	v12 =	vsel vm1, $0xFF61B1E6, v32;
	v59 =	vmax.f32 v53, v59;
	v60 =	vsel vm2, $0xFF61B1E6, v34  }
0x171: {  	v61 =	vsel vm0, $0xFF61B1E6, v36;
	v63 =	vperm.xlane v46, v0;
	v56 =	vmax.f32 v56, v57  }
0x172: {  	v57 =	vperm.xlane v47, v0;
	v12 =	vmax.f32 v58, v12;
	v50 =	vmax.f32 v60, v61  }
0x173: {  	v5 =	vmax.f32 v5, v7;
	v7 =	vperm.xlane v48, v0;
	v9 =	vmax.f32 v9, v56  }
0x174: {  	v10 =	vmax.f32 v10, v59;
	v59 =	vperm.xlane v45, v0;
	v58 =	vperm.xlane v5, v0  }
0x175: {  	v12 =	vmax.f32 v12, v50;
	v46 =	vadd.f32 v63, v46;
	v60 =	vperm.xlane v10, v0  }
0x176: {  	v47 =	vadd.f32 v57, v47;
	v63 =	vperm.xlane v9, v0;
	v5 =	vmax.f32 v5, v58  }
0x177: {  	v7 =	vadd.f32 v7, v48;
	v49 =	vperm.xlane v12, v0;
	v61 =	vperm.xlane v5, v1  }
0x178: {  	v45 =	vadd.f32 v59, v45;
	v57 =	vperm.xlane v46, v1;
	v10 =	vmax.f32 v10, v60  }
0x179: {  	v59 =	vperm.xlane v47, v1;
	v56 =	vperm.xlane v7, v1;
	v5 =	vmax.f32 v5, v61  }
0x17a: {  	v9 =	vmax.f32 v9, v63;
	v48 =	vperm.xlane v10, v1;
	v50 =	vperm.xlane v5, v2  }
0x17b: {  	v58 =	vperm.xlane v45, v1;
	v60 =	vperm.xlane v9, v1;
	v12 =	vmax.f32 v12, v49  }
0x17c: {  	v46 =	vadd.f32 v57, v46;
	v47 =	vadd.f32 v59, v47;
	v5 =	vmax.f32 v5, v50  }
0x17d: {  	v7 =	vadd.f32 v56, v7;
	v10 =	vmax.f32 v10, v48;
	v63 =	vperm.xlane v5, v3  }
0x17e: {  	v45 =	vadd.f32 v58, v45;
	v9 =	vmax.f32 v9, v60;
	v61 =	vperm.xlane v10, v2  }
0x17f: {  	v53 =	vperm.xlane v46, v2;
	v54 =	vperm.xlane v7, v2;
	v5 =	vmax.f32 v5, v63  }
0x180: {  	v55 =	vperm.xlane v45, v2;
	v10 =	vmax.f32 v10, v61;
	vm4 =	vge.f32 v15, v5  }
0x181: {  	v15 =	vperm.xlane v12, v1;
	vm2 =	vge.f32 v17, v5;
	vm1 =	vge.f32 v19, v5  }
0x182: {  	vm0 =	vge.f32 v20, v5;
	v5 =	vperm.xlane v9, v2;
	v20 =	vperm.xlane v10, v3  }
0x183: {  	v7 =	vadd.f32 v54, v7;
	v17 =	vadd.f32 v55, v45;
	v12 =	vmax.f32 v12, v15  }
0x184: {  	v15 =	vadd.f32 v53, v46;
	v5 =	vmax.f32 v9, v5;
	v9 =	vmax.f32 v10, v20  }
0x185: {  	v10 =	vperm.xlane v47, v2;
	vm6 =	vge.f32 v21, v9;
	vm7 =	vge.f32 v23, v9  }
0x186: {  	v56 =	vperm.xlane v12, v2;
	vm5 =	vge.f32 v25, v9;
	v20 =	vperm.xlane v5, v3  }
0x187: {  	vm3 =	vge.f32 v27, v9;
	v9 =	vperm.xlane v7, v3;
	v21 =	vperm.xlane v15, v3  }
0x188: {  	v10 =	vadd.f32 v10, v47;
	v12 =	vmax.f32 v12, v56;
	v5 =	vmax.f32 v5, v20  }
0x189: {  	v7 =	vadd.f32 v9, v7;
	v20 =	vperm.xlane v17, v3;
	v15 =	vadd.f32 v21, v15  }
0x18a: {  	vm8 =	vge.f32 v26, v5;
	v9 =	vperm.xlane v10, v3;
	vm9 =	vge.f32 v28, v5  }
0x18b: {  	v57 =	vld [tilespmem:$0x1FF70];
	v19 =	vperm.xlane v12, v3;
	vm10 =	vge.f32 v29, v5;
	vm11 =	vge.f32 v30, v5  }
0x18c: {  	v59 =	vld [tilespmem:$0x1FF80];
	v60 =	vsel vm9, $0x3F800000, v4;
	v5 =	vadd.f32 v9, v10;
	(erf) = vrcp.f32 v15  }
0x18d: {  	v9 =	vmax.f32 v12, v19;
	v10 =	vadd.f32 v20, v17;
	v20 =	vld [tilespmem:$0x1FF90];
	(erf) = vrcp.f32 v7  }
0x18e: {  	v21 =	vld [tilespmem:$0x1FFA0];
	vm12 =	vge.f32 v31, v9;
	vm13 =	vge.f32 v32, v9;
	vm14 =	vge.f32 v34, v9  }
0x18f: {  	vm15 =	vge.f32 v36, v9;
	v7 =	vsel vm6, $0x3F800000, v4;
	(erf) = vrcp.f32 v5  }
0x190: {  	v9 =	vsel vm7, $0x3F800000, v4;
	v12 =	vsel vm12, $0x3F800000, v4;
	(erf) = vrcp.f32 v10  }
0x191: {  	v15 =	vsel vm13, $0x3F800000, v4;
	v58 =	vsel vm14, $0x3F800000, v4;
	v12 =	vadd.f32 v12, v57  }
0x192: {  	v15 =	vadd.f32 v15, v59;
	v17 =	vadd.f32 v58, v20;
	v20 =	vsel vm15, $0x3F800000, v4  }
0x193: {  	v5 =	vsel vm4, $0x3F800000, v4;
	v10 =	vsel vm8, $0x3F800000, v4;
	v20 =	vadd.f32 v20, v21  }
0x194: {  	v10 =	vadd.f32 v10, v12;
	v15 =	vadd.f32 v60, v15;
	v21 =	vsel vm10, $0x3F800000, v4  }
0x195: {  	v12 =	vsel vm11, $0x3F800000, v4;
	v17 =	vadd.f32 v21, v17;
	v21 =	vsel vm5, $0x3F800000, v4  }
0x196: {  	v7 =	vadd.f32 v7, v10;
	v10 =	vsel vm3, $0x3F800000, v4;
	v12 =	vadd.f32 v12, v20;
	v61 =	vpop (erf)  }
0x197: {  	v9 =	vadd.f32 v9, v15;
	v17 =	vadd.f32 v21, v17;
	v21 =	vsel vm2, $0x3F800000, v4;
	v20 =	vpop (erf)  }
0x198: {  	v23 =	vadd.f32 v10, v12;
	v12 =	vadd.f32 v5, v7;
	v5 =	vsel vm1, $0x3F800000, v4;
	v15 =	vpop (erf)  }
0x199: {  	v27 =	vadd.f32 v21, v9;
	v8 =	vmul.f32 v61, v8;
	v63 =	vmul.f32 v20, v24;
	v10 =	vpop (erf)  }
0x19a: {  	v9 =	vsel vm0, $0x3F800000, v4;
	v7 =	vmul.f32 v10, v41;
	v21 =	vmul.f32 v10, v42  }
0x19b: {  	v23 =	vadd.f32 v9, v23;
	v25 =	vmul.f32 v10, v43;
	v26 =	vmul.f32 v10, v44  }
0x19c: {  	v10 =	vadd.f32 v5, v17;
	v5 =	vadd.f32 v7, v62;
	v7 =	vmul.f32 v15, v39  }
0x19d: {  	v9 =	vadd.f32 v25, v13;
	v13 =	vadd.f32 v26, v14;
	v14 =	vmul.f32 v15, v40  }
0x19e: {  	v62 =	vmul.f32 v15, v37;
	v15 =	vmul.f32 v15, v38  }
0x19f: {  	s15 =	sadd.s32 $0x1, s15;
	v6 =	vadd.f32 v21, v6;
	v5 =	vadd.f32 v7, v5;
	v7 =	vmul.f32 v20, v33  }
0x1a0: {  	p0 =	sne.s32 s15, $0x10;
	v9 =	vadd.f32 v62, v9;
	v13 =	vadd.f32 v15, v13;
	v15 =	vmul.f32 v20, v18  }
.Ltmp2:
0x1a1: {  	v6 =	vadd.f32 v14, v6;
	v14 =	vmul.f32 v20, v35;
	v5 =	vadd.f32 v7, v5;
	(pc) =	sbr.rel @p0 .LBB2_2-.Ltmp2, $4  }
0x1a2: {  	v7 =	vadd.f32 v15, v9;
	v13 =	vadd.f32 v63, v13;
	v15 =	vmul.f32 v61, v11  }
0x1a3: {  	v6 =	vadd.f32 v14, v6;
	v9 =	vmul.f32 v61, v16;
	v14 =	vmul.f32 v61, v22  }
0x1a4: {  	v63 =	vadd.f32 v8, v7;
	v62 =	vadd.f32 v15, v13  }
0x1a5: {  	v5 =	vadd.f32 v9, v5;
	v11 =	vadd.f32 v14, v6  }
0x1a6: {  	_ =	swait.ge [sflag:s4], $0x8000  }
0x1a7: {  	[sflag:s4] =	ssyncset.done $0x0  }
0x1a8: {  	[sflag:s4] =	ssyncadd.s32 $0xFFFF8000  }
0x1a9: {  	[tilespmem:$0x10000] =	vst v12  }
0x1aa: {  	[tilespmem:$0x10200] =	vst v5  }
0x1ab: {  	[tilespmem:$0x10080] =	vst v27  }
0x1ac: {  	[tilespmem:$0x10280] =	vst v11  }
0x1ad: {  	[tilespmem:$0x10100] =	vst v10  }
0x1ae: {  	s14 =	sadd.s32 $0x1, s14;
	[tilespmem:$0x10300] =	vst v63  }
0x1af: {  	p0 =	sne.s32 s14, s9;
	[tilespmem:$0x10180] =	vst v23  }
.Ltmp3:
0x1b0: {  	[tilespmem:$0x10380] =	vst v62;
	(pc) =	sbr.rel @p0 .LBB2_1-.Ltmp3, $4  }
0x1b1: {  	[hbm4b:s8+s2] =	stream.linear.scatter [tilespmem:s12], [sflag:$0x3], $0x400, $0x38;
	[tilespmem:$0x10400] =	vst v63  }
0x1b2: {  	_ =	swait.ge [sflag:s13], $0x400  }
0x1b3: {  	[sflag:s13] =	ssyncset.done $0x0  }
0x1b4: {  	[sflag:s13] =	ssyncadd.s32 $0xFFFFFC00  }
0x1b5: {  	_ =	sfence.sel $0x180000  }
0x1b6: {  	[bflag:$0x0] =	sbarrier.arrive $0xFFFF  }
0x1b7: {  	p0 =	sne.s32 s0, $0x0;
	_ =	strace $0x90000047  }
0x1b8: {  	s0 =	sadd.s32 @!p0 $0x100000, s3;
	[bflag:$0x2] =	sbarrier.arrive $0xFFFF  }
0x1b9: {  	[sflag:s0] =	ssyncadd.tile.s32 @!p0 $0x1;
	_ =	shalt  }
.Lfunc_end2:
_tile_overlayer_lowered:
.L_overlay_start_2:
0x1ba: {  	(tag) =	ssettag $0x2  }
0x1bb: {  	s0 =	rddreg [dreg:$0x0];
	s2 =	stileid.u32  }
0x1bc: {  	s1 =	rddreg [dreg:$0x1];
	p0 =	sne.s32 s2, $0x0  }
0x1bd: {  	s3 =	rddreg [dreg:$0x2];
	[bflag:$0x3] =	sbarrier.arrive $0xFFFF;
	s2 =	simm.s32 @!p0 $0x1C03  }
0x1be: {  	[timem:s3], [sflag:s2] =	dma.local @!p0 [hbm:s0], s1  }
0x1bf: {  	s0 =	simm.s32 @!p0 $0x3  }
0x1c0: {  	_ =	swait.ge @!p0 [sflag:s0], s1  }
0x1c1: {  	s1 =	ssub.s32 @!p0 $0x0, s1;
	[sflag:s0] =	ssyncset.done @!p0 $0x0  }
0x1c2: {  	[sflag:s0] =	ssyncadd.s32 @!p0 s1  }
0x1c3: {  	[bflag:$0x3] =	sbarrier.arrive $0xFFFF  }
0x1c4: {  	_ =	shalt  }

</sc_bundles>
